<compile_context>
chip_gen: v7x
topology: tpu7x:2x2x1
jax: 0.10.2.dev20260603
libtpu: 0.0.44.dev20260713+nightly
codegen_flags: <defaults>
</compile_context>

<pallas_src>
import jax
import jax.numpy as jnp
from jax import lax
from jax.experimental import pallas as pl
from jax.experimental.pallas import tpu as pltpu
from jax.experimental.pallas import tpu_sc as plsc

N_NODES = 10000
N_EDGES = 320000
D = 128
DH = D // 2

N_PAD = 10240
NC, NS = 2, 16
CHUNK = 128
CPT = 160
E_PAD = NS * CPT * CHUNK
ROWS_PER_SUB = N_PAD // NS

_MESH = plsc.VectorSubcoreMesh(core_axis_name="c", subcore_axis_name="s")



NBD = 8
CPTD = CPT // 2


def _deg_body(dst2d, ones_h, zeros_h, degp, dstv, onesv, zerov, degacc, semd):
    c = lax.axis_index("c")
    s = lax.axis_index("s")
    w = c * NS + s
    pltpu.sync_copy(dst2d.at[pl.ds(w * CPTD, CPTD)], dstv)
    pltpu.sync_copy(ones_h, onesv)
    pltpu.sync_copy(zeros_h, zerov)
    pltpu.sync_copy(zerov, degacc.at[pl.ds(s * ROWS_PER_SUB, ROWS_PER_SUB)])
    plsc.subcore_barrier()

    def grp(gi, carry):
        for k in range(NBD):
            j = gi * NBD + k

            @pl.when(j >= NBD)
            def _():
                pltpu.make_async_copy(
                    onesv, degacc.at[dstv.at[j - NBD]], semd.at[k]).wait()

            pltpu.async_copy(onesv, degacc.at[dstv.at[j]], semd.at[k],
                             add=True)
        return carry

    lax.fori_loop(0, CPTD // NBD, grp, 0)
    for k in range(NBD):
        j = CPTD - NBD + k
        pltpu.make_async_copy(onesv, degacc.at[dstv.at[j]], semd.at[k]).wait()
    plsc.subcore_barrier()
    pltpu.sync_copy(degacc.at[pl.ds(s * ROWS_PER_SUB, ROWS_PER_SUB)], zerov)
    pltpu.sync_copy(zerov, degp.at[c, pl.ds(s * ROWS_PER_SUB, ROWS_PER_SUB)])


_deg_call = pl.kernel(
    _deg_body,
    out_type=jax.ShapeDtypeStruct((NC, N_PAD), jnp.float32),
    mesh=_MESH,
    scratch_types=[
        pltpu.VMEM((CPTD, CHUNK), jnp.int32),
        pltpu.VMEM((CHUNK,), jnp.float32),
        pltpu.VMEM((ROWS_PER_SUB,), jnp.float32),
        pltpu.VMEM_SHARED((N_PAD,), jnp.float32),
        pltpu.SemaphoreType.DMA((NBD,)),
    ],
)



NBUF = 4
LAG = 2
IGRP = 16
NIGRP = CPT // IGRP


def _seg_body(g0, g1, src2d, dst2d, z2d_h, p3, srcb, dstb, rowsv, acc, table,
              semg, sems, semis, semid):
    c = lax.axis_index("c")
    s = lax.axis_index("s")
    ebase = s * CPT

    pltpu.sync_copy(z2d_h, rowsv.at[0])
    for r in range(ROWS_PER_SUB // CHUNK):
        sl = pl.ds(s * ROWS_PER_SUB + r * CHUNK, CHUNK)
        pltpu.sync_copy(rowsv.at[0], acc.at[sl])

    stg = pl.ds(s * ROWS_PER_SUB, ROWS_PER_SUB)

    @pl.when(c == 0)
    def _():
        pltpu.sync_copy(g0.at[stg], table.at[stg])

    @pl.when(c == 1)
    def _():
        pltpu.sync_copy(g1.at[stg], table.at[stg])

    plsc.subcore_barrier()

    pltpu.async_copy(src2d.at[pl.ds(ebase, IGRP)], srcb.at[0], semis.at[0])
    pltpu.async_copy(dst2d.at[pl.ds(ebase, IGRP)], dstb.at[0], semid.at[0])
    pltpu.make_async_copy(
        src2d.at[pl.ds(ebase, IGRP)], srcb.at[0], semis.at[0]).wait()
    pltpu.make_async_copy(
        dst2d.at[pl.ds(ebase, IGRP)], dstb.at[0], semid.at[0]).wait()
    for b in range(LAG):
        pltpu.async_copy(table.at[srcb.at[0, b]], rowsv.at[b], semg.at[b])

    def grp(gi, carry):
        bi = lax.rem(gi, 2)
        bn = lax.rem(gi + 1, 2)

        for k in range(IGRP):
            j = gi * IGRP + k
            b = k % NBUF
            bf = (b + LAG) % NBUF
            pltpu.make_async_copy(
                table.at[srcb.at[bi, k]], rowsv.at[b], semg.at[b]).wait()
            pltpu.async_copy(rowsv.at[b], acc.at[dstb.at[bi, k]], sems.at[b],
                             add=True)
            if k >= LAG:
                pltpu.make_async_copy(
                    rowsv.at[bf], acc.at[dstb.at[bi, k - LAG]],
                    sems.at[bf]).wait()
            else:
                @pl.when(j >= LAG)
                def _():
                    pltpu.make_async_copy(
                        rowsv.at[bf], acc.at[dstb.at[bn, k + IGRP - LAG]],
                        sems.at[bf]).wait()

            if k == LAG:
                @pl.when(gi + 1 < NIGRP)
                def _():
                    nb = ebase + (gi + 1) * IGRP
                    pltpu.async_copy(src2d.at[pl.ds(nb, IGRP)], srcb.at[bn],
                                     semis.at[bn])
                    pltpu.async_copy(dst2d.at[pl.ds(nb, IGRP)], dstb.at[bn],
                                     semid.at[bn])

            if k == IGRP - LAG:
                @pl.when(gi + 1 < NIGRP)
                def _():
                    nb = ebase + (gi + 1) * IGRP
                    pltpu.make_async_copy(
                        src2d.at[pl.ds(nb, IGRP)], srcb.at[bn],
                        semis.at[bn]).wait()
                    pltpu.make_async_copy(
                        dst2d.at[pl.ds(nb, IGRP)], dstb.at[bn],
                        semid.at[bn]).wait()

            if k + LAG < IGRP:
                pltpu.async_copy(table.at[srcb.at[bi, k + LAG]],
                                 rowsv.at[bf], semg.at[bf])
            else:
                @pl.when(gi + 1 < NIGRP)
                def _():
                    pltpu.async_copy(table.at[srcb.at[bn, k + LAG - IGRP]],
                                     rowsv.at[bf], semg.at[bf])
        return carry

    lax.fori_loop(0, NIGRP, grp, 0)
    for k in range(IGRP - LAG, IGRP):
        pltpu.make_async_copy(
            rowsv.at[k % NBUF], acc.at[dstb.at[(NIGRP - 1) % 2, k]],
            sems.at[k % NBUF]).wait()

    plsc.subcore_barrier()
    pltpu.sync_copy(acc.at[stg], p3.at[c, stg])


_seg_call = pl.kernel(
    _seg_body,
    out_type=jax.ShapeDtypeStruct((NC, N_PAD, DH), jnp.float32),
    mesh=_MESH,
    scratch_types=[
        pltpu.VMEM((2, IGRP, CHUNK), jnp.int32),
        pltpu.VMEM((2, IGRP, CHUNK), jnp.int32),
        pltpu.VMEM((NBUF, CHUNK, DH), jnp.float32),
        pltpu.VMEM_SHARED((N_PAD, DH), jnp.float32),
        pltpu.VMEM_SHARED((N_PAD, DH), jnp.float32),
        pltpu.SemaphoreType.DMA((NBUF,)),
        pltpu.SemaphoreType.DMA((NBUF,)),
        pltpu.SemaphoreType.DMA((2,)),
        pltpu.SemaphoreType.DMA((2,)),
    ],
    compiler_params=pltpu.CompilerParams(use_tc_tiling_on_sc=False),
)



_RB = 512

def _g_body(xref, wref, degref, g0ref, g1ref):
    deg = jnp.maximum(degref[0] + degref[1], 1.0)
    dinv = lax.rsqrt(deg)
    h = jnp.dot(xref[...], wref[...], preferred_element_type=jnp.float32) * dinv
    g0ref[...] = h[:, :DH]
    g1ref[...] = h[:, DH:]


def _g_call(x_pad, W, degp3):
    return pl.pallas_call(
        _g_body,
        grid=(N_PAD // _RB,),
        in_specs=[
            pl.BlockSpec((_RB, D), lambda i: (i, 0)),
            pl.BlockSpec((D, D), lambda i: (0, 0)),
            pl.BlockSpec((NC, _RB, 1), lambda i: (0, i, 0)),
        ],
        out_specs=[
            pl.BlockSpec((_RB, DH), lambda i: (i, 0)),
            pl.BlockSpec((_RB, DH), lambda i: (i, 0)),
        ],
        out_shape=[
            jax.ShapeDtypeStruct((N_PAD, DH), jnp.float32),
            jax.ShapeDtypeStruct((N_PAD, DH), jnp.float32),
        ],
    )(x_pad, W, degp3)



def _out_body(pref, degref, bref, oref):
    deg = jnp.maximum(degref[0] + degref[1], 1.0)
    dinv = lax.rsqrt(deg)
    s = jnp.concatenate([pref[0], pref[1]], axis=1)
    oref[...] = s * dinv + bref[...]


def _out_call(p3, degp3, b2d):
    return pl.pallas_call(
        _out_body,
        grid=(N_PAD // _RB,),
        in_specs=[
            pl.BlockSpec((NC, _RB, DH), lambda i: (0, i, 0)),
            pl.BlockSpec((NC, _RB, 1), lambda i: (0, i, 0)),
            pl.BlockSpec((1, D), lambda i: (0, 0)),
        ],
        out_specs=pl.BlockSpec((_RB, D), lambda i: (i, 0)),
        out_shape=jax.ShapeDtypeStruct((N_PAD, D), jnp.float32),
    )(p3, degp3, b2d)



@jax.jit
def kernel(t, x, edge_index, W, b):
    del t
    src = edge_index[0].astype(jnp.int32)
    dst = edge_index[1].astype(jnp.int32)
    pad = E_PAD - N_EDGES
    src2d = jnp.pad(src, (0, pad), constant_values=N_NODES).reshape(E_PAD // CHUNK, CHUNK)
    dst2d = jnp.pad(dst, (0, pad), constant_values=N_NODES).reshape(E_PAD // CHUNK, CHUNK)
    x_pad = jnp.pad(x.astype(jnp.float32), ((0, N_PAD - N_NODES), (0, 0)))

    ones_h = jnp.ones((CHUNK,), jnp.float32)
    zeros_h = jnp.zeros((ROWS_PER_SUB,), jnp.float32)
    z2d_h = jnp.zeros((CHUNK, DH), jnp.float32)

    degp = _deg_call(dst2d, ones_h, zeros_h)
    degp3 = degp.reshape(NC, N_PAD, 1)
    g0, g1 = _g_call(x_pad, W.astype(jnp.float32), degp3)
    p3 = _seg_call(g0, g1, src2d, dst2d, z2d_h)
    out = _out_call(p3, degp3, b.reshape(1, D).astype(jnp.float32))
    return out[:N_NODES]

# --- scband reference (transcript-rebuilt; emitter-appended) ---
"""Pipeline reference for scband-gdefunc-59554016526923 (READ-ONLY COPY).

The authoritative reference and input builder live on the scoring server;
editing this copy changes nothing except your own understanding.
"""

import jax, jax.numpy as jnp
import numpy as np

N_NODES = 10000
N_EDGES = 320000
D_FEAT = 128


def setup_inputs(seed: int = 0) -> dict:
    key = jax.random.key(seed)
    k1, k2, k3 = jax.random.split(key, 3)
    t = jax.random.uniform(k1, (), dtype=jnp.float32)
    x = jax.random.normal(k2, (N_NODES, D_FEAT), dtype=jnp.float32)
    edge_index = jax.random.randint(k3, (2, N_EDGES), 0, N_NODES, dtype=jnp.int64)
    kw = jax.random.fold_in(key, 10)
    W = jax.random.normal(kw, (D_FEAT, D_FEAT), dtype=jnp.float32) * 0.05
    b = jnp.zeros((D_FEAT,), dtype=jnp.float32)
    return {"t": t, "x": x, "edge_index": edge_index, "W": W, "b": b}


def reference(t, x, edge_index, W, b):
    # GDEFunc.forward: out = self.gnn(x, self.edge_index); mlp is None.
    # gnn is a GCN convolution: out = D^{-1/2} A D^{-1/2} (x W) + b
    src = edge_index[0]
    dst = edge_index[1]
    n = x.shape[0]
    ones = jnp.ones((src.shape[0],), dtype=x.dtype)
    deg = jax.ops.segment_sum(ones, dst, num_segments=n)
    deg = jnp.maximum(deg, 1.0)
    dinv = jax.lax.rsqrt(deg)
    norm = dinv[src] * dinv[dst]
    h = x @ W
    msg = h[src] * norm[:, None]
    out = jax.ops.segment_sum(msg, dst, num_segments=n)
    out = out + b
    return out

if __name__ == "__main__":
    import jax
    _d = setup_inputs()
    print(jax.jit(kernel)(*tuple(_d.values())))

</pallas_src>

<mosaic_0001>
#map = affine_map<(d0, d1) -> (0, 0)>
#map1 = affine_map<(d0, d1) -> (0)>
module attributes {stable_mosaic.version = 14 : i64} {
  func.func @_deg_body(%arg0: i32, %arg1: i32, %arg2: memref<2560x128xi32, #tpu.memory_space<hbm>>, %arg3: memref<128xf32, #tpu.memory_space<hbm>>, %arg4: memref<640xf32, #tpu.memory_space<hbm>>, %arg5: memref<2x10240xf32, #tpu.memory_space<hbm>>, %arg6: memref<80x128xi32, #tpu.memory_space<vmem>>, %arg7: memref<128xf32, #tpu.memory_space<vmem>>, %arg8: memref<640xf32, #tpu.memory_space<vmem>>, %arg9: memref<10240xf32, #tpu.memory_space<vmem_shared>>, %arg10: memref<8x!tpu.dma_semaphore, #tpu.memory_space<semaphore_mem>>) attributes {dimension_semantics = [#tpu.dimension_semantics<core_parallel>, #tpu.dimension_semantics<subcore_parallel>], iteration_bounds = array<i64: 2, 16>, scalar_prefetch = 0 : i64, scratch_operands = 5 : i64, tpu.core_type = #tpu.core_type<sc_vector_subcore>, window_params = [{transform_indices = #map}, {transform_indices = #map1}, {transform_indices = #map1}, {transform_indices = #map}]} {
    %mul3A = arith.constant 16 : i32
    %mul3A_0 = arith.muli %arg0, %mul3A : i32
    %add3A = arith.addi %mul3A_0, %arg1 : i32
    %mul3A_1 = arith.constant 80 : i32
    %mul3A_2 = arith.muli %add3A, %mul3A_1 : i32
    "tpu.region"() ({
      %run_scoped3A = tpu.sem_alloc : memref<!tpu.dma_semaphore, #tpu.memory_space<semaphore_mem>>
      %dma_start3A = arith.constant 0 : i32
      %dma_start3A_86 = tpu.memref_slice %arg2[%mul3A_2, %dma_start3A] : memref<2560x128xi32, #tpu.memory_space<hbm>> -> memref<80x128xi32, #tpu.memory_space<hbm>>
      %dma_start3A_87 = arith.constant 0 : i32
      %dma_start3A_88 = tpu.memref_slice %arg2[%mul3A_2, %dma_start3A_87] : memref<2560x128xi32, #tpu.memory_space<hbm>> -> memref<80x128xi32, #tpu.memory_space<hbm>>
      tpu.enqueue_dma source(%dma_start3A_88 : memref<80x128xi32, #tpu.memory_space<hbm>>) target(%arg6 : memref<80x128xi32, #tpu.memory_space<vmem>>) target_semaphore(%run_scoped3A : memref<!tpu.dma_semaphore, #tpu.memory_space<semaphore_mem>>)
      %dma_wait3A_89 = arith.constant 0 : i32
      %dma_wait3A_90 = tpu.memref_slice %arg2[%mul3A_2, %dma_wait3A_89] : memref<2560x128xi32, #tpu.memory_space<hbm>> -> memref<80x128xi32, #tpu.memory_space<hbm>>
      %dma_wait3A_91 = arith.constant 0 : i32
      %dma_wait3A_92 = tpu.memref_slice %arg2[%mul3A_2, %dma_wait3A_91] : memref<2560x128xi32, #tpu.memory_space<hbm>> -> memref<80x128xi32, #tpu.memory_space<hbm>>
      tpu.wait_dma2 semaphore(%run_scoped3A : memref<!tpu.dma_semaphore, #tpu.memory_space<semaphore_mem>>) src(%dma_wait3A_92 : memref<80x128xi32, #tpu.memory_space<hbm>>) dst(%arg6 : memref<80x128xi32, #tpu.memory_space<vmem>>)
      tpu.yield
    }) : () -> ()
    "tpu.region"() ({
      %run_scoped3A = tpu.sem_alloc : memref<!tpu.dma_semaphore, #tpu.memory_space<semaphore_mem>>
      tpu.enqueue_dma source(%arg3 : memref<128xf32, #tpu.memory_space<hbm>>) target(%arg7 : memref<128xf32, #tpu.memory_space<vmem>>) target_semaphore(%run_scoped3A : memref<!tpu.dma_semaphore, #tpu.memory_space<semaphore_mem>>)
      tpu.wait_dma2 semaphore(%run_scoped3A : memref<!tpu.dma_semaphore, #tpu.memory_space<semaphore_mem>>) src(%arg3 : memref<128xf32, #tpu.memory_space<hbm>>) dst(%arg7 : memref<128xf32, #tpu.memory_space<vmem>>)
      tpu.yield
    }) : () -> ()
    "tpu.region"() ({
      %run_scoped3A = tpu.sem_alloc : memref<!tpu.dma_semaphore, #tpu.memory_space<semaphore_mem>>
      tpu.enqueue_dma source(%arg4 : memref<640xf32, #tpu.memory_space<hbm>>) target(%arg8 : memref<640xf32, #tpu.memory_space<vmem>>) target_semaphore(%run_scoped3A : memref<!tpu.dma_semaphore, #tpu.memory_space<semaphore_mem>>)
      tpu.wait_dma2 semaphore(%run_scoped3A : memref<!tpu.dma_semaphore, #tpu.memory_space<semaphore_mem>>) src(%arg4 : memref<640xf32, #tpu.memory_space<hbm>>) dst(%arg8 : memref<640xf32, #tpu.memory_space<vmem>>)
      tpu.yield
    }) : () -> ()
    %mul3A_3 = arith.constant 640 : i32
    %mul3A_4 = arith.muli %arg1, %mul3A_3 : i32
    "tpu.region"() ({
      %run_scoped3A = tpu.sem_alloc : memref<!tpu.dma_semaphore, #tpu.memory_space<semaphore_mem>>
      %dma_start3A = tpu.memref_slice %arg9[%mul3A_4] : memref<10240xf32, #tpu.memory_space<vmem_shared>> -> memref<640xf32, #tpu.memory_space<vmem_shared>>
      %dma_start3A_86 = tpu.memref_slice %arg9[%mul3A_4] : memref<10240xf32, #tpu.memory_space<vmem_shared>> -> memref<640xf32, #tpu.memory_space<vmem_shared>>
      tpu.enqueue_dma source(%arg8 : memref<640xf32, #tpu.memory_space<vmem>>) target(%dma_start3A_86 : memref<640xf32, #tpu.memory_space<vmem_shared>>) target_semaphore(%run_scoped3A : memref<!tpu.dma_semaphore, #tpu.memory_space<semaphore_mem>>)
      %dma_wait3A_87 = tpu.memref_slice %arg9[%mul3A_4] : memref<10240xf32, #tpu.memory_space<vmem_shared>> -> memref<640xf32, #tpu.memory_space<vmem_shared>>
      %dma_wait3A_88 = tpu.memref_slice %arg9[%mul3A_4] : memref<10240xf32, #tpu.memory_space<vmem_shared>> -> memref<640xf32, #tpu.memory_space<vmem_shared>>
      tpu.wait_dma2 semaphore(%run_scoped3A : memref<!tpu.dma_semaphore, #tpu.memory_space<semaphore_mem>>) src(%arg8 : memref<640xf32, #tpu.memory_space<vmem>>) dst(%dma_wait3A_88 : memref<640xf32, #tpu.memory_space<vmem_shared>>)
      tpu.yield
    }) : () -> ()
    %barrier3A = arith.constant 0 : index
    tpu.barrier barrier_id(%barrier3A)
    %scan3A = arith.constant 0 : i32
    %scan3A_5 = arith.constant 0 : i32
    %scan3A_6 = arith.constant 10 : i32
    %scan3A_7 = arith.addi %scan3A_5, %scan3A_6 : i32
    %scan3A_8 = arith.constant 1 : i32
    scf.for %scan3A_86 = %scan3A_5 to %scan3A_7 step %scan3A_8  : i32 {
      %mul3A_87 = arith.constant 8 : i32
      %mul3A_88 = arith.muli %scan3A_86, %mul3A_87 : i32
      %add3A_89 = arith.constant 0 : i32
      %add3A_90 = arith.addi %mul3A_88, %add3A_89 : i32
      %ge3A = arith.constant 8 : i32
      %ge3A_91 = arith.cmpi sge, %add3A_90, %ge3A : i32
      %convert_element_type3A = arith.extui %ge3A_91 : i1 to i32
      %cond3A = arith.constant 0 : i32
      %cond3A_92 = arith.cmpi ne, %convert_element_type3A, %cond3A : i32
      scf.if %cond3A_92 {
        %sub3A = arith.constant 8 : i32
        %sub3A_219 = arith.subi %add3A_90, %sub3A : i32
        %dma_wait3A_220 = arith.constant 0 : i32
        %dma_wait3A_221 = arith.constant 0 : i32
        %dma_wait3A_222 = tpu.memref_slice %arg6[%sub3A_219, %dma_wait3A_221] : memref<80x128xi32, #tpu.memory_space<vmem>> -> memref<1x128xi32, #tpu.memory_space<vmem>>
        %dma_wait3A_223 = tpu.memref_squeeze %dma_wait3A_222 : memref<1x128xi32, #tpu.memory_space<vmem>> -> memref<128xi32, #tpu.memory_space<vmem>>
        %dma_wait3A_224 = arith.constant 0 : i32
        %dma_wait3A_225 = tpu.memref_slice %arg9[%dma_wait3A_224] : memref<10240xf32, #tpu.memory_space<vmem_shared>> -> memref<10240xf32, #tpu.memory_space<vmem_shared>>
        %dma_wait3A_226 = tpu.memref_slice %arg10[%dma_wait3A_220] : memref<8x!tpu.dma_semaphore, #tpu.memory_space<semaphore_mem>> -> memref<1x!tpu.dma_semaphore, #tpu.memory_space<semaphore_mem>>
        %dma_wait3A_227 = tpu.memref_squeeze %dma_wait3A_226 : memref<1x!tpu.dma_semaphore, #tpu.memory_space<semaphore_mem>> -> memref<!tpu.dma_semaphore, #tpu.memory_space<semaphore_mem>>
        tpu.wait_indirect_dma semaphore(%dma_wait3A_227 : memref<!tpu.dma_semaphore, #tpu.memory_space<semaphore_mem>>) src(%arg7 : memref<128xf32, #tpu.memory_space<vmem>>) dst(%dma_wait3A_225 : memref<10240xf32, #tpu.memory_space<vmem_shared>>)
      } else {
      }
      %dma_start3A = arith.constant 0 : i32
      %dma_start3A_93 = arith.constant 0 : i32
      %dma_start3A_94 = tpu.memref_slice %arg6[%add3A_90, %dma_start3A_93] : memref<80x128xi32, #tpu.memory_space<vmem>> -> memref<1x128xi32, #tpu.memory_space<vmem>>
      %dma_start3A_95 = tpu.memref_squeeze %dma_start3A_94 : memref<1x128xi32, #tpu.memory_space<vmem>> -> memref<128xi32, #tpu.memory_space<vmem>>
      %dma_start3A_96 = arith.constant 0 : i32
      %dma_start3A_97 = tpu.memref_slice %arg9[%dma_start3A_96] : memref<10240xf32, #tpu.memory_space<vmem_shared>> -> memref<10240xf32, #tpu.memory_space<vmem_shared>>
      %dma_start3A_98 = tpu.memref_slice %arg10[%dma_start3A] : memref<8x!tpu.dma_semaphore, #tpu.memory_space<semaphore_mem>> -> memref<1x!tpu.dma_semaphore, #tpu.memory_space<semaphore_mem>>
      %dma_start3A_99 = tpu.memref_squeeze %dma_start3A_98 : memref<1x!tpu.dma_semaphore, #tpu.memory_space<semaphore_mem>> -> memref<!tpu.dma_semaphore, #tpu.memory_space<semaphore_mem>>
      tpu.enqueue_indirect_dma source(%arg7 : memref<128xf32, #tpu.memory_space<vmem>>) target(%dma_start3A_97 : memref<10240xf32, #tpu.memory_space<vmem_shared>>) offsets(%dma_start3A_95 : memref<128xi32, #tpu.memory_space<vmem>>) semaphore(%dma_start3A_99 : memref<!tpu.dma_semaphore, #tpu.memory_space<semaphore_mem>>) {add = true}
      %mul3A_100 = arith.constant 8 : i32
      %mul3A_101 = arith.muli %scan3A_86, %mul3A_100 : i32
      %add3A_102 = arith.constant 1 : i32
      %add3A_103 = arith.addi %mul3A_101, %add3A_102 : i32
      %ge3A_104 = arith.constant 8 : i32
      %ge3A_105 = arith.cmpi sge, %add3A_103, %ge3A_104 : i32
      %convert_element_type3A_106 = arith.extui %ge3A_105 : i1 to i32
      %cond3A_107 = arith.constant 0 : i32
      %cond3A_108 = arith.cmpi ne, %convert_element_type3A_106, %cond3A_107 : i32
      scf.if %cond3A_108 {
        %sub3A = arith.constant 8 : i32
        %sub3A_219 = arith.subi %add3A_103, %sub3A : i32
        %dma_wait3A_220 = arith.constant 1 : i32
        %dma_wait3A_221 = arith.constant 0 : i32
        %dma_wait3A_222 = tpu.memref_slice %arg6[%sub3A_219, %dma_wait3A_221] : memref<80x128xi32, #tpu.memory_space<vmem>> -> memref<1x128xi32, #tpu.memory_space<vmem>>
        %dma_wait3A_223 = tpu.memref_squeeze %dma_wait3A_222 : memref<1x128xi32, #tpu.memory_space<vmem>> -> memref<128xi32, #tpu.memory_space<vmem>>
        %dma_wait3A_224 = arith.constant 0 : i32
        %dma_wait3A_225 = tpu.memref_slice %arg9[%dma_wait3A_224] : memref<10240xf32, #tpu.memory_space<vmem_shared>> -> memref<10240xf32, #tpu.memory_space<vmem_shared>>
        %dma_wait3A_226 = tpu.memref_slice %arg10[%dma_wait3A_220] : memref<8x!tpu.dma_semaphore, #tpu.memory_space<semaphore_mem>> -> memref<1x!tpu.dma_semaphore, #tpu.memory_space<semaphore_mem>>
        %dma_wait3A_227 = tpu.memref_squeeze %dma_wait3A_226 : memref<1x!tpu.dma_semaphore, #tpu.memory_space<semaphore_mem>> -> memref<!tpu.dma_semaphore, #tpu.memory_space<semaphore_mem>>
        tpu.wait_indirect_dma semaphore(%dma_wait3A_227 : memref<!tpu.dma_semaphore, #tpu.memory_space<semaphore_mem>>) src(%arg7 : memref<128xf32, #tpu.memory_space<vmem>>) dst(%dma_wait3A_225 : memref<10240xf32, #tpu.memory_space<vmem_shared>>)
      } else {
      }
      %dma_start3A_109 = arith.constant 1 : i32
      %dma_start3A_110 = arith.constant 0 : i32
      %dma_start3A_111 = tpu.memref_slice %arg6[%add3A_103, %dma_start3A_110] : memref<80x128xi32, #tpu.memory_space<vmem>> -> memref<1x128xi32, #tpu.memory_space<vmem>>
      %dma_start3A_112 = tpu.memref_squeeze %dma_start3A_111 : memref<1x128xi32, #tpu.memory_space<vmem>> -> memref<128xi32, #tpu.memory_space<vmem>>
      %dma_start3A_113 = arith.constant 0 : i32
      %dma_start3A_114 = tpu.memref_slice %arg9[%dma_start3A_113] : memref<10240xf32, #tpu.memory_space<vmem_shared>> -> memref<10240xf32, #tpu.memory_space<vmem_shared>>
      %dma_start3A_115 = tpu.memref_slice %arg10[%dma_start3A_109] : memref<8x!tpu.dma_semaphore, #tpu.memory_space<semaphore_mem>> -> memref<1x!tpu.dma_semaphore, #tpu.memory_space<semaphore_mem>>
      %dma_start3A_116 = tpu.memref_squeeze %dma_start3A_115 : memref<1x!tpu.dma_semaphore, #tpu.memory_space<semaphore_mem>> -> memref<!tpu.dma_semaphore, #tpu.memory_space<semaphore_mem>>
      tpu.enqueue_indirect_dma source(%arg7 : memref<128xf32, #tpu.memory_space<vmem>>) target(%dma_start3A_114 : memref<10240xf32, #tpu.memory_space<vmem_shared>>) offsets(%dma_start3A_112 : memref<128xi32, #tpu.memory_space<vmem>>) semaphore(%dma_start3A_116 : memref<!tpu.dma_semaphore, #tpu.memory_space<semaphore_mem>>) {add = true}
      %mul3A_117 = arith.constant 8 : i32
      %mul3A_118 = arith.muli %scan3A_86, %mul3A_117 : i32
      %add3A_119 = arith.constant 2 : i32
      %add3A_120 = arith.addi %mul3A_118, %add3A_119 : i32
      %ge3A_121 = arith.constant 8 : i32
      %ge3A_122 = arith.cmpi sge, %add3A_120, %ge3A_121 : i32
      %convert_element_type3A_123 = arith.extui %ge3A_122 : i1 to i32
      %cond3A_124 = arith.constant 0 : i32
      %cond3A_125 = arith.cmpi ne, %convert_element_type3A_123, %cond3A_124 : i32
      scf.if %cond3A_125 {
        %sub3A = arith.constant 8 : i32
        %sub3A_219 = arith.subi %add3A_120, %sub3A : i32
        %dma_wait3A_220 = arith.constant 2 : i32
        %dma_wait3A_221 = arith.constant 0 : i32
        %dma_wait3A_222 = tpu.memref_slice %arg6[%sub3A_219, %dma_wait3A_221] : memref<80x128xi32, #tpu.memory_space<vmem>> -> memref<1x128xi32, #tpu.memory_space<vmem>>
        %dma_wait3A_223 = tpu.memref_squeeze %dma_wait3A_222 : memref<1x128xi32, #tpu.memory_space<vmem>> -> memref<128xi32, #tpu.memory_space<vmem>>
        %dma_wait3A_224 = arith.constant 0 : i32
        %dma_wait3A_225 = tpu.memref_slice %arg9[%dma_wait3A_224] : memref<10240xf32, #tpu.memory_space<vmem_shared>> -> memref<10240xf32, #tpu.memory_space<vmem_shared>>
        %dma_wait3A_226 = tpu.memref_slice %arg10[%dma_wait3A_220] : memref<8x!tpu.dma_semaphore, #tpu.memory_space<semaphore_mem>> -> memref<1x!tpu.dma_semaphore, #tpu.memory_space<semaphore_mem>>
        %dma_wait3A_227 = tpu.memref_squeeze %dma_wait3A_226 : memref<1x!tpu.dma_semaphore, #tpu.memory_space<semaphore_mem>> -> memref<!tpu.dma_semaphore, #tpu.memory_space<semaphore_mem>>
        tpu.wait_indirect_dma semaphore(%dma_wait3A_227 : memref<!tpu.dma_semaphore, #tpu.memory_space<semaphore_mem>>) src(%arg7 : memref<128xf32, #tpu.memory_space<vmem>>) dst(%dma_wait3A_225 : memref<10240xf32, #tpu.memory_space<vmem_shared>>)
      } else {
      }
      %dma_start3A_126 = arith.constant 2 : i32
      %dma_start3A_127 = arith.constant 0 : i32
      %dma_start3A_128 = tpu.memref_slice %arg6[%add3A_120, %dma_start3A_127] : memref<80x128xi32, #tpu.memory_space<vmem>> -> memref<1x128xi32, #tpu.memory_space<vmem>>
      %dma_start3A_129 = tpu.memref_squeeze %dma_start3A_128 : memref<1x128xi32, #tpu.memory_space<vmem>> -> memref<128xi32, #tpu.memory_space<vmem>>
      %dma_start3A_130 = arith.constant 0 : i32
      %dma_start3A_131 = tpu.memref_slice %arg9[%dma_start3A_130] : memref<10240xf32, #tpu.memory_space<vmem_shared>> -> memref<10240xf32, #tpu.memory_space<vmem_shared>>
      %dma_start3A_132 = tpu.memref_slice %arg10[%dma_start3A_126] : memref<8x!tpu.dma_semaphore, #tpu.memory_space<semaphore_mem>> -> memref<1x!tpu.dma_semaphore, #tpu.memory_space<semaphore_mem>>
      %dma_start3A_133 = tpu.memref_squeeze %dma_start3A_132 : memref<1x!tpu.dma_semaphore, #tpu.memory_space<semaphore_mem>> -> memref<!tpu.dma_semaphore, #tpu.memory_space<semaphore_mem>>
      tpu.enqueue_indirect_dma source(%arg7 : memref<128xf32, #tpu.memory_space<vmem>>) target(%dma_start3A_131 : memref<10240xf32, #tpu.memory_space<vmem_shared>>) offsets(%dma_start3A_129 : memref<128xi32, #tpu.memory_space<vmem>>) semaphore(%dma_start3A_133 : memref<!tpu.dma_semaphore, #tpu.memory_space<semaphore_mem>>) {add = true}
      %mul3A_134 = arith.constant 8 : i32
      %mul3A_135 = arith.muli %scan3A_86, %mul3A_134 : i32
      %add3A_136 = arith.constant 3 : i32
      %add3A_137 = arith.addi %mul3A_135, %add3A_136 : i32
      %ge3A_138 = arith.constant 8 : i32
      %ge3A_139 = arith.cmpi sge, %add3A_137, %ge3A_138 : i32
      %convert_element_type3A_140 = arith.extui %ge3A_139 : i1 to i32
      %cond3A_141 = arith.constant 0 : i32
      %cond3A_142 = arith.cmpi ne, %convert_element_type3A_140, %cond3A_141 : i32
      scf.if %cond3A_142 {
        %sub3A = arith.constant 8 : i32
        %sub3A_219 = arith.subi %add3A_137, %sub3A : i32
        %dma_wait3A_220 = arith.constant 3 : i32
        %dma_wait3A_221 = arith.constant 0 : i32
        %dma_wait3A_222 = tpu.memref_slice %arg6[%sub3A_219, %dma_wait3A_221] : memref<80x128xi32, #tpu.memory_space<vmem>> -> memref<1x128xi32, #tpu.memory_space<vmem>>
        %dma_wait3A_223 = tpu.memref_squeeze %dma_wait3A_222 : memref<1x128xi32, #tpu.memory_space<vmem>> -> memref<128xi32, #tpu.memory_space<vmem>>
        %dma_wait3A_224 = arith.constant 0 : i32
        %dma_wait3A_225 = tpu.memref_slice %arg9[%dma_wait3A_224] : memref<10240xf32, #tpu.memory_space<vmem_shared>> -> memref<10240xf32, #tpu.memory_space<vmem_shared>>
        %dma_wait3A_226 = tpu.memref_slice %arg10[%dma_wait3A_220] : memref<8x!tpu.dma_semaphore, #tpu.memory_space<semaphore_mem>> -> memref<1x!tpu.dma_semaphore, #tpu.memory_space<semaphore_mem>>
        %dma_wait3A_227 = tpu.memref_squeeze %dma_wait3A_226 : memref<1x!tpu.dma_semaphore, #tpu.memory_space<semaphore_mem>> -> memref<!tpu.dma_semaphore, #tpu.memory_space<semaphore_mem>>
        tpu.wait_indirect_dma semaphore(%dma_wait3A_227 : memref<!tpu.dma_semaphore, #tpu.memory_space<semaphore_mem>>) src(%arg7 : memref<128xf32, #tpu.memory_space<vmem>>) dst(%dma_wait3A_225 : memref<10240xf32, #tpu.memory_space<vmem_shared>>)
      } else {
      }
      %dma_start3A_143 = arith.constant 3 : i32
      %dma_start3A_144 = arith.constant 0 : i32
      %dma_start3A_145 = tpu.memref_slice %arg6[%add3A_137, %dma_start3A_144] : memref<80x128xi32, #tpu.memory_space<vmem>> -> memref<1x128xi32, #tpu.memory_space<vmem>>
      %dma_start3A_146 = tpu.memref_squeeze %dma_start3A_145 : memref<1x128xi32, #tpu.memory_space<vmem>> -> memref<128xi32, #tpu.memory_space<vmem>>
      %dma_start3A_147 = arith.constant 0 : i32
      %dma_start3A_148 = tpu.memref_slice %arg9[%dma_start3A_147] : memref<10240xf32, #tpu.memory_space<vmem_shared>> -> memref<10240xf32, #tpu.memory_space<vmem_shared>>
      %dma_start3A_149 = tpu.memref_slice %arg10[%dma_start3A_143] : memref<8x!tpu.dma_semaphore, #tpu.memory_space<semaphore_mem>> -> memref<1x!tpu.dma_semaphore, #tpu.memory_space<semaphore_mem>>
      %dma_start3A_150 = tpu.memref_squeeze %dma_start3A_149 : memref<1x!tpu.dma_semaphore, #tpu.memory_space<semaphore_mem>> -> memref<!tpu.dma_semaphore, #tpu.memory_space<semaphore_mem>>
      tpu.enqueue_indirect_dma source(%arg7 : memref<128xf32, #tpu.memory_space<vmem>>) target(%dma_start3A_148 : memref<10240xf32, #tpu.memory_space<vmem_shared>>) offsets(%dma_start3A_146 : memref<128xi32, #tpu.memory_space<vmem>>) semaphore(%dma_start3A_150 : memref<!tpu.dma_semaphore, #tpu.memory_space<semaphore_mem>>) {add = true}
      %mul3A_151 = arith.constant 8 : i32
      %mul3A_152 = arith.muli %scan3A_86, %mul3A_151 : i32
      %add3A_153 = arith.constant 4 : i32
      %add3A_154 = arith.addi %mul3A_152, %add3A_153 : i32
      %ge3A_155 = arith.constant 8 : i32
      %ge3A_156 = arith.cmpi sge, %add3A_154, %ge3A_155 : i32
      %convert_element_type3A_157 = arith.extui %ge3A_156 : i1 to i32
      %cond3A_158 = arith.constant 0 : i32
      %cond3A_159 = arith.cmpi ne, %convert_element_type3A_157, %cond3A_158 : i32
      scf.if %cond3A_159 {
        %sub3A = arith.constant 8 : i32
        %sub3A_219 = arith.subi %add3A_154, %sub3A : i32
        %dma_wait3A_220 = arith.constant 4 : i32
        %dma_wait3A_221 = arith.constant 0 : i32
        %dma_wait3A_222 = tpu.memref_slice %arg6[%sub3A_219, %dma_wait3A_221] : memref<80x128xi32, #tpu.memory_space<vmem>> -> memref<1x128xi32, #tpu.memory_space<vmem>>
        %dma_wait3A_223 = tpu.memref_squeeze %dma_wait3A_222 : memref<1x128xi32, #tpu.memory_space<vmem>> -> memref<128xi32, #tpu.memory_space<vmem>>
        %dma_wait3A_224 = arith.constant 0 : i32
        %dma_wait3A_225 = tpu.memref_slice %arg9[%dma_wait3A_224] : memref<10240xf32, #tpu.memory_space<vmem_shared>> -> memref<10240xf32, #tpu.memory_space<vmem_shared>>
        %dma_wait3A_226 = tpu.memref_slice %arg10[%dma_wait3A_220] : memref<8x!tpu.dma_semaphore, #tpu.memory_space<semaphore_mem>> -> memref<1x!tpu.dma_semaphore, #tpu.memory_space<semaphore_mem>>
        %dma_wait3A_227 = tpu.memref_squeeze %dma_wait3A_226 : memref<1x!tpu.dma_semaphore, #tpu.memory_space<semaphore_mem>> -> memref<!tpu.dma_semaphore, #tpu.memory_space<semaphore_mem>>
        tpu.wait_indirect_dma semaphore(%dma_wait3A_227 : memref<!tpu.dma_semaphore, #tpu.memory_space<semaphore_mem>>) src(%arg7 : memref<128xf32, #tpu.memory_space<vmem>>) dst(%dma_wait3A_225 : memref<10240xf32, #tpu.memory_space<vmem_shared>>)
      } else {
      }
      %dma_start3A_160 = arith.constant 4 : i32
      %dma_start3A_161 = arith.constant 0 : i32
      %dma_start3A_162 = tpu.memref_slice %arg6[%add3A_154, %dma_start3A_161] : memref<80x128xi32, #tpu.memory_space<vmem>> -> memref<1x128xi32, #tpu.memory_space<vmem>>
      %dma_start3A_163 = tpu.memref_squeeze %dma_start3A_162 : memref<1x128xi32, #tpu.memory_space<vmem>> -> memref<128xi32, #tpu.memory_space<vmem>>
      %dma_start3A_164 = arith.constant 0 : i32
      %dma_start3A_165 = tpu.memref_slice %arg9[%dma_start3A_164] : memref<10240xf32, #tpu.memory_space<vmem_shared>> -> memref<10240xf32, #tpu.memory_space<vmem_shared>>
      %dma_start3A_166 = tpu.memref_slice %arg10[%dma_start3A_160] : memref<8x!tpu.dma_semaphore, #tpu.memory_space<semaphore_mem>> -> memref<1x!tpu.dma_semaphore, #tpu.memory_space<semaphore_mem>>
      %dma_start3A_167 = tpu.memref_squeeze %dma_start3A_166 : memref<1x!tpu.dma_semaphore, #tpu.memory_space<semaphore_mem>> -> memref<!tpu.dma_semaphore, #tpu.memory_space<semaphore_mem>>
      tpu.enqueue_indirect_dma source(%arg7 : memref<128xf32, #tpu.memory_space<vmem>>) target(%dma_start3A_165 : memref<10240xf32, #tpu.memory_space<vmem_shared>>) offsets(%dma_start3A_163 : memref<128xi32, #tpu.memory_space<vmem>>) semaphore(%dma_start3A_167 : memref<!tpu.dma_semaphore, #tpu.memory_space<semaphore_mem>>) {add = true}
      %mul3A_168 = arith.constant 8 : i32
      %mul3A_169 = arith.muli %scan3A_86, %mul3A_168 : i32
      %add3A_170 = arith.constant 5 : i32
      %add3A_171 = arith.addi %mul3A_169, %add3A_170 : i32
      %ge3A_172 = arith.constant 8 : i32
      %ge3A_173 = arith.cmpi sge, %add3A_171, %ge3A_172 : i32
      %convert_element_type3A_174 = arith.extui %ge3A_173 : i1 to i32
      %cond3A_175 = arith.constant 0 : i32
      %cond3A_176 = arith.cmpi ne, %convert_element_type3A_174, %cond3A_175 : i32
      scf.if %cond3A_176 {
        %sub3A = arith.constant 8 : i32
        %sub3A_219 = arith.subi %add3A_171, %sub3A : i32
        %dma_wait3A_220 = arith.constant 5 : i32
        %dma_wait3A_221 = arith.constant 0 : i32
        %dma_wait3A_222 = tpu.memref_slice %arg6[%sub3A_219, %dma_wait3A_221] : memref<80x128xi32, #tpu.memory_space<vmem>> -> memref<1x128xi32, #tpu.memory_space<vmem>>
        %dma_wait3A_223 = tpu.memref_squeeze %dma_wait3A_222 : memref<1x128xi32, #tpu.memory_space<vmem>> -> memref<128xi32, #tpu.memory_space<vmem>>
        %dma_wait3A_224 = arith.constant 0 : i32
        %dma_wait3A_225 = tpu.memref_slice %arg9[%dma_wait3A_224] : memref<10240xf32, #tpu.memory_space<vmem_shared>> -> memref<10240xf32, #tpu.memory_space<vmem_shared>>
        %dma_wait3A_226 = tpu.memref_slice %arg10[%dma_wait3A_220] : memref<8x!tpu.dma_semaphore, #tpu.memory_space<semaphore_mem>> -> memref<1x!tpu.dma_semaphore, #tpu.memory_space<semaphore_mem>>
        %dma_wait3A_227 = tpu.memref_squeeze %dma_wait3A_226 : memref<1x!tpu.dma_semaphore, #tpu.memory_space<semaphore_mem>> -> memref<!tpu.dma_semaphore, #tpu.memory_space<semaphore_mem>>
        tpu.wait_indirect_dma semaphore(%dma_wait3A_227 : memref<!tpu.dma_semaphore, #tpu.memory_space<semaphore_mem>>) src(%arg7 : memref<128xf32, #tpu.memory_space<vmem>>) dst(%dma_wait3A_225 : memref<10240xf32, #tpu.memory_space<vmem_shared>>)
      } else {
      }
      %dma_start3A_177 = arith.constant 5 : i32
      %dma_start3A_178 = arith.constant 0 : i32
      %dma_start3A_179 = tpu.memref_slice %arg6[%add3A_171, %dma_start3A_178] : memref<80x128xi32, #tpu.memory_space<vmem>> -> memref<1x128xi32, #tpu.memory_space<vmem>>
      %dma_start3A_180 = tpu.memref_squeeze %dma_start3A_179 : memref<1x128xi32, #tpu.memory_space<vmem>> -> memref<128xi32, #tpu.memory_space<vmem>>
      %dma_start3A_181 = arith.constant 0 : i32
      %dma_start3A_182 = tpu.memref_slice %arg9[%dma_start3A_181] : memref<10240xf32, #tpu.memory_space<vmem_shared>> -> memref<10240xf32, #tpu.memory_space<vmem_shared>>
      %dma_start3A_183 = tpu.memref_slice %arg10[%dma_start3A_177] : memref<8x!tpu.dma_semaphore, #tpu.memory_space<semaphore_mem>> -> memref<1x!tpu.dma_semaphore, #tpu.memory_space<semaphore_mem>>
      %dma_start3A_184 = tpu.memref_squeeze %dma_start3A_183 : memref<1x!tpu.dma_semaphore, #tpu.memory_space<semaphore_mem>> -> memref<!tpu.dma_semaphore, #tpu.memory_space<semaphore_mem>>
      tpu.enqueue_indirect_dma source(%arg7 : memref<128xf32, #tpu.memory_space<vmem>>) target(%dma_start3A_182 : memref<10240xf32, #tpu.memory_space<vmem_shared>>) offsets(%dma_start3A_180 : memref<128xi32, #tpu.memory_space<vmem>>) semaphore(%dma_start3A_184 : memref<!tpu.dma_semaphore, #tpu.memory_space<semaphore_mem>>) {add = true}
      %mul3A_185 = arith.constant 8 : i32
      %mul3A_186 = arith.muli %scan3A_86, %mul3A_185 : i32
      %add3A_187 = arith.constant 6 : i32
      %add3A_188 = arith.addi %mul3A_186, %add3A_187 : i32
      %ge3A_189 = arith.constant 8 : i32
      %ge3A_190 = arith.cmpi sge, %add3A_188, %ge3A_189 : i32
      %convert_element_type3A_191 = arith.extui %ge3A_190 : i1 to i32
      %cond3A_192 = arith.constant 0 : i32
      %cond3A_193 = arith.cmpi ne, %convert_element_type3A_191, %cond3A_192 : i32
      scf.if %cond3A_193 {
        %sub3A = arith.constant 8 : i32
        %sub3A_219 = arith.subi %add3A_188, %sub3A : i32
        %dma_wait3A_220 = arith.constant 6 : i32
        %dma_wait3A_221 = arith.constant 0 : i32
        %dma_wait3A_222 = tpu.memref_slice %arg6[%sub3A_219, %dma_wait3A_221] : memref<80x128xi32, #tpu.memory_space<vmem>> -> memref<1x128xi32, #tpu.memory_space<vmem>>
        %dma_wait3A_223 = tpu.memref_squeeze %dma_wait3A_222 : memref<1x128xi32, #tpu.memory_space<vmem>> -> memref<128xi32, #tpu.memory_space<vmem>>
        %dma_wait3A_224 = arith.constant 0 : i32
        %dma_wait3A_225 = tpu.memref_slice %arg9[%dma_wait3A_224] : memref<10240xf32, #tpu.memory_space<vmem_shared>> -> memref<10240xf32, #tpu.memory_space<vmem_shared>>
        %dma_wait3A_226 = tpu.memref_slice %arg10[%dma_wait3A_220] : memref<8x!tpu.dma_semaphore, #tpu.memory_space<semaphore_mem>> -> memref<1x!tpu.dma_semaphore, #tpu.memory_space<semaphore_mem>>
        %dma_wait3A_227 = tpu.memref_squeeze %dma_wait3A_226 : memref<1x!tpu.dma_semaphore, #tpu.memory_space<semaphore_mem>> -> memref<!tpu.dma_semaphore, #tpu.memory_space<semaphore_mem>>
        tpu.wait_indirect_dma semaphore(%dma_wait3A_227 : memref<!tpu.dma_semaphore, #tpu.memory_space<semaphore_mem>>) src(%arg7 : memref<128xf32, #tpu.memory_space<vmem>>) dst(%dma_wait3A_225 : memref<10240xf32, #tpu.memory_space<vmem_shared>>)
      } else {
      }
      %dma_start3A_194 = arith.constant 6 : i32
      %dma_start3A_195 = arith.constant 0 : i32
      %dma_start3A_196 = tpu.memref_slice %arg6[%add3A_188, %dma_start3A_195] : memref<80x128xi32, #tpu.memory_space<vmem>> -> memref<1x128xi32, #tpu.memory_space<vmem>>
      %dma_start3A_197 = tpu.memref_squeeze %dma_start3A_196 : memref<1x128xi32, #tpu.memory_space<vmem>> -> memref<128xi32, #tpu.memory_space<vmem>>
      %dma_start3A_198 = arith.constant 0 : i32
      %dma_start3A_199 = tpu.memref_slice %arg9[%dma_start3A_198] : memref<10240xf32, #tpu.memory_space<vmem_shared>> -> memref<10240xf32, #tpu.memory_space<vmem_shared>>
      %dma_start3A_200 = tpu.memref_slice %arg10[%dma_start3A_194] : memref<8x!tpu.dma_semaphore, #tpu.memory_space<semaphore_mem>> -> memref<1x!tpu.dma_semaphore, #tpu.memory_space<semaphore_mem>>
      %dma_start3A_201 = tpu.memref_squeeze %dma_start3A_200 : memref<1x!tpu.dma_semaphore, #tpu.memory_space<semaphore_mem>> -> memref<!tpu.dma_semaphore, #tpu.memory_space<semaphore_mem>>
      tpu.enqueue_indirect_dma source(%arg7 : memref<128xf32, #tpu.memory_space<vmem>>) target(%dma_start3A_199 : memref<10240xf32, #tpu.memory_space<vmem_shared>>) offsets(%dma_start3A_197 : memref<128xi32, #tpu.memory_space<vmem>>) semaphore(%dma_start3A_201 : memref<!tpu.dma_semaphore, #tpu.memory_space<semaphore_mem>>) {add = true}
      %mul3A_202 = arith.constant 8 : i32
      %mul3A_203 = arith.muli %scan3A_86, %mul3A_202 : i32
      %add3A_204 = arith.constant 7 : i32
      %add3A_205 = arith.addi %mul3A_203, %add3A_204 : i32
      %ge3A_206 = arith.constant 8 : i32
      %ge3A_207 = arith.cmpi sge, %add3A_205, %ge3A_206 : i32
      %convert_element_type3A_208 = arith.extui %ge3A_207 : i1 to i32
      %cond3A_209 = arith.constant 0 : i32
      %cond3A_210 = arith.cmpi ne, %convert_element_type3A_208, %cond3A_209 : i32
      scf.if %cond3A_210 {
        %sub3A = arith.constant 8 : i32
        %sub3A_219 = arith.subi %add3A_205, %sub3A : i32
        %dma_wait3A_220 = arith.constant 7 : i32
        %dma_wait3A_221 = arith.constant 0 : i32
        %dma_wait3A_222 = tpu.memref_slice %arg6[%sub3A_219, %dma_wait3A_221] : memref<80x128xi32, #tpu.memory_space<vmem>> -> memref<1x128xi32, #tpu.memory_space<vmem>>
        %dma_wait3A_223 = tpu.memref_squeeze %dma_wait3A_222 : memref<1x128xi32, #tpu.memory_space<vmem>> -> memref<128xi32, #tpu.memory_space<vmem>>
        %dma_wait3A_224 = arith.constant 0 : i32
        %dma_wait3A_225 = tpu.memref_slice %arg9[%dma_wait3A_224] : memref<10240xf32, #tpu.memory_space<vmem_shared>> -> memref<10240xf32, #tpu.memory_space<vmem_shared>>
        %dma_wait3A_226 = tpu.memref_slice %arg10[%dma_wait3A_220] : memref<8x!tpu.dma_semaphore, #tpu.memory_space<semaphore_mem>> -> memref<1x!tpu.dma_semaphore, #tpu.memory_space<semaphore_mem>>
        %dma_wait3A_227 = tpu.memref_squeeze %dma_wait3A_226 : memref<1x!tpu.dma_semaphore, #tpu.memory_space<semaphore_mem>> -> memref<!tpu.dma_semaphore, #tpu.memory_space<semaphore_mem>>
        tpu.wait_indirect_dma semaphore(%dma_wait3A_227 : memref<!tpu.dma_semaphore, #tpu.memory_space<semaphore_mem>>) src(%arg7 : memref<128xf32, #tpu.memory_space<vmem>>) dst(%dma_wait3A_225 : memref<10240xf32, #tpu.memory_space<vmem_shared>>)
      } else {
      }
      %dma_start3A_211 = arith.constant 7 : i32
      %dma_start3A_212 = arith.constant 0 : i32
      %dma_start3A_213 = tpu.memref_slice %arg6[%add3A_205, %dma_start3A_212] : memref<80x128xi32, #tpu.memory_space<vmem>> -> memref<1x128xi32, #tpu.memory_space<vmem>>
      %dma_start3A_214 = tpu.memref_squeeze %dma_start3A_213 : memref<1x128xi32, #tpu.memory_space<vmem>> -> memref<128xi32, #tpu.memory_space<vmem>>
      %dma_start3A_215 = arith.constant 0 : i32
      %dma_start3A_216 = tpu.memref_slice %arg9[%dma_start3A_215] : memref<10240xf32, #tpu.memory_space<vmem_shared>> -> memref<10240xf32, #tpu.memory_space<vmem_shared>>
      %dma_start3A_217 = tpu.memref_slice %arg10[%dma_start3A_211] : memref<8x!tpu.dma_semaphore, #tpu.memory_space<semaphore_mem>> -> memref<1x!tpu.dma_semaphore, #tpu.memory_space<semaphore_mem>>
      %dma_start3A_218 = tpu.memref_squeeze %dma_start3A_217 : memref<1x!tpu.dma_semaphore, #tpu.memory_space<semaphore_mem>> -> memref<!tpu.dma_semaphore, #tpu.memory_space<semaphore_mem>>
      tpu.enqueue_indirect_dma source(%arg7 : memref<128xf32, #tpu.memory_space<vmem>>) target(%dma_start3A_216 : memref<10240xf32, #tpu.memory_space<vmem_shared>>) offsets(%dma_start3A_214 : memref<128xi32, #tpu.memory_space<vmem>>) semaphore(%dma_start3A_218 : memref<!tpu.dma_semaphore, #tpu.memory_space<semaphore_mem>>) {add = true}
    }
    %scan3A_9 = arith.constant 10 : i32
    %dma_wait3A = arith.constant 72 : i32
    %dma_wait3A_10 = arith.constant 0 : i32
    %dma_wait3A_11 = arith.constant 0 : i32
    %dma_wait3A_12 = tpu.memref_slice %arg6[%dma_wait3A, %dma_wait3A_11] : memref<80x128xi32, #tpu.memory_space<vmem>> -> memref<1x128xi32, #tpu.memory_space<vmem>>
    %dma_wait3A_13 = tpu.memref_squeeze %dma_wait3A_12 : memref<1x128xi32, #tpu.memory_space<vmem>> -> memref<128xi32, #tpu.memory_space<vmem>>
    %dma_wait3A_14 = arith.constant 0 : i32
    %dma_wait3A_15 = tpu.memref_slice %arg9[%dma_wait3A_14] : memref<10240xf32, #tpu.memory_space<vmem_shared>> -> memref<10240xf32, #tpu.memory_space<vmem_shared>>
    %dma_wait3A_16 = tpu.memref_slice %arg10[%dma_wait3A_10] : memref<8x!tpu.dma_semaphore, #tpu.memory_space<semaphore_mem>> -> memref<1x!tpu.dma_semaphore, #tpu.memory_space<semaphore_mem>>
    %dma_wait3A_17 = tpu.memref_squeeze %dma_wait3A_16 : memref<1x!tpu.dma_semaphore, #tpu.memory_space<semaphore_mem>> -> memref<!tpu.dma_semaphore, #tpu.memory_space<semaphore_mem>>
    tpu.wait_indirect_dma semaphore(%dma_wait3A_17 : memref<!tpu.dma_semaphore, #tpu.memory_space<semaphore_mem>>) src(%arg7 : memref<128xf32, #tpu.memory_space<vmem>>) dst(%dma_wait3A_15 : memref<10240xf32, #tpu.memory_space<vmem_shared>>)
    %dma_wait3A_18 = arith.constant 73 : i32
    %dma_wait3A_19 = arith.constant 1 : i32
    %dma_wait3A_20 = arith.constant 0 : i32
    %dma_wait3A_21 = tpu.memref_slice %arg6[%dma_wait3A_18, %dma_wait3A_20] : memref<80x128xi32, #tpu.memory_space<vmem>> -> memref<1x128xi32, #tpu.memory_space<vmem>>
    %dma_wait3A_22 = tpu.memref_squeeze %dma_wait3A_21 : memref<1x128xi32, #tpu.memory_space<vmem>> -> memref<128xi32, #tpu.memory_space<vmem>>
    %dma_wait3A_23 = arith.constant 0 : i32
    %dma_wait3A_24 = tpu.memref_slice %arg9[%dma_wait3A_23] : memref<10240xf32, #tpu.memory_space<vmem_shared>> -> memref<10240xf32, #tpu.memory_space<vmem_shared>>
    %dma_wait3A_25 = tpu.memref_slice %arg10[%dma_wait3A_19] : memref<8x!tpu.dma_semaphore, #tpu.memory_space<semaphore_mem>> -> memref<1x!tpu.dma_semaphore, #tpu.memory_space<semaphore_mem>>
    %dma_wait3A_26 = tpu.memref_squeeze %dma_wait3A_25 : memref<1x!tpu.dma_semaphore, #tpu.memory_space<semaphore_mem>> -> memref<!tpu.dma_semaphore, #tpu.memory_space<semaphore_mem>>
    tpu.wait_indirect_dma semaphore(%dma_wait3A_26 : memref<!tpu.dma_semaphore, #tpu.memory_space<semaphore_mem>>) src(%arg7 : memref<128xf32, #tpu.memory_space<vmem>>) dst(%dma_wait3A_24 : memref<10240xf32, #tpu.memory_space<vmem_shared>>)
    %dma_wait3A_27 = arith.constant 74 : i32
    %dma_wait3A_28 = arith.constant 2 : i32
    %dma_wait3A_29 = arith.constant 0 : i32
    %dma_wait3A_30 = tpu.memref_slice %arg6[%dma_wait3A_27, %dma_wait3A_29] : memref<80x128xi32, #tpu.memory_space<vmem>> -> memref<1x128xi32, #tpu.memory_space<vmem>>
    %dma_wait3A_31 = tpu.memref_squeeze %dma_wait3A_30 : memref<1x128xi32, #tpu.memory_space<vmem>> -> memref<128xi32, #tpu.memory_space<vmem>>
    %dma_wait3A_32 = arith.constant 0 : i32
    %dma_wait3A_33 = tpu.memref_slice %arg9[%dma_wait3A_32] : memref<10240xf32, #tpu.memory_space<vmem_shared>> -> memref<10240xf32, #tpu.memory_space<vmem_shared>>
    %dma_wait3A_34 = tpu.memref_slice %arg10[%dma_wait3A_28] : memref<8x!tpu.dma_semaphore, #tpu.memory_space<semaphore_mem>> -> memref<1x!tpu.dma_semaphore, #tpu.memory_space<semaphore_mem>>
    %dma_wait3A_35 = tpu.memref_squeeze %dma_wait3A_34 : memref<1x!tpu.dma_semaphore, #tpu.memory_space<semaphore_mem>> -> memref<!tpu.dma_semaphore, #tpu.memory_space<semaphore_mem>>
    tpu.wait_indirect_dma semaphore(%dma_wait3A_35 : memref<!tpu.dma_semaphore, #tpu.memory_space<semaphore_mem>>) src(%arg7 : memref<128xf32, #tpu.memory_space<vmem>>) dst(%dma_wait3A_33 : memref<10240xf32, #tpu.memory_space<vmem_shared>>)
    %dma_wait3A_36 = arith.constant 75 : i32
    %dma_wait3A_37 = arith.constant 3 : i32
    %dma_wait3A_38 = arith.constant 0 : i32
    %dma_wait3A_39 = tpu.memref_slice %arg6[%dma_wait3A_36, %dma_wait3A_38] : memref<80x128xi32, #tpu.memory_space<vmem>> -> memref<1x128xi32, #tpu.memory_space<vmem>>
    %dma_wait3A_40 = tpu.memref_squeeze %dma_wait3A_39 : memref<1x128xi32, #tpu.memory_space<vmem>> -> memref<128xi32, #tpu.memory_space<vmem>>
    %dma_wait3A_41 = arith.constant 0 : i32
    %dma_wait3A_42 = tpu.memref_slice %arg9[%dma_wait3A_41] : memref<10240xf32, #tpu.memory_space<vmem_shared>> -> memref<10240xf32, #tpu.memory_space<vmem_shared>>
    %dma_wait3A_43 = tpu.memref_slice %arg10[%dma_wait3A_37] : memref<8x!tpu.dma_semaphore, #tpu.memory_space<semaphore_mem>> -> memref<1x!tpu.dma_semaphore, #tpu.memory_space<semaphore_mem>>
    %dma_wait3A_44 = tpu.memref_squeeze %dma_wait3A_43 : memref<1x!tpu.dma_semaphore, #tpu.memory_space<semaphore_mem>> -> memref<!tpu.dma_semaphore, #tpu.memory_space<semaphore_mem>>
    tpu.wait_indirect_dma semaphore(%dma_wait3A_44 : memref<!tpu.dma_semaphore, #tpu.memory_space<semaphore_mem>>) src(%arg7 : memref<128xf32, #tpu.memory_space<vmem>>) dst(%dma_wait3A_42 : memref<10240xf32, #tpu.memory_space<vmem_shared>>)
    %dma_wait3A_45 = arith.constant 76 : i32
    %dma_wait3A_46 = arith.constant 4 : i32
    %dma_wait3A_47 = arith.constant 0 : i32
    %dma_wait3A_48 = tpu.memref_slice %arg6[%dma_wait3A_45, %dma_wait3A_47] : memref<80x128xi32, #tpu.memory_space<vmem>> -> memref<1x128xi32, #tpu.memory_space<vmem>>
    %dma_wait3A_49 = tpu.memref_squeeze %dma_wait3A_48 : memref<1x128xi32, #tpu.memory_space<vmem>> -> memref<128xi32, #tpu.memory_space<vmem>>
    %dma_wait3A_50 = arith.constant 0 : i32
    %dma_wait3A_51 = tpu.memref_slice %arg9[%dma_wait3A_50] : memref<10240xf32, #tpu.memory_space<vmem_shared>> -> memref<10240xf32, #tpu.memory_space<vmem_shared>>
    %dma_wait3A_52 = tpu.memref_slice %arg10[%dma_wait3A_46] : memref<8x!tpu.dma_semaphore, #tpu.memory_space<semaphore_mem>> -> memref<1x!tpu.dma_semaphore, #tpu.memory_space<semaphore_mem>>
    %dma_wait3A_53 = tpu.memref_squeeze %dma_wait3A_52 : memref<1x!tpu.dma_semaphore, #tpu.memory_space<semaphore_mem>> -> memref<!tpu.dma_semaphore, #tpu.memory_space<semaphore_mem>>
    tpu.wait_indirect_dma semaphore(%dma_wait3A_53 : memref<!tpu.dma_semaphore, #tpu.memory_space<semaphore_mem>>) src(%arg7 : memref<128xf32, #tpu.memory_space<vmem>>) dst(%dma_wait3A_51 : memref<10240xf32, #tpu.memory_space<vmem_shared>>)
    %dma_wait3A_54 = arith.constant 77 : i32
    %dma_wait3A_55 = arith.constant 5 : i32
    %dma_wait3A_56 = arith.constant 0 : i32
    %dma_wait3A_57 = tpu.memref_slice %arg6[%dma_wait3A_54, %dma_wait3A_56] : memref<80x128xi32, #tpu.memory_space<vmem>> -> memref<1x128xi32, #tpu.memory_space<vmem>>
    %dma_wait3A_58 = tpu.memref_squeeze %dma_wait3A_57 : memref<1x128xi32, #tpu.memory_space<vmem>> -> memref<128xi32, #tpu.memory_space<vmem>>
    %dma_wait3A_59 = arith.constant 0 : i32
    %dma_wait3A_60 = tpu.memref_slice %arg9[%dma_wait3A_59] : memref<10240xf32, #tpu.memory_space<vmem_shared>> -> memref<10240xf32, #tpu.memory_space<vmem_shared>>
    %dma_wait3A_61 = tpu.memref_slice %arg10[%dma_wait3A_55] : memref<8x!tpu.dma_semaphore, #tpu.memory_space<semaphore_mem>> -> memref<1x!tpu.dma_semaphore, #tpu.memory_space<semaphore_mem>>
    %dma_wait3A_62 = tpu.memref_squeeze %dma_wait3A_61 : memref<1x!tpu.dma_semaphore, #tpu.memory_space<semaphore_mem>> -> memref<!tpu.dma_semaphore, #tpu.memory_space<semaphore_mem>>
    tpu.wait_indirect_dma semaphore(%dma_wait3A_62 : memref<!tpu.dma_semaphore, #tpu.memory_space<semaphore_mem>>) src(%arg7 : memref<128xf32, #tpu.memory_space<vmem>>) dst(%dma_wait3A_60 : memref<10240xf32, #tpu.memory_space<vmem_shared>>)
    %dma_wait3A_63 = arith.constant 78 : i32
    %dma_wait3A_64 = arith.constant 6 : i32
    %dma_wait3A_65 = arith.constant 0 : i32
    %dma_wait3A_66 = tpu.memref_slice %arg6[%dma_wait3A_63, %dma_wait3A_65] : memref<80x128xi32, #tpu.memory_space<vmem>> -> memref<1x128xi32, #tpu.memory_space<vmem>>
    %dma_wait3A_67 = tpu.memref_squeeze %dma_wait3A_66 : memref<1x128xi32, #tpu.memory_space<vmem>> -> memref<128xi32, #tpu.memory_space<vmem>>
    %dma_wait3A_68 = arith.constant 0 : i32
    %dma_wait3A_69 = tpu.memref_slice %arg9[%dma_wait3A_68] : memref<10240xf32, #tpu.memory_space<vmem_shared>> -> memref<10240xf32, #tpu.memory_space<vmem_shared>>
    %dma_wait3A_70 = tpu.memref_slice %arg10[%dma_wait3A_64] : memref<8x!tpu.dma_semaphore, #tpu.memory_space<semaphore_mem>> -> memref<1x!tpu.dma_semaphore, #tpu.memory_space<semaphore_mem>>
    %dma_wait3A_71 = tpu.memref_squeeze %dma_wait3A_70 : memref<1x!tpu.dma_semaphore, #tpu.memory_space<semaphore_mem>> -> memref<!tpu.dma_semaphore, #tpu.memory_space<semaphore_mem>>
    tpu.wait_indirect_dma semaphore(%dma_wait3A_71 : memref<!tpu.dma_semaphore, #tpu.memory_space<semaphore_mem>>) src(%arg7 : memref<128xf32, #tpu.memory_space<vmem>>) dst(%dma_wait3A_69 : memref<10240xf32, #tpu.memory_space<vmem_shared>>)
    %dma_wait3A_72 = arith.constant 79 : i32
    %dma_wait3A_73 = arith.constant 7 : i32
    %dma_wait3A_74 = arith.constant 0 : i32
    %dma_wait3A_75 = tpu.memref_slice %arg6[%dma_wait3A_72, %dma_wait3A_74] : memref<80x128xi32, #tpu.memory_space<vmem>> -> memref<1x128xi32, #tpu.memory_space<vmem>>
    %dma_wait3A_76 = tpu.memref_squeeze %dma_wait3A_75 : memref<1x128xi32, #tpu.memory_space<vmem>> -> memref<128xi32, #tpu.memory_space<vmem>>
    %dma_wait3A_77 = arith.constant 0 : i32
    %dma_wait3A_78 = tpu.memref_slice %arg9[%dma_wait3A_77] : memref<10240xf32, #tpu.memory_space<vmem_shared>> -> memref<10240xf32, #tpu.memory_space<vmem_shared>>
    %dma_wait3A_79 = tpu.memref_slice %arg10[%dma_wait3A_73] : memref<8x!tpu.dma_semaphore, #tpu.memory_space<semaphore_mem>> -> memref<1x!tpu.dma_semaphore, #tpu.memory_space<semaphore_mem>>
    %dma_wait3A_80 = tpu.memref_squeeze %dma_wait3A_79 : memref<1x!tpu.dma_semaphore, #tpu.memory_space<semaphore_mem>> -> memref<!tpu.dma_semaphore, #tpu.memory_space<semaphore_mem>>
    tpu.wait_indirect_dma semaphore(%dma_wait3A_80 : memref<!tpu.dma_semaphore, #tpu.memory_space<semaphore_mem>>) src(%arg7 : memref<128xf32, #tpu.memory_space<vmem>>) dst(%dma_wait3A_78 : memref<10240xf32, #tpu.memory_space<vmem_shared>>)
    %barrier3A_81 = arith.constant 0 : index
    tpu.barrier barrier_id(%barrier3A_81)
    %mul3A_82 = arith.constant 640 : i32
    %mul3A_83 = arith.muli %arg1, %mul3A_82 : i32
    "tpu.region"() ({
      %run_scoped3A = tpu.sem_alloc : memref<!tpu.dma_semaphore, #tpu.memory_space<semaphore_mem>>
      %dma_start3A = tpu.memref_slice %arg9[%mul3A_83] : memref<10240xf32, #tpu.memory_space<vmem_shared>> -> memref<640xf32, #tpu.memory_space<vmem_shared>>
      %dma_start3A_86 = tpu.memref_slice %arg9[%mul3A_83] : memref<10240xf32, #tpu.memory_space<vmem_shared>> -> memref<640xf32, #tpu.memory_space<vmem_shared>>
      tpu.enqueue_dma source(%dma_start3A_86 : memref<640xf32, #tpu.memory_space<vmem_shared>>) target(%arg8 : memref<640xf32, #tpu.memory_space<vmem>>) target_semaphore(%run_scoped3A : memref<!tpu.dma_semaphore, #tpu.memory_space<semaphore_mem>>)
      %dma_wait3A_87 = tpu.memref_slice %arg9[%mul3A_83] : memref<10240xf32, #tpu.memory_space<vmem_shared>> -> memref<640xf32, #tpu.memory_space<vmem_shared>>
      %dma_wait3A_88 = tpu.memref_slice %arg9[%mul3A_83] : memref<10240xf32, #tpu.memory_space<vmem_shared>> -> memref<640xf32, #tpu.memory_space<vmem_shared>>
      tpu.wait_dma2 semaphore(%run_scoped3A : memref<!tpu.dma_semaphore, #tpu.memory_space<semaphore_mem>>) src(%dma_wait3A_88 : memref<640xf32, #tpu.memory_space<vmem_shared>>) dst(%arg8 : memref<640xf32, #tpu.memory_space<vmem>>)
      tpu.yield
    }) : () -> ()
    %mul3A_84 = arith.constant 640 : i32
    %mul3A_85 = arith.muli %arg1, %mul3A_84 : i32
    "tpu.region"() ({
      %run_scoped3A = tpu.sem_alloc : memref<!tpu.dma_semaphore, #tpu.memory_space<semaphore_mem>>
      %dma_start3A = tpu.memref_slice %arg5[%arg0, %mul3A_85] : memref<2x10240xf32, #tpu.memory_space<hbm>> -> memref<1x640xf32, #tpu.memory_space<hbm>>
      %dma_start3A_86 = tpu.memref_squeeze %dma_start3A : memref<1x640xf32, #tpu.memory_space<hbm>> -> memref<640xf32, #tpu.memory_space<hbm>>
      %dma_start3A_87 = tpu.memref_slice %arg5[%arg0, %mul3A_85] : memref<2x10240xf32, #tpu.memory_space<hbm>> -> memref<1x640xf32, #tpu.memory_space<hbm>>
      %dma_start3A_88 = tpu.memref_squeeze %dma_start3A_87 : memref<1x640xf32, #tpu.memory_space<hbm>> -> memref<640xf32, #tpu.memory_space<hbm>>
      tpu.enqueue_dma source(%arg8 : memref<640xf32, #tpu.memory_space<vmem>>) target(%dma_start3A_88 : memref<640xf32, #tpu.memory_space<hbm>>) target_semaphore(%run_scoped3A : memref<!tpu.dma_semaphore, #tpu.memory_space<semaphore_mem>>)
      %dma_wait3A_89 = tpu.memref_slice %arg5[%arg0, %mul3A_85] : memref<2x10240xf32, #tpu.memory_space<hbm>> -> memref<1x640xf32, #tpu.memory_space<hbm>>
      %dma_wait3A_90 = tpu.memref_squeeze %dma_wait3A_89 : memref<1x640xf32, #tpu.memory_space<hbm>> -> memref<640xf32, #tpu.memory_space<hbm>>
      %dma_wait3A_91 = tpu.memref_slice %arg5[%arg0, %mul3A_85] : memref<2x10240xf32, #tpu.memory_space<hbm>> -> memref<1x640xf32, #tpu.memory_space<hbm>>
      %dma_wait3A_92 = tpu.memref_squeeze %dma_wait3A_91 : memref<1x640xf32, #tpu.memory_space<hbm>> -> memref<640xf32, #tpu.memory_space<hbm>>
      tpu.wait_dma2 semaphore(%run_scoped3A : memref<!tpu.dma_semaphore, #tpu.memory_space<semaphore_mem>>) src(%arg8 : memref<640xf32, #tpu.memory_space<vmem>>) dst(%dma_wait3A_92 : memref<640xf32, #tpu.memory_space<hbm>>)
      tpu.yield
    }) : () -> ()
    return
  }
}

#map = affine_map<(d0, d1) -> (0, 0)>
#map1 = affine_map<(d0, d1) -> (0, 0, 0)>
module attributes {stable_mosaic.version = 14 : i64} {
  func.func @_seg_body(%arg0: i32, %arg1: i32, %arg2: memref<10240x64xf32, #tpu.memory_space<hbm>>, %arg3: memref<10240x64xf32, #tpu.memory_space<hbm>>, %arg4: memref<2560x128xi32, #tpu.memory_space<hbm>>, %arg5: memref<2560x128xi32, #tpu.memory_space<hbm>>, %arg6: memref<128x64xf32, #tpu.memory_space<hbm>>, %arg7: memref<2x10240x64xf32, #tpu.memory_space<hbm>>, %arg8: memref<2x16x128xi32, #tpu.memory_space<vmem>>, %arg9: memref<2x16x128xi32, #tpu.memory_space<vmem>>, %arg10: memref<4x128x64xf32, #tpu.memory_space<vmem>>, %arg11: memref<10240x64xf32, #tpu.memory_space<vmem_shared>>, %arg12: memref<10240x64xf32, #tpu.memory_space<vmem_shared>>, %arg13: memref<4x!tpu.dma_semaphore, #tpu.memory_space<semaphore_mem>>, %arg14: memref<4x!tpu.dma_semaphore, #tpu.memory_space<semaphore_mem>>, %arg15: memref<2x!tpu.dma_semaphore, #tpu.memory_space<semaphore_mem>>, %arg16: memref<2x!tpu.dma_semaphore, #tpu.memory_space<semaphore_mem>>) attributes {dimension_semantics = [#tpu.dimension_semantics<core_parallel>, #tpu.dimension_semantics<subcore_parallel>], iteration_bounds = array<i64: 2, 16>, scalar_prefetch = 0 : i64, scratch_operands = 9 : i64, tpu.core_type = #tpu.core_type<sc_vector_subcore>, window_params = [{transform_indices = #map}, {transform_indices = #map}, {transform_indices = #map}, {transform_indices = #map}, {transform_indices = #map}, {transform_indices = #map1}]} {
    %mul3A = arith.constant 160 : i32
    %mul3A_0 = arith.muli %arg1, %mul3A : i32
    %run_scoped3A = arith.constant 0 : i32
    "tpu.region"() ({
      %run_scoped3A_166 = tpu.sem_alloc : memref<!tpu.dma_semaphore, #tpu.memory_space<semaphore_mem>>
      %dma_start3A_167 = arith.constant 0 : i32
      %dma_start3A_168 = arith.constant 0 : i32
      %dma_start3A_169 = tpu.memref_slice %arg10[%run_scoped3A, %dma_start3A_167, %dma_start3A_168] : memref<4x128x64xf32, #tpu.memory_space<vmem>> -> memref<1x128x64xf32, #tpu.memory_space<vmem>>
      %dma_start3A_170 = tpu.memref_squeeze %dma_start3A_169 : memref<1x128x64xf32, #tpu.memory_space<vmem>> -> memref<128x64xf32, #tpu.memory_space<vmem>>
      %dma_start3A_171 = arith.constant 0 : i32
      %dma_start3A_172 = arith.constant 0 : i32
      %dma_start3A_173 = tpu.memref_slice %arg10[%run_scoped3A, %dma_start3A_171, %dma_start3A_172] : memref<4x128x64xf32, #tpu.memory_space<vmem>> -> memref<1x128x64xf32, #tpu.memory_space<vmem>>
      %dma_start3A_174 = tpu.memref_squeeze %dma_start3A_173 : memref<1x128x64xf32, #tpu.memory_space<vmem>> -> memref<128x64xf32, #tpu.memory_space<vmem>>
      tpu.enqueue_dma source(%arg6 : memref<128x64xf32, #tpu.memory_space<hbm>>) target(%dma_start3A_174 : memref<128x64xf32, #tpu.memory_space<vmem>>) target_semaphore(%run_scoped3A_166 : memref<!tpu.dma_semaphore, #tpu.memory_space<semaphore_mem>>)
      %dma_wait3A_175 = arith.constant 0 : i32
      %dma_wait3A_176 = arith.constant 0 : i32
      %dma_wait3A_177 = tpu.memref_slice %arg10[%run_scoped3A, %dma_wait3A_175, %dma_wait3A_176] : memref<4x128x64xf32, #tpu.memory_space<vmem>> -> memref<1x128x64xf32, #tpu.memory_space<vmem>>
      %dma_wait3A_178 = tpu.memref_squeeze %dma_wait3A_177 : memref<1x128x64xf32, #tpu.memory_space<vmem>> -> memref<128x64xf32, #tpu.memory_space<vmem>>
      %dma_wait3A_179 = arith.constant 0 : i32
      %dma_wait3A_180 = arith.constant 0 : i32
      %dma_wait3A_181 = tpu.memref_slice %arg10[%run_scoped3A, %dma_wait3A_179, %dma_wait3A_180] : memref<4x128x64xf32, #tpu.memory_space<vmem>> -> memref<1x128x64xf32, #tpu.memory_space<vmem>>
      %dma_wait3A_182 = tpu.memref_squeeze %dma_wait3A_181 : memref<1x128x64xf32, #tpu.memory_space<vmem>> -> memref<128x64xf32, #tpu.memory_space<vmem>>
      tpu.wait_dma2 semaphore(%run_scoped3A_166 : memref<!tpu.dma_semaphore, #tpu.memory_space<semaphore_mem>>) src(%arg6 : memref<128x64xf32, #tpu.memory_space<hbm>>) dst(%dma_wait3A_182 : memref<128x64xf32, #tpu.memory_space<vmem>>)
      tpu.yield
    }) : () -> ()
    %mul3A_1 = arith.constant 640 : i32
    %mul3A_2 = arith.muli %arg1, %mul3A_1 : i32
    %add3A = arith.constant 0 : i32
    %add3A_3 = arith.addi %mul3A_2, %add3A : i32
    %run_scoped3A_4 = arith.constant 0 : i32
    "tpu.region"() ({
      %run_scoped3A_166 = tpu.sem_alloc : memref<!tpu.dma_semaphore, #tpu.memory_space<semaphore_mem>>
      %dma_start3A_167 = arith.constant 0 : i32
      %dma_start3A_168 = arith.constant 0 : i32
      %dma_start3A_169 = tpu.memref_slice %arg10[%run_scoped3A_4, %dma_start3A_167, %dma_start3A_168] : memref<4x128x64xf32, #tpu.memory_space<vmem>> -> memref<1x128x64xf32, #tpu.memory_space<vmem>>
      %dma_start3A_170 = tpu.memref_squeeze %dma_start3A_169 : memref<1x128x64xf32, #tpu.memory_space<vmem>> -> memref<128x64xf32, #tpu.memory_space<vmem>>
      %dma_start3A_171 = arith.constant 0 : i32
      %dma_start3A_172 = tpu.memref_slice %arg11[%add3A_3, %dma_start3A_171] : memref<10240x64xf32, #tpu.memory_space<vmem_shared>> -> memref<128x64xf32, #tpu.memory_space<vmem_shared>>
      %dma_start3A_173 = arith.constant 0 : i32
      %dma_start3A_174 = tpu.memref_slice %arg11[%add3A_3, %dma_start3A_173] : memref<10240x64xf32, #tpu.memory_space<vmem_shared>> -> memref<128x64xf32, #tpu.memory_space<vmem_shared>>
      %dma_start3A_175 = arith.constant 0 : i32
      %dma_start3A_176 = arith.constant 0 : i32
      %dma_start3A_177 = tpu.memref_slice %arg10[%run_scoped3A_4, %dma_start3A_175, %dma_start3A_176] : memref<4x128x64xf32, #tpu.memory_space<vmem>> -> memref<1x128x64xf32, #tpu.memory_space<vmem>>
      %dma_start3A_178 = tpu.memref_squeeze %dma_start3A_177 : memref<1x128x64xf32, #tpu.memory_space<vmem>> -> memref<128x64xf32, #tpu.memory_space<vmem>>
      tpu.enqueue_dma source(%dma_start3A_178 : memref<128x64xf32, #tpu.memory_space<vmem>>) target(%dma_start3A_174 : memref<128x64xf32, #tpu.memory_space<vmem_shared>>) target_semaphore(%run_scoped3A_166 : memref<!tpu.dma_semaphore, #tpu.memory_space<semaphore_mem>>)
      %dma_wait3A_179 = arith.constant 0 : i32
      %dma_wait3A_180 = arith.constant 0 : i32
      %dma_wait3A_181 = tpu.memref_slice %arg10[%run_scoped3A_4, %dma_wait3A_179, %dma_wait3A_180] : memref<4x128x64xf32, #tpu.memory_space<vmem>> -> memref<1x128x64xf32, #tpu.memory_space<vmem>>
      %dma_wait3A_182 = tpu.memref_squeeze %dma_wait3A_181 : memref<1x128x64xf32, #tpu.memory_space<vmem>> -> memref<128x64xf32, #tpu.memory_space<vmem>>
      %dma_wait3A_183 = arith.constant 0 : i32
      %dma_wait3A_184 = tpu.memref_slice %arg11[%add3A_3, %dma_wait3A_183] : memref<10240x64xf32, #tpu.memory_space<vmem_shared>> -> memref<128x64xf32, #tpu.memory_space<vmem_shared>>
      %dma_wait3A_185 = arith.constant 0 : i32
      %dma_wait3A_186 = tpu.memref_slice %arg11[%add3A_3, %dma_wait3A_185] : memref<10240x64xf32, #tpu.memory_space<vmem_shared>> -> memref<128x64xf32, #tpu.memory_space<vmem_shared>>
      %dma_wait3A_187 = arith.constant 0 : i32
      %dma_wait3A_188 = arith.constant 0 : i32
      %dma_wait3A_189 = tpu.memref_slice %arg10[%run_scoped3A_4, %dma_wait3A_187, %dma_wait3A_188] : memref<4x128x64xf32, #tpu.memory_space<vmem>> -> memref<1x128x64xf32, #tpu.memory_space<vmem>>
      %dma_wait3A_190 = tpu.memref_squeeze %dma_wait3A_189 : memref<1x128x64xf32, #tpu.memory_space<vmem>> -> memref<128x64xf32, #tpu.memory_space<vmem>>
      tpu.wait_dma2 semaphore(%run_scoped3A_166 : memref<!tpu.dma_semaphore, #tpu.memory_space<semaphore_mem>>) src(%dma_wait3A_190 : memref<128x64xf32, #tpu.memory_space<vmem>>) dst(%dma_wait3A_186 : memref<128x64xf32, #tpu.memory_space<vmem_shared>>)
      tpu.yield
    }) : () -> ()
    %mul3A_5 = arith.constant 640 : i32
    %mul3A_6 = arith.muli %arg1, %mul3A_5 : i32
    %add3A_7 = arith.constant 128 : i32
    %add3A_8 = arith.addi %mul3A_6, %add3A_7 : i32
    %run_scoped3A_9 = arith.constant 0 : i32
    "tpu.region"() ({
      %run_scoped3A_166 = tpu.sem_alloc : memref<!tpu.dma_semaphore, #tpu.memory_space<semaphore_mem>>
      %dma_start3A_167 = arith.constant 0 : i32
      %dma_start3A_168 = arith.constant 0 : i32
      %dma_start3A_169 = tpu.memref_slice %arg10[%run_scoped3A_9, %dma_start3A_167, %dma_start3A_168] : memref<4x128x64xf32, #tpu.memory_space<vmem>> -> memref<1x128x64xf32, #tpu.memory_space<vmem>>
      %dma_start3A_170 = tpu.memref_squeeze %dma_start3A_169 : memref<1x128x64xf32, #tpu.memory_space<vmem>> -> memref<128x64xf32, #tpu.memory_space<vmem>>
      %dma_start3A_171 = arith.constant 0 : i32
      %dma_start3A_172 = tpu.memref_slice %arg11[%add3A_8, %dma_start3A_171] : memref<10240x64xf32, #tpu.memory_space<vmem_shared>> -> memref<128x64xf32, #tpu.memory_space<vmem_shared>>
      %dma_start3A_173 = arith.constant 0 : i32
      %dma_start3A_174 = tpu.memref_slice %arg11[%add3A_8, %dma_start3A_173] : memref<10240x64xf32, #tpu.memory_space<vmem_shared>> -> memref<128x64xf32, #tpu.memory_space<vmem_shared>>
      %dma_start3A_175 = arith.constant 0 : i32
      %dma_start3A_176 = arith.constant 0 : i32
      %dma_start3A_177 = tpu.memref_slice %arg10[%run_scoped3A_9, %dma_start3A_175, %dma_start3A_176] : memref<4x128x64xf32, #tpu.memory_space<vmem>> -> memref<1x128x64xf32, #tpu.memory_space<vmem>>
      %dma_start3A_178 = tpu.memref_squeeze %dma_start3A_177 : memref<1x128x64xf32, #tpu.memory_space<vmem>> -> memref<128x64xf32, #tpu.memory_space<vmem>>
      tpu.enqueue_dma source(%dma_start3A_178 : memref<128x64xf32, #tpu.memory_space<vmem>>) target(%dma_start3A_174 : memref<128x64xf32, #tpu.memory_space<vmem_shared>>) target_semaphore(%run_scoped3A_166 : memref<!tpu.dma_semaphore, #tpu.memory_space<semaphore_mem>>)
      %dma_wait3A_179 = arith.constant 0 : i32
      %dma_wait3A_180 = arith.constant 0 : i32
      %dma_wait3A_181 = tpu.memref_slice %arg10[%run_scoped3A_9, %dma_wait3A_179, %dma_wait3A_180] : memref<4x128x64xf32, #tpu.memory_space<vmem>> -> memref<1x128x64xf32, #tpu.memory_space<vmem>>
      %dma_wait3A_182 = tpu.memref_squeeze %dma_wait3A_181 : memref<1x128x64xf32, #tpu.memory_space<vmem>> -> memref<128x64xf32, #tpu.memory_space<vmem>>
      %dma_wait3A_183 = arith.constant 0 : i32
      %dma_wait3A_184 = tpu.memref_slice %arg11[%add3A_8, %dma_wait3A_183] : memref<10240x64xf32, #tpu.memory_space<vmem_shared>> -> memref<128x64xf32, #tpu.memory_space<vmem_shared>>
      %dma_wait3A_185 = arith.constant 0 : i32
      %dma_wait3A_186 = tpu.memref_slice %arg11[%add3A_8, %dma_wait3A_185] : memref<10240x64xf32, #tpu.memory_space<vmem_shared>> -> memref<128x64xf32, #tpu.memory_space<vmem_shared>>
      %dma_wait3A_187 = arith.constant 0 : i32
      %dma_wait3A_188 = arith.constant 0 : i32
      %dma_wait3A_189 = tpu.memref_slice %arg10[%run_scoped3A_9, %dma_wait3A_187, %dma_wait3A_188] : memref<4x128x64xf32, #tpu.memory_space<vmem>> -> memref<1x128x64xf32, #tpu.memory_space<vmem>>
      %dma_wait3A_190 = tpu.memref_squeeze %dma_wait3A_189 : memref<1x128x64xf32, #tpu.memory_space<vmem>> -> memref<128x64xf32, #tpu.memory_space<vmem>>
      tpu.wait_dma2 semaphore(%run_scoped3A_166 : memref<!tpu.dma_semaphore, #tpu.memory_space<semaphore_mem>>) src(%dma_wait3A_190 : memref<128x64xf32, #tpu.memory_space<vmem>>) dst(%dma_wait3A_186 : memref<128x64xf32, #tpu.memory_space<vmem_shared>>)
      tpu.yield
    }) : () -> ()
    %mul3A_10 = arith.constant 640 : i32
    %mul3A_11 = arith.muli %arg1, %mul3A_10 : i32
    %add3A_12 = arith.constant 256 : i32
    %add3A_13 = arith.addi %mul3A_11, %add3A_12 : i32
    %run_scoped3A_14 = arith.constant 0 : i32
    "tpu.region"() ({
      %run_scoped3A_166 = tpu.sem_alloc : memref<!tpu.dma_semaphore, #tpu.memory_space<semaphore_mem>>
      %dma_start3A_167 = arith.constant 0 : i32
      %dma_start3A_168 = arith.constant 0 : i32
      %dma_start3A_169 = tpu.memref_slice %arg10[%run_scoped3A_14, %dma_start3A_167, %dma_start3A_168] : memref<4x128x64xf32, #tpu.memory_space<vmem>> -> memref<1x128x64xf32, #tpu.memory_space<vmem>>
      %dma_start3A_170 = tpu.memref_squeeze %dma_start3A_169 : memref<1x128x64xf32, #tpu.memory_space<vmem>> -> memref<128x64xf32, #tpu.memory_space<vmem>>
      %dma_start3A_171 = arith.constant 0 : i32
      %dma_start3A_172 = tpu.memref_slice %arg11[%add3A_13, %dma_start3A_171] : memref<10240x64xf32, #tpu.memory_space<vmem_shared>> -> memref<128x64xf32, #tpu.memory_space<vmem_shared>>
      %dma_start3A_173 = arith.constant 0 : i32
      %dma_start3A_174 = tpu.memref_slice %arg11[%add3A_13, %dma_start3A_173] : memref<10240x64xf32, #tpu.memory_space<vmem_shared>> -> memref<128x64xf32, #tpu.memory_space<vmem_shared>>
      %dma_start3A_175 = arith.constant 0 : i32
      %dma_start3A_176 = arith.constant 0 : i32
      %dma_start3A_177 = tpu.memref_slice %arg10[%run_scoped3A_14, %dma_start3A_175, %dma_start3A_176] : memref<4x128x64xf32, #tpu.memory_space<vmem>> -> memref<1x128x64xf32, #tpu.memory_space<vmem>>
      %dma_start3A_178 = tpu.memref_squeeze %dma_start3A_177 : memref<1x128x64xf32, #tpu.memory_space<vmem>> -> memref<128x64xf32, #tpu.memory_space<vmem>>
      tpu.enqueue_dma source(%dma_start3A_178 : memref<128x64xf32, #tpu.memory_space<vmem>>) target(%dma_start3A_174 : memref<128x64xf32, #tpu.memory_space<vmem_shared>>) target_semaphore(%run_scoped3A_166 : memref<!tpu.dma_semaphore, #tpu.memory_space<semaphore_mem>>)
      %dma_wait3A_179 = arith.constant 0 : i32
      %dma_wait3A_180 = arith.constant 0 : i32
      %dma_wait3A_181 = tpu.memref_slice %arg10[%run_scoped3A_14, %dma_wait3A_179, %dma_wait3A_180] : memref<4x128x64xf32, #tpu.memory_space<vmem>> -> memref<1x128x64xf32, #tpu.memory_space<vmem>>
      %dma_wait3A_182 = tpu.memref_squeeze %dma_wait3A_181 : memref<1x128x64xf32, #tpu.memory_space<vmem>> -> memref<128x64xf32, #tpu.memory_space<vmem>>
      %dma_wait3A_183 = arith.constant 0 : i32
      %dma_wait3A_184 = tpu.memref_slice %arg11[%add3A_13, %dma_wait3A_183] : memref<10240x64xf32, #tpu.memory_space<vmem_shared>> -> memref<128x64xf32, #tpu.memory_space<vmem_shared>>
      %dma_wait3A_185 = arith.constant 0 : i32
      %dma_wait3A_186 = tpu.memref_slice %arg11[%add3A_13, %dma_wait3A_185] : memref<10240x64xf32, #tpu.memory_space<vmem_shared>> -> memref<128x64xf32, #tpu.memory_space<vmem_shared>>
      %dma_wait3A_187 = arith.constant 0 : i32
      %dma_wait3A_188 = arith.constant 0 : i32
      %dma_wait3A_189 = tpu.memref_slice %arg10[%run_scoped3A_14, %dma_wait3A_187, %dma_wait3A_188] : memref<4x128x64xf32, #tpu.memory_space<vmem>> -> memref<1x128x64xf32, #tpu.memory_space<vmem>>
      %dma_wait3A_190 = tpu.memref_squeeze %dma_wait3A_189 : memref<1x128x64xf32, #tpu.memory_space<vmem>> -> memref<128x64xf32, #tpu.memory_space<vmem>>
      tpu.wait_dma2 semaphore(%run_scoped3A_166 : memref<!tpu.dma_semaphore, #tpu.memory_space<semaphore_mem>>) src(%dma_wait3A_190 : memref<128x64xf32, #tpu.memory_space<vmem>>) dst(%dma_wait3A_186 : memref<128x64xf32, #tpu.memory_space<vmem_shared>>)
      tpu.yield
    }) : () -> ()
    %mul3A_15 = arith.constant 640 : i32
    %mul3A_16 = arith.muli %arg1, %mul3A_15 : i32
    %add3A_17 = arith.constant 384 : i32
    %add3A_18 = arith.addi %mul3A_16, %add3A_17 : i32
    %run_scoped3A_19 = arith.constant 0 : i32
    "tpu.region"() ({
      %run_scoped3A_166 = tpu.sem_alloc : memref<!tpu.dma_semaphore, #tpu.memory_space<semaphore_mem>>
      %dma_start3A_167 = arith.constant 0 : i32
      %dma_start3A_168 = arith.constant 0 : i32
      %dma_start3A_169 = tpu.memref_slice %arg10[%run_scoped3A_19, %dma_start3A_167, %dma_start3A_168] : memref<4x128x64xf32, #tpu.memory_space<vmem>> -> memref<1x128x64xf32, #tpu.memory_space<vmem>>
      %dma_start3A_170 = tpu.memref_squeeze %dma_start3A_169 : memref<1x128x64xf32, #tpu.memory_space<vmem>> -> memref<128x64xf32, #tpu.memory_space<vmem>>
      %dma_start3A_171 = arith.constant 0 : i32
      %dma_start3A_172 = tpu.memref_slice %arg11[%add3A_18, %dma_start3A_171] : memref<10240x64xf32, #tpu.memory_space<vmem_shared>> -> memref<128x64xf32, #tpu.memory_space<vmem_shared>>
      %dma_start3A_173 = arith.constant 0 : i32
      %dma_start3A_174 = tpu.memref_slice %arg11[%add3A_18, %dma_start3A_173] : memref<10240x64xf32, #tpu.memory_space<vmem_shared>> -> memref<128x64xf32, #tpu.memory_space<vmem_shared>>
      %dma_start3A_175 = arith.constant 0 : i32
      %dma_start3A_176 = arith.constant 0 : i32
      %dma_start3A_177 = tpu.memref_slice %arg10[%run_scoped3A_19, %dma_start3A_175, %dma_start3A_176] : memref<4x128x64xf32, #tpu.memory_space<vmem>> -> memref<1x128x64xf32, #tpu.memory_space<vmem>>
      %dma_start3A_178 = tpu.memref_squeeze %dma_start3A_177 : memref<1x128x64xf32, #tpu.memory_space<vmem>> -> memref<128x64xf32, #tpu.memory_space<vmem>>
      tpu.enqueue_dma source(%dma_start3A_178 : memref<128x64xf32, #tpu.memory_space<vmem>>) target(%dma_start3A_174 : memref<128x64xf32, #tpu.memory_space<vmem_shared>>) target_semaphore(%run_scoped3A_166 : memref<!tpu.dma_semaphore, #tpu.memory_space<semaphore_mem>>)
      %dma_wait3A_179 = arith.constant 0 : i32
      %dma_wait3A_180 = arith.constant 0 : i32
      %dma_wait3A_181 = tpu.memref_slice %arg10[%run_scoped3A_19, %dma_wait3A_179, %dma_wait3A_180] : memref<4x128x64xf32, #tpu.memory_space<vmem>> -> memref<1x128x64xf32, #tpu.memory_space<vmem>>
      %dma_wait3A_182 = tpu.memref_squeeze %dma_wait3A_181 : memref<1x128x64xf32, #tpu.memory_space<vmem>> -> memref<128x64xf32, #tpu.memory_space<vmem>>
      %dma_wait3A_183 = arith.constant 0 : i32
      %dma_wait3A_184 = tpu.memref_slice %arg11[%add3A_18, %dma_wait3A_183] : memref<10240x64xf32, #tpu.memory_space<vmem_shared>> -> memref<128x64xf32, #tpu.memory_space<vmem_shared>>
      %dma_wait3A_185 = arith.constant 0 : i32
      %dma_wait3A_186 = tpu.memref_slice %arg11[%add3A_18, %dma_wait3A_185] : memref<10240x64xf32, #tpu.memory_space<vmem_shared>> -> memref<128x64xf32, #tpu.memory_space<vmem_shared>>
      %dma_wait3A_187 = arith.constant 0 : i32
      %dma_wait3A_188 = arith.constant 0 : i32
      %dma_wait3A_189 = tpu.memref_slice %arg10[%run_scoped3A_19, %dma_wait3A_187, %dma_wait3A_188] : memref<4x128x64xf32, #tpu.memory_space<vmem>> -> memref<1x128x64xf32, #tpu.memory_space<vmem>>
      %dma_wait3A_190 = tpu.memref_squeeze %dma_wait3A_189 : memref<1x128x64xf32, #tpu.memory_space<vmem>> -> memref<128x64xf32, #tpu.memory_space<vmem>>
      tpu.wait_dma2 semaphore(%run_scoped3A_166 : memref<!tpu.dma_semaphore, #tpu.memory_space<semaphore_mem>>) src(%dma_wait3A_190 : memref<128x64xf32, #tpu.memory_space<vmem>>) dst(%dma_wait3A_186 : memref<128x64xf32, #tpu.memory_space<vmem_shared>>)
      tpu.yield
    }) : () -> ()
    %mul3A_20 = arith.constant 640 : i32
    %mul3A_21 = arith.muli %arg1, %mul3A_20 : i32
    %add3A_22 = arith.constant 512 : i32
    %add3A_23 = arith.addi %mul3A_21, %add3A_22 : i32
    %run_scoped3A_24 = arith.constant 0 : i32
    "tpu.region"() ({
      %run_scoped3A_166 = tpu.sem_alloc : memref<!tpu.dma_semaphore, #tpu.memory_space<semaphore_mem>>
      %dma_start3A_167 = arith.constant 0 : i32
      %dma_start3A_168 = arith.constant 0 : i32
      %dma_start3A_169 = tpu.memref_slice %arg10[%run_scoped3A_24, %dma_start3A_167, %dma_start3A_168] : memref<4x128x64xf32, #tpu.memory_space<vmem>> -> memref<1x128x64xf32, #tpu.memory_space<vmem>>
      %dma_start3A_170 = tpu.memref_squeeze %dma_start3A_169 : memref<1x128x64xf32, #tpu.memory_space<vmem>> -> memref<128x64xf32, #tpu.memory_space<vmem>>
      %dma_start3A_171 = arith.constant 0 : i32
      %dma_start3A_172 = tpu.memref_slice %arg11[%add3A_23, %dma_start3A_171] : memref<10240x64xf32, #tpu.memory_space<vmem_shared>> -> memref<128x64xf32, #tpu.memory_space<vmem_shared>>
      %dma_start3A_173 = arith.constant 0 : i32
      %dma_start3A_174 = tpu.memref_slice %arg11[%add3A_23, %dma_start3A_173] : memref<10240x64xf32, #tpu.memory_space<vmem_shared>> -> memref<128x64xf32, #tpu.memory_space<vmem_shared>>
      %dma_start3A_175 = arith.constant 0 : i32
      %dma_start3A_176 = arith.constant 0 : i32
      %dma_start3A_177 = tpu.memref_slice %arg10[%run_scoped3A_24, %dma_start3A_175, %dma_start3A_176] : memref<4x128x64xf32, #tpu.memory_space<vmem>> -> memref<1x128x64xf32, #tpu.memory_space<vmem>>
      %dma_start3A_178 = tpu.memref_squeeze %dma_start3A_177 : memref<1x128x64xf32, #tpu.memory_space<vmem>> -> memref<128x64xf32, #tpu.memory_space<vmem>>
      tpu.enqueue_dma source(%dma_start3A_178 : memref<128x64xf32, #tpu.memory_space<vmem>>) target(%dma_start3A_174 : memref<128x64xf32, #tpu.memory_space<vmem_shared>>) target_semaphore(%run_scoped3A_166 : memref<!tpu.dma_semaphore, #tpu.memory_space<semaphore_mem>>)
      %dma_wait3A_179 = arith.constant 0 : i32
      %dma_wait3A_180 = arith.constant 0 : i32
      %dma_wait3A_181 = tpu.memref_slice %arg10[%run_scoped3A_24, %dma_wait3A_179, %dma_wait3A_180] : memref<4x128x64xf32, #tpu.memory_space<vmem>> -> memref<1x128x64xf32, #tpu.memory_space<vmem>>
      %dma_wait3A_182 = tpu.memref_squeeze %dma_wait3A_181 : memref<1x128x64xf32, #tpu.memory_space<vmem>> -> memref<128x64xf32, #tpu.memory_space<vmem>>
      %dma_wait3A_183 = arith.constant 0 : i32
      %dma_wait3A_184 = tpu.memref_slice %arg11[%add3A_23, %dma_wait3A_183] : memref<10240x64xf32, #tpu.memory_space<vmem_shared>> -> memref<128x64xf32, #tpu.memory_space<vmem_shared>>
      %dma_wait3A_185 = arith.constant 0 : i32
      %dma_wait3A_186 = tpu.memref_slice %arg11[%add3A_23, %dma_wait3A_185] : memref<10240x64xf32, #tpu.memory_space<vmem_shared>> -> memref<128x64xf32, #tpu.memory_space<vmem_shared>>
      %dma_wait3A_187 = arith.constant 0 : i32
      %dma_wait3A_188 = arith.constant 0 : i32
      %dma_wait3A_189 = tpu.memref_slice %arg10[%run_scoped3A_24, %dma_wait3A_187, %dma_wait3A_188] : memref<4x128x64xf32, #tpu.memory_space<vmem>> -> memref<1x128x64xf32, #tpu.memory_space<vmem>>
      %dma_wait3A_190 = tpu.memref_squeeze %dma_wait3A_189 : memref<1x128x64xf32, #tpu.memory_space<vmem>> -> memref<128x64xf32, #tpu.memory_space<vmem>>
      tpu.wait_dma2 semaphore(%run_scoped3A_166 : memref<!tpu.dma_semaphore, #tpu.memory_space<semaphore_mem>>) src(%dma_wait3A_190 : memref<128x64xf32, #tpu.memory_space<vmem>>) dst(%dma_wait3A_186 : memref<128x64xf32, #tpu.memory_space<vmem_shared>>)
      tpu.yield
    }) : () -> ()
    %mul3A_25 = arith.constant 640 : i32
    %mul3A_26 = arith.muli %arg1, %mul3A_25 : i32
    %eq3A = arith.constant 0 : i32
    %eq3A_27 = arith.cmpi eq, %arg0, %eq3A : i32
    %convert_element_type3A = arith.extui %eq3A_27 : i1 to i32
    %cond3A = arith.constant 0 : i32
    %cond3A_28 = arith.cmpi ne, %convert_element_type3A, %cond3A : i32
    scf.if %cond3A_28 {
      "tpu.region"() ({
        %run_scoped3A_166 = tpu.sem_alloc : memref<!tpu.dma_semaphore, #tpu.memory_space<semaphore_mem>>
        %dma_start3A_167 = arith.constant 0 : i32
        %dma_start3A_168 = tpu.memref_slice %arg12[%mul3A_26, %dma_start3A_167] : memref<10240x64xf32, #tpu.memory_space<vmem_shared>> -> memref<640x64xf32, #tpu.memory_space<vmem_shared>>
        %dma_start3A_169 = arith.constant 0 : i32
        %dma_start3A_170 = tpu.memref_slice %arg2[%mul3A_26, %dma_start3A_169] : memref<10240x64xf32, #tpu.memory_space<hbm>> -> memref<640x64xf32, #tpu.memory_space<hbm>>
        tpu.enqueue_dma source(%dma_start3A_170 : memref<640x64xf32, #tpu.memory_space<hbm>>) target(%dma_start3A_168 : memref<640x64xf32, #tpu.memory_space<vmem_shared>>) target_semaphore(%run_scoped3A_166 : memref<!tpu.dma_semaphore, #tpu.memory_space<semaphore_mem>>)
        %dma_wait3A_171 = arith.constant 0 : i32
        %dma_wait3A_172 = tpu.memref_slice %arg12[%mul3A_26, %dma_wait3A_171] : memref<10240x64xf32, #tpu.memory_space<vmem_shared>> -> memref<640x64xf32, #tpu.memory_space<vmem_shared>>
        %dma_wait3A_173 = arith.constant 0 : i32
        %dma_wait3A_174 = tpu.memref_slice %arg2[%mul3A_26, %dma_wait3A_173] : memref<10240x64xf32, #tpu.memory_space<hbm>> -> memref<640x64xf32, #tpu.memory_space<hbm>>
        tpu.wait_dma2 semaphore(%run_scoped3A_166 : memref<!tpu.dma_semaphore, #tpu.memory_space<semaphore_mem>>) src(%dma_wait3A_174 : memref<640x64xf32, #tpu.memory_space<hbm>>) dst(%dma_wait3A_172 : memref<640x64xf32, #tpu.memory_space<vmem_shared>>)
        tpu.yield
      }) : () -> ()
    } else {
    }
    %eq3A_29 = arith.constant 1 : i32
    %eq3A_30 = arith.cmpi eq, %arg0, %eq3A_29 : i32
    %convert_element_type3A_31 = arith.extui %eq3A_30 : i1 to i32
    %cond3A_32 = arith.constant 0 : i32
    %cond3A_33 = arith.cmpi ne, %convert_element_type3A_31, %cond3A_32 : i32
    scf.if %cond3A_33 {
      "tpu.region"() ({
        %run_scoped3A_166 = tpu.sem_alloc : memref<!tpu.dma_semaphore, #tpu.memory_space<semaphore_mem>>
        %dma_start3A_167 = arith.constant 0 : i32
        %dma_start3A_168 = tpu.memref_slice %arg12[%mul3A_26, %dma_start3A_167] : memref<10240x64xf32, #tpu.memory_space<vmem_shared>> -> memref<640x64xf32, #tpu.memory_space<vmem_shared>>
        %dma_start3A_169 = arith.constant 0 : i32
        %dma_start3A_170 = tpu.memref_slice %arg3[%mul3A_26, %dma_start3A_169] : memref<10240x64xf32, #tpu.memory_space<hbm>> -> memref<640x64xf32, #tpu.memory_space<hbm>>
        tpu.enqueue_dma source(%dma_start3A_170 : memref<640x64xf32, #tpu.memory_space<hbm>>) target(%dma_start3A_168 : memref<640x64xf32, #tpu.memory_space<vmem_shared>>) target_semaphore(%run_scoped3A_166 : memref<!tpu.dma_semaphore, #tpu.memory_space<semaphore_mem>>)
        %dma_wait3A_171 = arith.constant 0 : i32
        %dma_wait3A_172 = tpu.memref_slice %arg12[%mul3A_26, %dma_wait3A_171] : memref<10240x64xf32, #tpu.memory_space<vmem_shared>> -> memref<640x64xf32, #tpu.memory_space<vmem_shared>>
        %dma_wait3A_173 = arith.constant 0 : i32
        %dma_wait3A_174 = tpu.memref_slice %arg3[%mul3A_26, %dma_wait3A_173] : memref<10240x64xf32, #tpu.memory_space<hbm>> -> memref<640x64xf32, #tpu.memory_space<hbm>>
        tpu.wait_dma2 semaphore(%run_scoped3A_166 : memref<!tpu.dma_semaphore, #tpu.memory_space<semaphore_mem>>) src(%dma_wait3A_174 : memref<640x64xf32, #tpu.memory_space<hbm>>) dst(%dma_wait3A_172 : memref<640x64xf32, #tpu.memory_space<vmem_shared>>)
        tpu.yield
      }) : () -> ()
    } else {
    }
    %barrier3A = arith.constant 0 : index
    tpu.barrier barrier_id(%barrier3A)
    %dma_start3A = arith.constant 0 : i32
    %dma_start3A_34 = arith.constant 0 : i32
    %dma_start3A_35 = arith.constant 0 : i32
    %dma_start3A_36 = arith.constant 0 : i32
    %dma_start3A_37 = tpu.memref_slice %arg8[%dma_start3A, %dma_start3A_35, %dma_start3A_36] : memref<2x16x128xi32, #tpu.memory_space<vmem>> -> memref<1x16x128xi32, #tpu.memory_space<vmem>>
    %dma_start3A_38 = tpu.memref_squeeze %dma_start3A_37 : memref<1x16x128xi32, #tpu.memory_space<vmem>> -> memref<16x128xi32, #tpu.memory_space<vmem>>
    %dma_start3A_39 = arith.constant 0 : i32
    %dma_start3A_40 = tpu.memref_slice %arg4[%mul3A_0, %dma_start3A_39] : memref<2560x128xi32, #tpu.memory_space<hbm>> -> memref<16x128xi32, #tpu.memory_space<hbm>>
    %dma_start3A_41 = tpu.memref_slice %arg15[%dma_start3A_34] : memref<2x!tpu.dma_semaphore, #tpu.memory_space<semaphore_mem>> -> memref<1x!tpu.dma_semaphore, #tpu.memory_space<semaphore_mem>>
    %dma_start3A_42 = tpu.memref_squeeze %dma_start3A_41 : memref<1x!tpu.dma_semaphore, #tpu.memory_space<semaphore_mem>> -> memref<!tpu.dma_semaphore, #tpu.memory_space<semaphore_mem>>
    %dma_start3A_43 = arith.constant 0 : i32
    %dma_start3A_44 = arith.constant 0 : i32
    %dma_start3A_45 = tpu.memref_slice %arg8[%dma_start3A, %dma_start3A_43, %dma_start3A_44] : memref<2x16x128xi32, #tpu.memory_space<vmem>> -> memref<1x16x128xi32, #tpu.memory_space<vmem>>
    %dma_start3A_46 = tpu.memref_squeeze %dma_start3A_45 : memref<1x16x128xi32, #tpu.memory_space<vmem>> -> memref<16x128xi32, #tpu.memory_space<vmem>>
    %dma_start3A_47 = arith.constant 0 : i32
    %dma_start3A_48 = tpu.memref_slice %arg4[%mul3A_0, %dma_start3A_47] : memref<2560x128xi32, #tpu.memory_space<hbm>> -> memref<16x128xi32, #tpu.memory_space<hbm>>
    tpu.enqueue_dma source(%dma_start3A_48 : memref<16x128xi32, #tpu.memory_space<hbm>>) target(%dma_start3A_46 : memref<16x128xi32, #tpu.memory_space<vmem>>) target_semaphore(%dma_start3A_42 : memref<!tpu.dma_semaphore, #tpu.memory_space<semaphore_mem>>)
    %dma_start3A_49 = arith.constant 0 : i32
    %dma_start3A_50 = arith.constant 0 : i32
    %dma_start3A_51 = arith.constant 0 : i32
    %dma_start3A_52 = arith.constant 0 : i32
    %dma_start3A_53 = tpu.memref_slice %arg9[%dma_start3A_49, %dma_start3A_51, %dma_start3A_52] : memref<2x16x128xi32, #tpu.memory_space<vmem>> -> memref<1x16x128xi32, #tpu.memory_space<vmem>>
    %dma_start3A_54 = tpu.memref_squeeze %dma_start3A_53 : memref<1x16x128xi32, #tpu.memory_space<vmem>> -> memref<16x128xi32, #tpu.memory_space<vmem>>
    %dma_start3A_55 = arith.constant 0 : i32
    %dma_start3A_56 = tpu.memref_slice %arg5[%mul3A_0, %dma_start3A_55] : memref<2560x128xi32, #tpu.memory_space<hbm>> -> memref<16x128xi32, #tpu.memory_space<hbm>>
    %dma_start3A_57 = tpu.memref_slice %arg16[%dma_start3A_50] : memref<2x!tpu.dma_semaphore, #tpu.memory_space<semaphore_mem>> -> memref<1x!tpu.dma_semaphore, #tpu.memory_space<semaphore_mem>>
    %dma_start3A_58 = tpu.memref_squeeze %dma_start3A_57 : memref<1x!tpu.dma_semaphore, #tpu.memory_space<semaphore_mem>> -> memref<!tpu.dma_semaphore, #tpu.memory_space<semaphore_mem>>
    %dma_start3A_59 = arith.constant 0 : i32
    %dma_start3A_60 = arith.constant 0 : i32
    %dma_start3A_61 = tpu.memref_slice %arg9[%dma_start3A_49, %dma_start3A_59, %dma_start3A_60] : memref<2x16x128xi32, #tpu.memory_space<vmem>> -> memref<1x16x128xi32, #tpu.memory_space<vmem>>
    %dma_start3A_62 = tpu.memref_squeeze %dma_start3A_61 : memref<1x16x128xi32, #tpu.memory_space<vmem>> -> memref<16x128xi32, #tpu.memory_space<vmem>>
    %dma_start3A_63 = arith.constant 0 : i32
    %dma_start3A_64 = tpu.memref_slice %arg5[%mul3A_0, %dma_start3A_63] : memref<2560x128xi32, #tpu.memory_space<hbm>> -> memref<16x128xi32, #tpu.memory_space<hbm>>
    tpu.enqueue_dma source(%dma_start3A_64 : memref<16x128xi32, #tpu.memory_space<hbm>>) target(%dma_start3A_62 : memref<16x128xi32, #tpu.memory_space<vmem>>) target_semaphore(%dma_start3A_58 : memref<!tpu.dma_semaphore, #tpu.memory_space<semaphore_mem>>)
    %dma_wait3A = arith.constant 0 : i32
    %dma_wait3A_65 = arith.constant 0 : i32
    %dma_wait3A_66 = arith.constant 0 : i32
    %dma_wait3A_67 = arith.constant 0 : i32
    %dma_wait3A_68 = tpu.memref_slice %arg8[%dma_wait3A, %dma_wait3A_66, %dma_wait3A_67] : memref<2x16x128xi32, #tpu.memory_space<vmem>> -> memref<1x16x128xi32, #tpu.memory_space<vmem>>
    %dma_wait3A_69 = tpu.memref_squeeze %dma_wait3A_68 : memref<1x16x128xi32, #tpu.memory_space<vmem>> -> memref<16x128xi32, #tpu.memory_space<vmem>>
    %dma_wait3A_70 = arith.constant 0 : i32
    %dma_wait3A_71 = tpu.memref_slice %arg4[%mul3A_0, %dma_wait3A_70] : memref<2560x128xi32, #tpu.memory_space<hbm>> -> memref<16x128xi32, #tpu.memory_space<hbm>>
    %dma_wait3A_72 = tpu.memref_slice %arg15[%dma_wait3A_65] : memref<2x!tpu.dma_semaphore, #tpu.memory_space<semaphore_mem>> -> memref<1x!tpu.dma_semaphore, #tpu.memory_space<semaphore_mem>>
    %dma_wait3A_73 = tpu.memref_squeeze %dma_wait3A_72 : memref<1x!tpu.dma_semaphore, #tpu.memory_space<semaphore_mem>> -> memref<!tpu.dma_semaphore, #tpu.memory_space<semaphore_mem>>
    %dma_wait3A_74 = arith.constant 0 : i32
    %dma_wait3A_75 = arith.constant 0 : i32
    %dma_wait3A_76 = tpu.memref_slice %arg8[%dma_wait3A, %dma_wait3A_74, %dma_wait3A_75] : memref<2x16x128xi32, #tpu.memory_space<vmem>> -> memref<1x16x128xi32, #tpu.memory_space<vmem>>
    %dma_wait3A_77 = tpu.memref_squeeze %dma_wait3A_76 : memref<1x16x128xi32, #tpu.memory_space<vmem>> -> memref<16x128xi32, #tpu.memory_space<vmem>>
    %dma_wait3A_78 = arith.constant 0 : i32
    %dma_wait3A_79 = tpu.memref_slice %arg4[%mul3A_0, %dma_wait3A_78] : memref<2560x128xi32, #tpu.memory_space<hbm>> -> memref<16x128xi32, #tpu.memory_space<hbm>>
    tpu.wait_dma2 semaphore(%dma_wait3A_73 : memref<!tpu.dma_semaphore, #tpu.memory_space<semaphore_mem>>) src(%dma_wait3A_79 : memref<16x128xi32, #tpu.memory_space<hbm>>) dst(%dma_wait3A_77 : memref<16x128xi32, #tpu.memory_space<vmem>>)
    %dma_wait3A_80 = arith.constant 0 : i32
    %dma_wait3A_81 = arith.constant 0 : i32
    %dma_wait3A_82 = arith.constant 0 : i32
    %dma_wait3A_83 = arith.constant 0 : i32
    %dma_wait3A_84 = tpu.memref_slice %arg9[%dma_wait3A_80, %dma_wait3A_82, %dma_wait3A_83] : memref<2x16x128xi32, #tpu.memory_space<vmem>> -> memref<1x16x128xi32, #tpu.memory_space<vmem>>
    %dma_wait3A_85 = tpu.memref_squeeze %dma_wait3A_84 : memref<1x16x128xi32, #tpu.memory_space<vmem>> -> memref<16x128xi32, #tpu.memory_space<vmem>>
    %dma_wait3A_86 = arith.constant 0 : i32
    %dma_wait3A_87 = tpu.memref_slice %arg5[%mul3A_0, %dma_wait3A_86] : memref<2560x128xi32, #tpu.memory_space<hbm>> -> memref<16x128xi32, #tpu.memory_space<hbm>>
    %dma_wait3A_88 = tpu.memref_slice %arg16[%dma_wait3A_81] : memref<2x!tpu.dma_semaphore, #tpu.memory_space<semaphore_mem>> -> memref<1x!tpu.dma_semaphore, #tpu.memory_space<semaphore_mem>>
    %dma_wait3A_89 = tpu.memref_squeeze %dma_wait3A_88 : memref<1x!tpu.dma_semaphore, #tpu.memory_space<semaphore_mem>> -> memref<!tpu.dma_semaphore, #tpu.memory_space<semaphore_mem>>
    %dma_wait3A_90 = arith.constant 0 : i32
    %dma_wait3A_91 = arith.constant 0 : i32
    %dma_wait3A_92 = tpu.memref_slice %arg9[%dma_wait3A_80, %dma_wait3A_90, %dma_wait3A_91] : memref<2x16x128xi32, #tpu.memory_space<vmem>> -> memref<1x16x128xi32, #tpu.memory_space<vmem>>
    %dma_wait3A_93 = tpu.memref_squeeze %dma_wait3A_92 : memref<1x16x128xi32, #tpu.memory_space<vmem>> -> memref<16x128xi32, #tpu.memory_space<vmem>>
    %dma_wait3A_94 = arith.constant 0 : i32
    %dma_wait3A_95 = tpu.memref_slice %arg5[%mul3A_0, %dma_wait3A_94] : memref<2560x128xi32, #tpu.memory_space<hbm>> -> memref<16x128xi32, #tpu.memory_space<hbm>>
    tpu.wait_dma2 semaphore(%dma_wait3A_89 : memref<!tpu.dma_semaphore, #tpu.memory_space<semaphore_mem>>) src(%dma_wait3A_95 : memref<16x128xi32, #tpu.memory_space<hbm>>) dst(%dma_wait3A_93 : memref<16x128xi32, #tpu.memory_space<vmem>>)
    %dma_start3A_96 = arith.constant 0 : i32
    %dma_start3A_97 = arith.constant 0 : i32
    %dma_start3A_98 = arith.constant 0 : i32
    %dma_start3A_99 = arith.constant 0 : i32
    %dma_start3A_100 = arith.constant 0 : i32
    %dma_start3A_101 = arith.constant 0 : i32
    %dma_start3A_102 = tpu.memref_slice %arg10[%dma_start3A_98, %dma_start3A_100, %dma_start3A_101] : memref<4x128x64xf32, #tpu.memory_space<vmem>> -> memref<1x128x64xf32, #tpu.memory_space<vmem>>
    %dma_start3A_103 = tpu.memref_squeeze %dma_start3A_102 : memref<1x128x64xf32, #tpu.memory_space<vmem>> -> memref<128x64xf32, #tpu.memory_space<vmem>>
    %dma_start3A_104 = arith.constant 0 : i32
    %dma_start3A_105 = tpu.memref_slice %arg8[%dma_start3A_96, %dma_start3A_97, %dma_start3A_104] : memref<2x16x128xi32, #tpu.memory_space<vmem>> -> memref<1x1x128xi32, #tpu.memory_space<vmem>>
    %dma_start3A_106 = tpu.memref_squeeze %dma_start3A_105 : memref<1x1x128xi32, #tpu.memory_space<vmem>> -> memref<128xi32, #tpu.memory_space<vmem>>
    %dma_start3A_107 = arith.constant 0 : i32
    %dma_start3A_108 = arith.constant 0 : i32
    %dma_start3A_109 = tpu.memref_slice %arg12[%dma_start3A_107, %dma_start3A_108] : memref<10240x64xf32, #tpu.memory_space<vmem_shared>> -> memref<10240x64xf32, #tpu.memory_space<vmem_shared>>
    %dma_start3A_110 = tpu.memref_slice %arg13[%dma_start3A_99] : memref<4x!tpu.dma_semaphore, #tpu.memory_space<semaphore_mem>> -> memref<1x!tpu.dma_semaphore, #tpu.memory_space<semaphore_mem>>
    %dma_start3A_111 = tpu.memref_squeeze %dma_start3A_110 : memref<1x!tpu.dma_semaphore, #tpu.memory_space<semaphore_mem>> -> memref<!tpu.dma_semaphore, #tpu.memory_space<semaphore_mem>>
    tpu.enqueue_indirect_dma source(%dma_start3A_109 : memref<10240x64xf32, #tpu.memory_space<vmem_shared>>) target(%dma_start3A_103 : memref<128x64xf32, #tpu.memory_space<vmem>>) offsets(%dma_start3A_106 : memref<128xi32, #tpu.memory_space<vmem>>) semaphore(%dma_start3A_111 : memref<!tpu.dma_semaphore, #tpu.memory_space<semaphore_mem>>)
    %dma_start3A_112 = arith.constant 0 : i32
    %dma_start3A_113 = arith.constant 1 : i32
    %dma_start3A_114 = arith.constant 1 : i32
    %dma_start3A_115 = arith.constant 1 : i32
    %dma_start3A_116 = arith.constant 0 : i32
    %dma_start3A_117 = arith.constant 0 : i32
    %dma_start3A_118 = tpu.memref_slice %arg10[%dma_start3A_114, %dma_start3A_116, %dma_start3A_117] : memref<4x128x64xf32, #tpu.memory_space<vmem>> -> memref<1x128x64xf32, #tpu.memory_space<vmem>>
    %dma_start3A_119 = tpu.memref_squeeze %dma_start3A_118 : memref<1x128x64xf32, #tpu.memory_space<vmem>> -> memref<128x64xf32, #tpu.memory_space<vmem>>
    %dma_start3A_120 = arith.constant 0 : i32
    %dma_start3A_121 = tpu.memref_slice %arg8[%dma_start3A_112, %dma_start3A_113, %dma_start3A_120] : memref<2x16x128xi32, #tpu.memory_space<vmem>> -> memref<1x1x128xi32, #tpu.memory_space<vmem>>
    %dma_start3A_122 = tpu.memref_squeeze %dma_start3A_121 : memref<1x1x128xi32, #tpu.memory_space<vmem>> -> memref<128xi32, #tpu.memory_space<vmem>>
    %dma_start3A_123 = arith.constant 0 : i32
    %dma_start3A_124 = arith.constant 0 : i32
    %dma_start3A_125 = tpu.memref_slice %arg12[%dma_start3A_123, %dma_start3A_124] : memref<10240x64xf32, #tpu.memory_space<vmem_shared>> -> memref<10240x64xf32, #tpu.memory_space<vmem_shared>>
    %dma_start3A_126 = tpu.memref_slice %arg13[%dma_start3A_115] : memref<4x!tpu.dma_semaphore, #tpu.memory_space<semaphore_mem>> -> memref<1x!tpu.dma_semaphore, #tpu.memory_space<semaphore_mem>>
    %dma_start3A_127 = tpu.memref_squeeze %dma_start3A_126 : memref<1x!tpu.dma_semaphore, #tpu.memory_space<semaphore_mem>> -> memref<!tpu.dma_semaphore, #tpu.memory_space<semaphore_mem>>
    tpu.enqueue_indirect_dma source(%dma_start3A_125 : memref<10240x64xf32, #tpu.memory_space<vmem_shared>>) target(%dma_start3A_119 : memref<128x64xf32, #tpu.memory_space<vmem>>) offsets(%dma_start3A_122 : memref<128xi32, #tpu.memory_space<vmem>>) semaphore(%dma_start3A_127 : memref<!tpu.dma_semaphore, #tpu.memory_space<semaphore_mem>>)
    %scan3A = arith.constant 0 : i32
    %scan3A_128 = arith.constant 0 : i32
    %scan3A_129 = arith.constant 10 : i32
    %scan3A_130 = arith.addi %scan3A_128, %scan3A_129 : i32
    %scan3A_131 = arith.constant 1 : i32
    scf.for %scan3A_166 = %scan3A_128 to %scan3A_130 step %scan3A_131  : i32 {
      %rem3A = arith.constant 2 : i32
      %rem3A_167 = arith.remsi %scan3A_166, %rem3A : i32
      %add3A_168 = arith.constant 1 : i32
      %add3A_169 = arith.addi %scan3A_166, %add3A_168 : i32
      %rem3A_170 = arith.constant 2 : i32
      %rem3A_171 = arith.remsi %add3A_169, %rem3A_170 : i32
      %mul3A_172 = arith.constant 16 : i32
      %mul3A_173 = arith.muli %scan3A_166, %mul3A_172 : i32
      %add3A_174 = arith.constant 0 : i32
      %add3A_175 = arith.addi %mul3A_173, %add3A_174 : i32
      %dma_wait3A_176 = arith.constant 0 : i32
      %dma_wait3A_177 = arith.constant 0 : i32
      %dma_wait3A_178 = arith.constant 0 : i32
      %dma_wait3A_179 = arith.constant 0 : i32
      %dma_wait3A_180 = arith.constant 0 : i32
      %dma_wait3A_181 = tpu.memref_slice %arg10[%dma_wait3A_177, %dma_wait3A_179, %dma_wait3A_180] : memref<4x128x64xf32, #tpu.memory_space<vmem>> -> memref<1x128x64xf32, #tpu.memory_space<vmem>>
      %dma_wait3A_182 = tpu.memref_squeeze %dma_wait3A_181 : memref<1x128x64xf32, #tpu.memory_space<vmem>> -> memref<128x64xf32, #tpu.memory_space<vmem>>
      %dma_wait3A_183 = arith.constant 0 : i32
      %dma_wait3A_184 = tpu.memref_slice %arg8[%rem3A_167, %dma_wait3A_176, %dma_wait3A_183] : memref<2x16x128xi32, #tpu.memory_space<vmem>> -> memref<1x1x128xi32, #tpu.memory_space<vmem>>
      %dma_wait3A_185 = tpu.memref_squeeze %dma_wait3A_184 : memref<1x1x128xi32, #tpu.memory_space<vmem>> -> memref<128xi32, #tpu.memory_space<vmem>>
      %dma_wait3A_186 = arith.constant 0 : i32
      %dma_wait3A_187 = arith.constant 0 : i32
      %dma_wait3A_188 = tpu.memref_slice %arg12[%dma_wait3A_186, %dma_wait3A_187] : memref<10240x64xf32, #tpu.memory_space<vmem_shared>> -> memref<10240x64xf32, #tpu.memory_space<vmem_shared>>
      %dma_wait3A_189 = tpu.memref_slice %arg13[%dma_wait3A_178] : memref<4x!tpu.dma_semaphore, #tpu.memory_space<semaphore_mem>> -> memref<1x!tpu.dma_semaphore, #tpu.memory_space<semaphore_mem>>
      %dma_wait3A_190 = tpu.memref_squeeze %dma_wait3A_189 : memref<1x!tpu.dma_semaphore, #tpu.memory_space<semaphore_mem>> -> memref<!tpu.dma_semaphore, #tpu.memory_space<semaphore_mem>>
      tpu.wait_indirect_dma semaphore(%dma_wait3A_190 : memref<!tpu.dma_semaphore, #tpu.memory_space<semaphore_mem>>) src(%dma_wait3A_188 : memref<10240x64xf32, #tpu.memory_space<vmem_shared>>) dst(%dma_wait3A_182 : memref<128x64xf32, #tpu.memory_space<vmem>>)
      %dma_start3A_191 = arith.constant 0 : i32
      %dma_start3A_192 = arith.constant 0 : i32
      %dma_start3A_193 = arith.constant 0 : i32
      %dma_start3A_194 = arith.constant 0 : i32
      %dma_start3A_195 = arith.constant 0 : i32
      %dma_start3A_196 = tpu.memref_slice %arg10[%dma_start3A_191, %dma_start3A_194, %dma_start3A_195] : memref<4x128x64xf32, #tpu.memory_space<vmem>> -> memref<1x128x64xf32, #tpu.memory_space<vmem>>
      %dma_start3A_197 = tpu.memref_squeeze %dma_start3A_196 : memref<1x128x64xf32, #tpu.memory_space<vmem>> -> memref<128x64xf32, #tpu.memory_space<vmem>>
      %dma_start3A_198 = arith.constant 0 : i32
      %dma_start3A_199 = tpu.memref_slice %arg9[%rem3A_167, %dma_start3A_192, %dma_start3A_198] : memref<2x16x128xi32, #tpu.memory_space<vmem>> -> memref<1x1x128xi32, #tpu.memory_space<vmem>>
      %dma_start3A_200 = tpu.memref_squeeze %dma_start3A_199 : memref<1x1x128xi32, #tpu.memory_space<vmem>> -> memref<128xi32, #tpu.memory_space<vmem>>
      %dma_start3A_201 = arith.constant 0 : i32
      %dma_start3A_202 = arith.constant 0 : i32
      %dma_start3A_203 = tpu.memref_slice %arg11[%dma_start3A_201, %dma_start3A_202] : memref<10240x64xf32, #tpu.memory_space<vmem_shared>> -> memref<10240x64xf32, #tpu.memory_space<vmem_shared>>
      %dma_start3A_204 = tpu.memref_slice %arg14[%dma_start3A_193] : memref<4x!tpu.dma_semaphore, #tpu.memory_space<semaphore_mem>> -> memref<1x!tpu.dma_semaphore, #tpu.memory_space<semaphore_mem>>
      %dma_start3A_205 = tpu.memref_squeeze %dma_start3A_204 : memref<1x!tpu.dma_semaphore, #tpu.memory_space<semaphore_mem>> -> memref<!tpu.dma_semaphore, #tpu.memory_space<semaphore_mem>>
      tpu.enqueue_indirect_dma source(%dma_start3A_197 : memref<128x64xf32, #tpu.memory_space<vmem>>) target(%dma_start3A_203 : memref<10240x64xf32, #tpu.memory_space<vmem_shared>>) offsets(%dma_start3A_200 : memref<128xi32, #tpu.memory_space<vmem>>) semaphore(%dma_start3A_205 : memref<!tpu.dma_semaphore, #tpu.memory_space<semaphore_mem>>) {add = true}
      %ge3A = arith.constant 2 : i32
      %ge3A_206 = arith.cmpi sge, %add3A_175, %ge3A : i32
      %convert_element_type3A_207 = arith.extui %ge3A_206 : i1 to i32
      %cond3A_208 = arith.constant 0 : i32
      %cond3A_209 = arith.cmpi ne, %convert_element_type3A_207, %cond3A_208 : i32
      scf.if %cond3A_209 {
        %dma_wait3A_1172 = arith.constant 2 : i32
        %dma_wait3A_1173 = arith.constant 14 : i32
        %dma_wait3A_1174 = arith.constant 2 : i32
        %dma_wait3A_1175 = arith.constant 0 : i32
        %dma_wait3A_1176 = arith.constant 0 : i32
        %dma_wait3A_1177 = tpu.memref_slice %arg10[%dma_wait3A_1172, %dma_wait3A_1175, %dma_wait3A_1176] : memref<4x128x64xf32, #tpu.memory_space<vmem>> -> memref<1x128x64xf32, #tpu.memory_space<vmem>>
        %dma_wait3A_1178 = tpu.memref_squeeze %dma_wait3A_1177 : memref<1x128x64xf32, #tpu.memory_space<vmem>> -> memref<128x64xf32, #tpu.memory_space<vmem>>
        %dma_wait3A_1179 = arith.constant 0 : i32
        %dma_wait3A_1180 = tpu.memref_slice %arg9[%rem3A_171, %dma_wait3A_1173, %dma_wait3A_1179] : memref<2x16x128xi32, #tpu.memory_space<vmem>> -> memref<1x1x128xi32, #tpu.memory_space<vmem>>
        %dma_wait3A_1181 = tpu.memref_squeeze %dma_wait3A_1180 : memref<1x1x128xi32, #tpu.memory_space<vmem>> -> memref<128xi32, #tpu.memory_space<vmem>>
        %dma_wait3A_1182 = arith.constant 0 : i32
        %dma_wait3A_1183 = arith.constant 0 : i32
        %dma_wait3A_1184 = tpu.memref_slice %arg11[%dma_wait3A_1182, %dma_wait3A_1183] : memref<10240x64xf32, #tpu.memory_space<vmem_shared>> -> memref<10240x64xf32, #tpu.memory_space<vmem_shared>>
        %dma_wait3A_1185 = tpu.memref_slice %arg14[%dma_wait3A_1174] : memref<4x!tpu.dma_semaphore, #tpu.memory_space<semaphore_mem>> -> memref<1x!tpu.dma_semaphore, #tpu.memory_space<semaphore_mem>>
        %dma_wait3A_1186 = tpu.memref_squeeze %dma_wait3A_1185 : memref<1x!tpu.dma_semaphore, #tpu.memory_space<semaphore_mem>> -> memref<!tpu.dma_semaphore, #tpu.memory_space<semaphore_mem>>
        tpu.wait_indirect_dma semaphore(%dma_wait3A_1186 : memref<!tpu.dma_semaphore, #tpu.memory_space<semaphore_mem>>) src(%dma_wait3A_1178 : memref<128x64xf32, #tpu.memory_space<vmem>>) dst(%dma_wait3A_1184 : memref<10240x64xf32, #tpu.memory_space<vmem_shared>>)
      } else {
      }
      %dma_start3A_210 = arith.constant 2 : i32
      %dma_start3A_211 = arith.constant 2 : i32
      %dma_start3A_212 = arith.constant 2 : i32
      %dma_start3A_213 = arith.constant 0 : i32
      %dma_start3A_214 = arith.constant 0 : i32
      %dma_start3A_215 = tpu.memref_slice %arg10[%dma_start3A_211, %dma_start3A_213, %dma_start3A_214] : memref<4x128x64xf32, #tpu.memory_space<vmem>> -> memref<1x128x64xf32, #tpu.memory_space<vmem>>
      %dma_start3A_216 = tpu.memref_squeeze %dma_start3A_215 : memref<1x128x64xf32, #tpu.memory_space<vmem>> -> memref<128x64xf32, #tpu.memory_space<vmem>>
      %dma_start3A_217 = arith.constant 0 : i32
      %dma_start3A_218 = tpu.memref_slice %arg8[%rem3A_167, %dma_start3A_210, %dma_start3A_217] : memref<2x16x128xi32, #tpu.memory_space<vmem>> -> memref<1x1x128xi32, #tpu.memory_space<vmem>>
      %dma_start3A_219 = tpu.memref_squeeze %dma_start3A_218 : memref<1x1x128xi32, #tpu.memory_space<vmem>> -> memref<128xi32, #tpu.memory_space<vmem>>
      %dma_start3A_220 = arith.constant 0 : i32
      %dma_start3A_221 = arith.constant 0 : i32
      %dma_start3A_222 = tpu.memref_slice %arg12[%dma_start3A_220, %dma_start3A_221] : memref<10240x64xf32, #tpu.memory_space<vmem_shared>> -> memref<10240x64xf32, #tpu.memory_space<vmem_shared>>
      %dma_start3A_223 = tpu.memref_slice %arg13[%dma_start3A_212] : memref<4x!tpu.dma_semaphore, #tpu.memory_space<semaphore_mem>> -> memref<1x!tpu.dma_semaphore, #tpu.memory_space<semaphore_mem>>
      %dma_start3A_224 = tpu.memref_squeeze %dma_start3A_223 : memref<1x!tpu.dma_semaphore, #tpu.memory_space<semaphore_mem>> -> memref<!tpu.dma_semaphore, #tpu.memory_space<semaphore_mem>>
      tpu.enqueue_indirect_dma source(%dma_start3A_222 : memref<10240x64xf32, #tpu.memory_space<vmem_shared>>) target(%dma_start3A_216 : memref<128x64xf32, #tpu.memory_space<vmem>>) offsets(%dma_start3A_219 : memref<128xi32, #tpu.memory_space<vmem>>) semaphore(%dma_start3A_224 : memref<!tpu.dma_semaphore, #tpu.memory_space<semaphore_mem>>)
      %mul3A_225 = arith.constant 16 : i32
      %mul3A_226 = arith.muli %scan3A_166, %mul3A_225 : i32
      %add3A_227 = arith.constant 1 : i32
      %add3A_228 = arith.addi %mul3A_226, %add3A_227 : i32
      %dma_wait3A_229 = arith.constant 1 : i32
      %dma_wait3A_230 = arith.constant 1 : i32
      %dma_wait3A_231 = arith.constant 1 : i32
      %dma_wait3A_232 = arith.constant 0 : i32
      %dma_wait3A_233 = arith.constant 0 : i32
      %dma_wait3A_234 = tpu.memref_slice %arg10[%dma_wait3A_230, %dma_wait3A_232, %dma_wait3A_233] : memref<4x128x64xf32, #tpu.memory_space<vmem>> -> memref<1x128x64xf32, #tpu.memory_space<vmem>>
      %dma_wait3A_235 = tpu.memref_squeeze %dma_wait3A_234 : memref<1x128x64xf32, #tpu.memory_space<vmem>> -> memref<128x64xf32, #tpu.memory_space<vmem>>
      %dma_wait3A_236 = arith.constant 0 : i32
      %dma_wait3A_237 = tpu.memref_slice %arg8[%rem3A_167, %dma_wait3A_229, %dma_wait3A_236] : memref<2x16x128xi32, #tpu.memory_space<vmem>> -> memref<1x1x128xi32, #tpu.memory_space<vmem>>
      %dma_wait3A_238 = tpu.memref_squeeze %dma_wait3A_237 : memref<1x1x128xi32, #tpu.memory_space<vmem>> -> memref<128xi32, #tpu.memory_space<vmem>>
      %dma_wait3A_239 = arith.constant 0 : i32
      %dma_wait3A_240 = arith.constant 0 : i32
      %dma_wait3A_241 = tpu.memref_slice %arg12[%dma_wait3A_239, %dma_wait3A_240] : memref<10240x64xf32, #tpu.memory_space<vmem_shared>> -> memref<10240x64xf32, #tpu.memory_space<vmem_shared>>
      %dma_wait3A_242 = tpu.memref_slice %arg13[%dma_wait3A_231] : memref<4x!tpu.dma_semaphore, #tpu.memory_space<semaphore_mem>> -> memref<1x!tpu.dma_semaphore, #tpu.memory_space<semaphore_mem>>
      %dma_wait3A_243 = tpu.memref_squeeze %dma_wait3A_242 : memref<1x!tpu.dma_semaphore, #tpu.memory_space<semaphore_mem>> -> memref<!tpu.dma_semaphore, #tpu.memory_space<semaphore_mem>>
      tpu.wait_indirect_dma semaphore(%dma_wait3A_243 : memref<!tpu.dma_semaphore, #tpu.memory_space<semaphore_mem>>) src(%dma_wait3A_241 : memref<10240x64xf32, #tpu.memory_space<vmem_shared>>) dst(%dma_wait3A_235 : memref<128x64xf32, #tpu.memory_space<vmem>>)
      %dma_start3A_244 = arith.constant 1 : i32
      %dma_start3A_245 = arith.constant 1 : i32
      %dma_start3A_246 = arith.constant 1 : i32
      %dma_start3A_247 = arith.constant 0 : i32
      %dma_start3A_248 = arith.constant 0 : i32
      %dma_start3A_249 = tpu.memref_slice %arg10[%dma_start3A_244, %dma_start3A_247, %dma_start3A_248] : memref<4x128x64xf32, #tpu.memory_space<vmem>> -> memref<1x128x64xf32, #tpu.memory_space<vmem>>
      %dma_start3A_250 = tpu.memref_squeeze %dma_start3A_249 : memref<1x128x64xf32, #tpu.memory_space<vmem>> -> memref<128x64xf32, #tpu.memory_space<vmem>>
      %dma_start3A_251 = arith.constant 0 : i32
      %dma_start3A_252 = tpu.memref_slice %arg9[%rem3A_167, %dma_start3A_245, %dma_start3A_251] : memref<2x16x128xi32, #tpu.memory_space<vmem>> -> memref<1x1x128xi32, #tpu.memory_space<vmem>>
      %dma_start3A_253 = tpu.memref_squeeze %dma_start3A_252 : memref<1x1x128xi32, #tpu.memory_space<vmem>> -> memref<128xi32, #tpu.memory_space<vmem>>
      %dma_start3A_254 = arith.constant 0 : i32
      %dma_start3A_255 = arith.constant 0 : i32
      %dma_start3A_256 = tpu.memref_slice %arg11[%dma_start3A_254, %dma_start3A_255] : memref<10240x64xf32, #tpu.memory_space<vmem_shared>> -> memref<10240x64xf32, #tpu.memory_space<vmem_shared>>
      %dma_start3A_257 = tpu.memref_slice %arg14[%dma_start3A_246] : memref<4x!tpu.dma_semaphore, #tpu.memory_space<semaphore_mem>> -> memref<1x!tpu.dma_semaphore, #tpu.memory_space<semaphore_mem>>
      %dma_start3A_258 = tpu.memref_squeeze %dma_start3A_257 : memref<1x!tpu.dma_semaphore, #tpu.memory_space<semaphore_mem>> -> memref<!tpu.dma_semaphore, #tpu.memory_space<semaphore_mem>>
      tpu.enqueue_indirect_dma source(%dma_start3A_250 : memref<128x64xf32, #tpu.memory_space<vmem>>) target(%dma_start3A_256 : memref<10240x64xf32, #tpu.memory_space<vmem_shared>>) offsets(%dma_start3A_253 : memref<128xi32, #tpu.memory_space<vmem>>) semaphore(%dma_start3A_258 : memref<!tpu.dma_semaphore, #tpu.memory_space<semaphore_mem>>) {add = true}
      %ge3A_259 = arith.constant 2 : i32
      %ge3A_260 = arith.cmpi sge, %add3A_228, %ge3A_259 : i32
      %convert_element_type3A_261 = arith.extui %ge3A_260 : i1 to i32
      %cond3A_262 = arith.constant 0 : i32
      %cond3A_263 = arith.cmpi ne, %convert_element_type3A_261, %cond3A_262 : i32
      scf.if %cond3A_263 {
        %dma_wait3A_1172 = arith.constant 3 : i32
        %dma_wait3A_1173 = arith.constant 15 : i32
        %dma_wait3A_1174 = arith.constant 3 : i32
        %dma_wait3A_1175 = arith.constant 0 : i32
        %dma_wait3A_1176 = arith.constant 0 : i32
        %dma_wait3A_1177 = tpu.memref_slice %arg10[%dma_wait3A_1172, %dma_wait3A_1175, %dma_wait3A_1176] : memref<4x128x64xf32, #tpu.memory_space<vmem>> -> memref<1x128x64xf32, #tpu.memory_space<vmem>>
        %dma_wait3A_1178 = tpu.memref_squeeze %dma_wait3A_1177 : memref<1x128x64xf32, #tpu.memory_space<vmem>> -> memref<128x64xf32, #tpu.memory_space<vmem>>
        %dma_wait3A_1179 = arith.constant 0 : i32
        %dma_wait3A_1180 = tpu.memref_slice %arg9[%rem3A_171, %dma_wait3A_1173, %dma_wait3A_1179] : memref<2x16x128xi32, #tpu.memory_space<vmem>> -> memref<1x1x128xi32, #tpu.memory_space<vmem>>
        %dma_wait3A_1181 = tpu.memref_squeeze %dma_wait3A_1180 : memref<1x1x128xi32, #tpu.memory_space<vmem>> -> memref<128xi32, #tpu.memory_space<vmem>>
        %dma_wait3A_1182 = arith.constant 0 : i32
        %dma_wait3A_1183 = arith.constant 0 : i32
        %dma_wait3A_1184 = tpu.memref_slice %arg11[%dma_wait3A_1182, %dma_wait3A_1183] : memref<10240x64xf32, #tpu.memory_space<vmem_shared>> -> memref<10240x64xf32, #tpu.memory_space<vmem_shared>>
        %dma_wait3A_1185 = tpu.memref_slice %arg14[%dma_wait3A_1174] : memref<4x!tpu.dma_semaphore, #tpu.memory_space<semaphore_mem>> -> memref<1x!tpu.dma_semaphore, #tpu.memory_space<semaphore_mem>>
        %dma_wait3A_1186 = tpu.memref_squeeze %dma_wait3A_1185 : memref<1x!tpu.dma_semaphore, #tpu.memory_space<semaphore_mem>> -> memref<!tpu.dma_semaphore, #tpu.memory_space<semaphore_mem>>
        tpu.wait_indirect_dma semaphore(%dma_wait3A_1186 : memref<!tpu.dma_semaphore, #tpu.memory_space<semaphore_mem>>) src(%dma_wait3A_1178 : memref<128x64xf32, #tpu.memory_space<vmem>>) dst(%dma_wait3A_1184 : memref<10240x64xf32, #tpu.memory_space<vmem_shared>>)
      } else {
      }
      %dma_start3A_264 = arith.constant 3 : i32
      %dma_start3A_265 = arith.constant 3 : i32
      %dma_start3A_266 = arith.constant 3 : i32
      %dma_start3A_267 = arith.constant 0 : i32
      %dma_start3A_268 = arith.constant 0 : i32
      %dma_start3A_269 = tpu.memref_slice %arg10[%dma_start3A_265, %dma_start3A_267, %dma_start3A_268] : memref<4x128x64xf32, #tpu.memory_space<vmem>> -> memref<1x128x64xf32, #tpu.memory_space<vmem>>
      %dma_start3A_270 = tpu.memref_squeeze %dma_start3A_269 : memref<1x128x64xf32, #tpu.memory_space<vmem>> -> memref<128x64xf32, #tpu.memory_space<vmem>>
      %dma_start3A_271 = arith.constant 0 : i32
      %dma_start3A_272 = tpu.memref_slice %arg8[%rem3A_167, %dma_start3A_264, %dma_start3A_271] : memref<2x16x128xi32, #tpu.memory_space<vmem>> -> memref<1x1x128xi32, #tpu.memory_space<vmem>>
      %dma_start3A_273 = tpu.memref_squeeze %dma_start3A_272 : memref<1x1x128xi32, #tpu.memory_space<vmem>> -> memref<128xi32, #tpu.memory_space<vmem>>
      %dma_start3A_274 = arith.constant 0 : i32
      %dma_start3A_275 = arith.constant 0 : i32
      %dma_start3A_276 = tpu.memref_slice %arg12[%dma_start3A_274, %dma_start3A_275] : memref<10240x64xf32, #tpu.memory_space<vmem_shared>> -> memref<10240x64xf32, #tpu.memory_space<vmem_shared>>
      %dma_start3A_277 = tpu.memref_slice %arg13[%dma_start3A_266] : memref<4x!tpu.dma_semaphore, #tpu.memory_space<semaphore_mem>> -> memref<1x!tpu.dma_semaphore, #tpu.memory_space<semaphore_mem>>
      %dma_start3A_278 = tpu.memref_squeeze %dma_start3A_277 : memref<1x!tpu.dma_semaphore, #tpu.memory_space<semaphore_mem>> -> memref<!tpu.dma_semaphore, #tpu.memory_space<semaphore_mem>>
      tpu.enqueue_indirect_dma source(%dma_start3A_276 : memref<10240x64xf32, #tpu.memory_space<vmem_shared>>) target(%dma_start3A_270 : memref<128x64xf32, #tpu.memory_space<vmem>>) offsets(%dma_start3A_273 : memref<128xi32, #tpu.memory_space<vmem>>) semaphore(%dma_start3A_278 : memref<!tpu.dma_semaphore, #tpu.memory_space<semaphore_mem>>)
      %mul3A_279 = arith.constant 16 : i32
      %mul3A_280 = arith.muli %scan3A_166, %mul3A_279 : i32
      %add3A_281 = arith.constant 2 : i32
      %add3A_282 = arith.addi %mul3A_280, %add3A_281 : i32
      %dma_wait3A_283 = arith.constant 2 : i32
      %dma_wait3A_284 = arith.constant 2 : i32
      %dma_wait3A_285 = arith.constant 2 : i32
      %dma_wait3A_286 = arith.constant 0 : i32
      %dma_wait3A_287 = arith.constant 0 : i32
      %dma_wait3A_288 = tpu.memref_slice %arg10[%dma_wait3A_284, %dma_wait3A_286, %dma_wait3A_287] : memref<4x128x64xf32, #tpu.memory_space<vmem>> -> memref<1x128x64xf32, #tpu.memory_space<vmem>>
      %dma_wait3A_289 = tpu.memref_squeeze %dma_wait3A_288 : memref<1x128x64xf32, #tpu.memory_space<vmem>> -> memref<128x64xf32, #tpu.memory_space<vmem>>
      %dma_wait3A_290 = arith.constant 0 : i32
      %dma_wait3A_291 = tpu.memref_slice %arg8[%rem3A_167, %dma_wait3A_283, %dma_wait3A_290] : memref<2x16x128xi32, #tpu.memory_space<vmem>> -> memref<1x1x128xi32, #tpu.memory_space<vmem>>
      %dma_wait3A_292 = tpu.memref_squeeze %dma_wait3A_291 : memref<1x1x128xi32, #tpu.memory_space<vmem>> -> memref<128xi32, #tpu.memory_space<vmem>>
      %dma_wait3A_293 = arith.constant 0 : i32
      %dma_wait3A_294 = arith.constant 0 : i32
      %dma_wait3A_295 = tpu.memref_slice %arg12[%dma_wait3A_293, %dma_wait3A_294] : memref<10240x64xf32, #tpu.memory_space<vmem_shared>> -> memref<10240x64xf32, #tpu.memory_space<vmem_shared>>
      %dma_wait3A_296 = tpu.memref_slice %arg13[%dma_wait3A_285] : memref<4x!tpu.dma_semaphore, #tpu.memory_space<semaphore_mem>> -> memref<1x!tpu.dma_semaphore, #tpu.memory_space<semaphore_mem>>
      %dma_wait3A_297 = tpu.memref_squeeze %dma_wait3A_296 : memref<1x!tpu.dma_semaphore, #tpu.memory_space<semaphore_mem>> -> memref<!tpu.dma_semaphore, #tpu.memory_space<semaphore_mem>>
      tpu.wait_indirect_dma semaphore(%dma_wait3A_297 : memref<!tpu.dma_semaphore, #tpu.memory_space<semaphore_mem>>) src(%dma_wait3A_295 : memref<10240x64xf32, #tpu.memory_space<vmem_shared>>) dst(%dma_wait3A_289 : memref<128x64xf32, #tpu.memory_space<vmem>>)
      %dma_start3A_298 = arith.constant 2 : i32
      %dma_start3A_299 = arith.constant 2 : i32
      %dma_start3A_300 = arith.constant 2 : i32
      %dma_start3A_301 = arith.constant 0 : i32
      %dma_start3A_302 = arith.constant 0 : i32
      %dma_start3A_303 = tpu.memref_slice %arg10[%dma_start3A_298, %dma_start3A_301, %dma_start3A_302] : memref<4x128x64xf32, #tpu.memory_space<vmem>> -> memref<1x128x64xf32, #tpu.memory_space<vmem>>
      %dma_start3A_304 = tpu.memref_squeeze %dma_start3A_303 : memref<1x128x64xf32, #tpu.memory_space<vmem>> -> memref<128x64xf32, #tpu.memory_space<vmem>>
      %dma_start3A_305 = arith.constant 0 : i32
      %dma_start3A_306 = tpu.memref_slice %arg9[%rem3A_167, %dma_start3A_299, %dma_start3A_305] : memref<2x16x128xi32, #tpu.memory_space<vmem>> -> memref<1x1x128xi32, #tpu.memory_space<vmem>>
      %dma_start3A_307 = tpu.memref_squeeze %dma_start3A_306 : memref<1x1x128xi32, #tpu.memory_space<vmem>> -> memref<128xi32, #tpu.memory_space<vmem>>
      %dma_start3A_308 = arith.constant 0 : i32
      %dma_start3A_309 = arith.constant 0 : i32
      %dma_start3A_310 = tpu.memref_slice %arg11[%dma_start3A_308, %dma_start3A_309] : memref<10240x64xf32, #tpu.memory_space<vmem_shared>> -> memref<10240x64xf32, #tpu.memory_space<vmem_shared>>
      %dma_start3A_311 = tpu.memref_slice %arg14[%dma_start3A_300] : memref<4x!tpu.dma_semaphore, #tpu.memory_space<semaphore_mem>> -> memref<1x!tpu.dma_semaphore, #tpu.memory_space<semaphore_mem>>
      %dma_start3A_312 = tpu.memref_squeeze %dma_start3A_311 : memref<1x!tpu.dma_semaphore, #tpu.memory_space<semaphore_mem>> -> memref<!tpu.dma_semaphore, #tpu.memory_space<semaphore_mem>>
      tpu.enqueue_indirect_dma source(%dma_start3A_304 : memref<128x64xf32, #tpu.memory_space<vmem>>) target(%dma_start3A_310 : memref<10240x64xf32, #tpu.memory_space<vmem_shared>>) offsets(%dma_start3A_307 : memref<128xi32, #tpu.memory_space<vmem>>) semaphore(%dma_start3A_312 : memref<!tpu.dma_semaphore, #tpu.memory_space<semaphore_mem>>) {add = true}
      %dma_wait3A_313 = arith.constant 0 : i32
      %dma_wait3A_314 = arith.constant 0 : i32
      %dma_wait3A_315 = arith.constant 0 : i32
      %dma_wait3A_316 = arith.constant 0 : i32
      %dma_wait3A_317 = arith.constant 0 : i32
      %dma_wait3A_318 = tpu.memref_slice %arg10[%dma_wait3A_313, %dma_wait3A_316, %dma_wait3A_317] : memref<4x128x64xf32, #tpu.memory_space<vmem>> -> memref<1x128x64xf32, #tpu.memory_space<vmem>>
      %dma_wait3A_319 = tpu.memref_squeeze %dma_wait3A_318 : memref<1x128x64xf32, #tpu.memory_space<vmem>> -> memref<128x64xf32, #tpu.memory_space<vmem>>
      %dma_wait3A_320 = arith.constant 0 : i32
      %dma_wait3A_321 = tpu.memref_slice %arg9[%rem3A_167, %dma_wait3A_314, %dma_wait3A_320] : memref<2x16x128xi32, #tpu.memory_space<vmem>> -> memref<1x1x128xi32, #tpu.memory_space<vmem>>
      %dma_wait3A_322 = tpu.memref_squeeze %dma_wait3A_321 : memref<1x1x128xi32, #tpu.memory_space<vmem>> -> memref<128xi32, #tpu.memory_space<vmem>>
      %dma_wait3A_323 = arith.constant 0 : i32
      %dma_wait3A_324 = arith.constant 0 : i32
      %dma_wait3A_325 = tpu.memref_slice %arg11[%dma_wait3A_323, %dma_wait3A_324] : memref<10240x64xf32, #tpu.memory_space<vmem_shared>> -> memref<10240x64xf32, #tpu.memory_space<vmem_shared>>
      %dma_wait3A_326 = tpu.memref_slice %arg14[%dma_wait3A_315] : memref<4x!tpu.dma_semaphore, #tpu.memory_space<semaphore_mem>> -> memref<1x!tpu.dma_semaphore, #tpu.memory_space<semaphore_mem>>
      %dma_wait3A_327 = tpu.memref_squeeze %dma_wait3A_326 : memref<1x!tpu.dma_semaphore, #tpu.memory_space<semaphore_mem>> -> memref<!tpu.dma_semaphore, #tpu.memory_space<semaphore_mem>>
      tpu.wait_indirect_dma semaphore(%dma_wait3A_327 : memref<!tpu.dma_semaphore, #tpu.memory_space<semaphore_mem>>) src(%dma_wait3A_319 : memref<128x64xf32, #tpu.memory_space<vmem>>) dst(%dma_wait3A_325 : memref<10240x64xf32, #tpu.memory_space<vmem_shared>>)
      %add3A_328 = arith.constant 1 : i32
      %add3A_329 = arith.addi %scan3A_166, %add3A_328 : i32
      %lt3A = arith.constant 10 : i32
      %lt3A_330 = arith.cmpi slt, %add3A_329, %lt3A : i32
      %convert_element_type3A_331 = arith.extui %lt3A_330 : i1 to i32
      %cond3A_332 = arith.constant 0 : i32
      %cond3A_333 = arith.cmpi ne, %convert_element_type3A_331, %cond3A_332 : i32
      scf.if %cond3A_333 {
        %add3A_1172 = arith.constant 1 : i32
        %add3A_1173 = arith.addi %scan3A_166, %add3A_1172 : i32
        %mul3A_1174 = arith.constant 16 : i32
        %mul3A_1175 = arith.muli %add3A_1173, %mul3A_1174 : i32
        %add3A_1176 = arith.addi %mul3A_0, %mul3A_1175 : i32
        %dma_start3A_1177 = arith.constant 0 : i32
        %dma_start3A_1178 = arith.constant 0 : i32
        %dma_start3A_1179 = tpu.memref_slice %arg8[%rem3A_171, %dma_start3A_1177, %dma_start3A_1178] : memref<2x16x128xi32, #tpu.memory_space<vmem>> -> memref<1x16x128xi32, #tpu.memory_space<vmem>>
        %dma_start3A_1180 = tpu.memref_squeeze %dma_start3A_1179 : memref<1x16x128xi32, #tpu.memory_space<vmem>> -> memref<16x128xi32, #tpu.memory_space<vmem>>
        %dma_start3A_1181 = arith.constant 0 : i32
        %dma_start3A_1182 = tpu.memref_slice %arg4[%add3A_1176, %dma_start3A_1181] : memref<2560x128xi32, #tpu.memory_space<hbm>> -> memref<16x128xi32, #tpu.memory_space<hbm>>
        %dma_start3A_1183 = tpu.memref_slice %arg15[%rem3A_171] : memref<2x!tpu.dma_semaphore, #tpu.memory_space<semaphore_mem>> -> memref<1x!tpu.dma_semaphore, #tpu.memory_space<semaphore_mem>>
        %dma_start3A_1184 = tpu.memref_squeeze %dma_start3A_1183 : memref<1x!tpu.dma_semaphore, #tpu.memory_space<semaphore_mem>> -> memref<!tpu.dma_semaphore, #tpu.memory_space<semaphore_mem>>
        %dma_start3A_1185 = arith.constant 0 : i32
        %dma_start3A_1186 = arith.constant 0 : i32
        %dma_start3A_1187 = tpu.memref_slice %arg8[%rem3A_171, %dma_start3A_1185, %dma_start3A_1186] : memref<2x16x128xi32, #tpu.memory_space<vmem>> -> memref<1x16x128xi32, #tpu.memory_space<vmem>>
        %dma_start3A_1188 = tpu.memref_squeeze %dma_start3A_1187 : memref<1x16x128xi32, #tpu.memory_space<vmem>> -> memref<16x128xi32, #tpu.memory_space<vmem>>
        %dma_start3A_1189 = arith.constant 0 : i32
        %dma_start3A_1190 = tpu.memref_slice %arg4[%add3A_1176, %dma_start3A_1189] : memref<2560x128xi32, #tpu.memory_space<hbm>> -> memref<16x128xi32, #tpu.memory_space<hbm>>
        tpu.enqueue_dma source(%dma_start3A_1190 : memref<16x128xi32, #tpu.memory_space<hbm>>) target(%dma_start3A_1188 : memref<16x128xi32, #tpu.memory_space<vmem>>) target_semaphore(%dma_start3A_1184 : memref<!tpu.dma_semaphore, #tpu.memory_space<semaphore_mem>>)
        %dma_start3A_1191 = arith.constant 0 : i32
        %dma_start3A_1192 = arith.constant 0 : i32
        %dma_start3A_1193 = tpu.memref_slice %arg9[%rem3A_171, %dma_start3A_1191, %dma_start3A_1192] : memref<2x16x128xi32, #tpu.memory_space<vmem>> -> memref<1x16x128xi32, #tpu.memory_space<vmem>>
        %dma_start3A_1194 = tpu.memref_squeeze %dma_start3A_1193 : memref<1x16x128xi32, #tpu.memory_space<vmem>> -> memref<16x128xi32, #tpu.memory_space<vmem>>
        %dma_start3A_1195 = arith.constant 0 : i32
        %dma_start3A_1196 = tpu.memref_slice %arg5[%add3A_1176, %dma_start3A_1195] : memref<2560x128xi32, #tpu.memory_space<hbm>> -> memref<16x128xi32, #tpu.memory_space<hbm>>
        %dma_start3A_1197 = tpu.memref_slice %arg16[%rem3A_171] : memref<2x!tpu.dma_semaphore, #tpu.memory_space<semaphore_mem>> -> memref<1x!tpu.dma_semaphore, #tpu.memory_space<semaphore_mem>>
        %dma_start3A_1198 = tpu.memref_squeeze %dma_start3A_1197 : memref<1x!tpu.dma_semaphore, #tpu.memory_space<semaphore_mem>> -> memref<!tpu.dma_semaphore, #tpu.memory_space<semaphore_mem>>
        %dma_start3A_1199 = arith.constant 0 : i32
        %dma_start3A_1200 = arith.constant 0 : i32
        %dma_start3A_1201 = tpu.memref_slice %arg9[%rem3A_171, %dma_start3A_1199, %dma_start3A_1200] : memref<2x16x128xi32, #tpu.memory_space<vmem>> -> memref<1x16x128xi32, #tpu.memory_space<vmem>>
        %dma_start3A_1202 = tpu.memref_squeeze %dma_start3A_1201 : memref<1x16x128xi32, #tpu.memory_space<vmem>> -> memref<16x128xi32, #tpu.memory_space<vmem>>
        %dma_start3A_1203 = arith.constant 0 : i32
        %dma_start3A_1204 = tpu.memref_slice %arg5[%add3A_1176, %dma_start3A_1203] : memref<2560x128xi32, #tpu.memory_space<hbm>> -> memref<16x128xi32, #tpu.memory_space<hbm>>
        tpu.enqueue_dma source(%dma_start3A_1204 : memref<16x128xi32, #tpu.memory_space<hbm>>) target(%dma_start3A_1202 : memref<16x128xi32, #tpu.memory_space<vmem>>) target_semaphore(%dma_start3A_1198 : memref<!tpu.dma_semaphore, #tpu.memory_space<semaphore_mem>>)
      } else {
      }
      %dma_start3A_334 = arith.constant 4 : i32
      %dma_start3A_335 = arith.constant 0 : i32
      %dma_start3A_336 = arith.constant 0 : i32
      %dma_start3A_337 = arith.constant 0 : i32
      %dma_start3A_338 = arith.constant 0 : i32
      %dma_start3A_339 = tpu.memref_slice %arg10[%dma_start3A_335, %dma_start3A_337, %dma_start3A_338] : memref<4x128x64xf32, #tpu.memory_space<vmem>> -> memref<1x128x64xf32, #tpu.memory_space<vmem>>
      %dma_start3A_340 = tpu.memref_squeeze %dma_start3A_339 : memref<1x128x64xf32, #tpu.memory_space<vmem>> -> memref<128x64xf32, #tpu.memory_space<vmem>>
      %dma_start3A_341 = arith.constant 0 : i32
      %dma_start3A_342 = tpu.memref_slice %arg8[%rem3A_167, %dma_start3A_334, %dma_start3A_341] : memref<2x16x128xi32, #tpu.memory_space<vmem>> -> memref<1x1x128xi32, #tpu.memory_space<vmem>>
      %dma_start3A_343 = tpu.memref_squeeze %dma_start3A_342 : memref<1x1x128xi32, #tpu.memory_space<vmem>> -> memref<128xi32, #tpu.memory_space<vmem>>
      %dma_start3A_344 = arith.constant 0 : i32
      %dma_start3A_345 = arith.constant 0 : i32
      %dma_start3A_346 = tpu.memref_slice %arg12[%dma_start3A_344, %dma_start3A_345] : memref<10240x64xf32, #tpu.memory_space<vmem_shared>> -> memref<10240x64xf32, #tpu.memory_space<vmem_shared>>
      %dma_start3A_347 = tpu.memref_slice %arg13[%dma_start3A_336] : memref<4x!tpu.dma_semaphore, #tpu.memory_space<semaphore_mem>> -> memref<1x!tpu.dma_semaphore, #tpu.memory_space<semaphore_mem>>
      %dma_start3A_348 = tpu.memref_squeeze %dma_start3A_347 : memref<1x!tpu.dma_semaphore, #tpu.memory_space<semaphore_mem>> -> memref<!tpu.dma_semaphore, #tpu.memory_space<semaphore_mem>>
      tpu.enqueue_indirect_dma source(%dma_start3A_346 : memref<10240x64xf32, #tpu.memory_space<vmem_shared>>) target(%dma_start3A_340 : memref<128x64xf32, #tpu.memory_space<vmem>>) offsets(%dma_start3A_343 : memref<128xi32, #tpu.memory_space<vmem>>) semaphore(%dma_start3A_348 : memref<!tpu.dma_semaphore, #tpu.memory_space<semaphore_mem>>)
      %mul3A_349 = arith.constant 16 : i32
      %mul3A_350 = arith.muli %scan3A_166, %mul3A_349 : i32
      %add3A_351 = arith.constant 3 : i32
      %add3A_352 = arith.addi %mul3A_350, %add3A_351 : i32
      %dma_wait3A_353 = arith.constant 3 : i32
      %dma_wait3A_354 = arith.constant 3 : i32
      %dma_wait3A_355 = arith.constant 3 : i32
      %dma_wait3A_356 = arith.constant 0 : i32
      %dma_wait3A_357 = arith.constant 0 : i32
      %dma_wait3A_358 = tpu.memref_slice %arg10[%dma_wait3A_354, %dma_wait3A_356, %dma_wait3A_357] : memref<4x128x64xf32, #tpu.memory_space<vmem>> -> memref<1x128x64xf32, #tpu.memory_space<vmem>>
      %dma_wait3A_359 = tpu.memref_squeeze %dma_wait3A_358 : memref<1x128x64xf32, #tpu.memory_space<vmem>> -> memref<128x64xf32, #tpu.memory_space<vmem>>
      %dma_wait3A_360 = arith.constant 0 : i32
      %dma_wait3A_361 = tpu.memref_slice %arg8[%rem3A_167, %dma_wait3A_353, %dma_wait3A_360] : memref<2x16x128xi32, #tpu.memory_space<vmem>> -> memref<1x1x128xi32, #tpu.memory_space<vmem>>
      %dma_wait3A_362 = tpu.memref_squeeze %dma_wait3A_361 : memref<1x1x128xi32, #tpu.memory_space<vmem>> -> memref<128xi32, #tpu.memory_space<vmem>>
      %dma_wait3A_363 = arith.constant 0 : i32
      %dma_wait3A_364 = arith.constant 0 : i32
      %dma_wait3A_365 = tpu.memref_slice %arg12[%dma_wait3A_363, %dma_wait3A_364] : memref<10240x64xf32, #tpu.memory_space<vmem_shared>> -> memref<10240x64xf32, #tpu.memory_space<vmem_shared>>
      %dma_wait3A_366 = tpu.memref_slice %arg13[%dma_wait3A_355] : memref<4x!tpu.dma_semaphore, #tpu.memory_space<semaphore_mem>> -> memref<1x!tpu.dma_semaphore, #tpu.memory_space<semaphore_mem>>
      %dma_wait3A_367 = tpu.memref_squeeze %dma_wait3A_366 : memref<1x!tpu.dma_semaphore, #tpu.memory_space<semaphore_mem>> -> memref<!tpu.dma_semaphore, #tpu.memory_space<semaphore_mem>>
      tpu.wait_indirect_dma semaphore(%dma_wait3A_367 : memref<!tpu.dma_semaphore, #tpu.memory_space<semaphore_mem>>) src(%dma_wait3A_365 : memref<10240x64xf32, #tpu.memory_space<vmem_shared>>) dst(%dma_wait3A_359 : memref<128x64xf32, #tpu.memory_space<vmem>>)
      %dma_start3A_368 = arith.constant 3 : i32
      %dma_start3A_369 = arith.constant 3 : i32
      %dma_start3A_370 = arith.constant 3 : i32
      %dma_start3A_371 = arith.constant 0 : i32
      %dma_start3A_372 = arith.constant 0 : i32
      %dma_start3A_373 = tpu.memref_slice %arg10[%dma_start3A_368, %dma_start3A_371, %dma_start3A_372] : memref<4x128x64xf32, #tpu.memory_space<vmem>> -> memref<1x128x64xf32, #tpu.memory_space<vmem>>
      %dma_start3A_374 = tpu.memref_squeeze %dma_start3A_373 : memref<1x128x64xf32, #tpu.memory_space<vmem>> -> memref<128x64xf32, #tpu.memory_space<vmem>>
      %dma_start3A_375 = arith.constant 0 : i32
      %dma_start3A_376 = tpu.memref_slice %arg9[%rem3A_167, %dma_start3A_369, %dma_start3A_375] : memref<2x16x128xi32, #tpu.memory_space<vmem>> -> memref<1x1x128xi32, #tpu.memory_space<vmem>>
      %dma_start3A_377 = tpu.memref_squeeze %dma_start3A_376 : memref<1x1x128xi32, #tpu.memory_space<vmem>> -> memref<128xi32, #tpu.memory_space<vmem>>
      %dma_start3A_378 = arith.constant 0 : i32
      %dma_start3A_379 = arith.constant 0 : i32
      %dma_start3A_380 = tpu.memref_slice %arg11[%dma_start3A_378, %dma_start3A_379] : memref<10240x64xf32, #tpu.memory_space<vmem_shared>> -> memref<10240x64xf32, #tpu.memory_space<vmem_shared>>
      %dma_start3A_381 = tpu.memref_slice %arg14[%dma_start3A_370] : memref<4x!tpu.dma_semaphore, #tpu.memory_space<semaphore_mem>> -> memref<1x!tpu.dma_semaphore, #tpu.memory_space<semaphore_mem>>
      %dma_start3A_382 = tpu.memref_squeeze %dma_start3A_381 : memref<1x!tpu.dma_semaphore, #tpu.memory_space<semaphore_mem>> -> memref<!tpu.dma_semaphore, #tpu.memory_space<semaphore_mem>>
      tpu.enqueue_indirect_dma source(%dma_start3A_374 : memref<128x64xf32, #tpu.memory_space<vmem>>) target(%dma_start3A_380 : memref<10240x64xf32, #tpu.memory_space<vmem_shared>>) offsets(%dma_start3A_377 : memref<128xi32, #tpu.memory_space<vmem>>) semaphore(%dma_start3A_382 : memref<!tpu.dma_semaphore, #tpu.memory_space<semaphore_mem>>) {add = true}
      %dma_wait3A_383 = arith.constant 1 : i32
      %dma_wait3A_384 = arith.constant 1 : i32
      %dma_wait3A_385 = arith.constant 1 : i32
      %dma_wait3A_386 = arith.constant 0 : i32
      %dma_wait3A_387 = arith.constant 0 : i32
      %dma_wait3A_388 = tpu.memref_slice %arg10[%dma_wait3A_383, %dma_wait3A_386, %dma_wait3A_387] : memref<4x128x64xf32, #tpu.memory_space<vmem>> -> memref<1x128x64xf32, #tpu.memory_space<vmem>>
      %dma_wait3A_389 = tpu.memref_squeeze %dma_wait3A_388 : memref<1x128x64xf32, #tpu.memory_space<vmem>> -> memref<128x64xf32, #tpu.memory_space<vmem>>
      %dma_wait3A_390 = arith.constant 0 : i32
      %dma_wait3A_391 = tpu.memref_slice %arg9[%rem3A_167, %dma_wait3A_384, %dma_wait3A_390] : memref<2x16x128xi32, #tpu.memory_space<vmem>> -> memref<1x1x128xi32, #tpu.memory_space<vmem>>
      %dma_wait3A_392 = tpu.memref_squeeze %dma_wait3A_391 : memref<1x1x128xi32, #tpu.memory_space<vmem>> -> memref<128xi32, #tpu.memory_space<vmem>>
      %dma_wait3A_393 = arith.constant 0 : i32
      %dma_wait3A_394 = arith.constant 0 : i32
      %dma_wait3A_395 = tpu.memref_slice %arg11[%dma_wait3A_393, %dma_wait3A_394] : memref<10240x64xf32, #tpu.memory_space<vmem_shared>> -> memref<10240x64xf32, #tpu.memory_space<vmem_shared>>
      %dma_wait3A_396 = tpu.memref_slice %arg14[%dma_wait3A_385] : memref<4x!tpu.dma_semaphore, #tpu.memory_space<semaphore_mem>> -> memref<1x!tpu.dma_semaphore, #tpu.memory_space<semaphore_mem>>
      %dma_wait3A_397 = tpu.memref_squeeze %dma_wait3A_396 : memref<1x!tpu.dma_semaphore, #tpu.memory_space<semaphore_mem>> -> memref<!tpu.dma_semaphore, #tpu.memory_space<semaphore_mem>>
      tpu.wait_indirect_dma semaphore(%dma_wait3A_397 : memref<!tpu.dma_semaphore, #tpu.memory_space<semaphore_mem>>) src(%dma_wait3A_389 : memref<128x64xf32, #tpu.memory_space<vmem>>) dst(%dma_wait3A_395 : memref<10240x64xf32, #tpu.memory_space<vmem_shared>>)
      %dma_start3A_398 = arith.constant 5 : i32
      %dma_start3A_399 = arith.constant 1 : i32
      %dma_start3A_400 = arith.constant 1 : i32
      %dma_start3A_401 = arith.constant 0 : i32
      %dma_start3A_402 = arith.constant 0 : i32
      %dma_start3A_403 = tpu.memref_slice %arg10[%dma_start3A_399, %dma_start3A_401, %dma_start3A_402] : memref<4x128x64xf32, #tpu.memory_space<vmem>> -> memref<1x128x64xf32, #tpu.memory_space<vmem>>
      %dma_start3A_404 = tpu.memref_squeeze %dma_start3A_403 : memref<1x128x64xf32, #tpu.memory_space<vmem>> -> memref<128x64xf32, #tpu.memory_space<vmem>>
      %dma_start3A_405 = arith.constant 0 : i32
      %dma_start3A_406 = tpu.memref_slice %arg8[%rem3A_167, %dma_start3A_398, %dma_start3A_405] : memref<2x16x128xi32, #tpu.memory_space<vmem>> -> memref<1x1x128xi32, #tpu.memory_space<vmem>>
      %dma_start3A_407 = tpu.memref_squeeze %dma_start3A_406 : memref<1x1x128xi32, #tpu.memory_space<vmem>> -> memref<128xi32, #tpu.memory_space<vmem>>
      %dma_start3A_408 = arith.constant 0 : i32
      %dma_start3A_409 = arith.constant 0 : i32
      %dma_start3A_410 = tpu.memref_slice %arg12[%dma_start3A_408, %dma_start3A_409] : memref<10240x64xf32, #tpu.memory_space<vmem_shared>> -> memref<10240x64xf32, #tpu.memory_space<vmem_shared>>
      %dma_start3A_411 = tpu.memref_slice %arg13[%dma_start3A_400] : memref<4x!tpu.dma_semaphore, #tpu.memory_space<semaphore_mem>> -> memref<1x!tpu.dma_semaphore, #tpu.memory_space<semaphore_mem>>
      %dma_start3A_412 = tpu.memref_squeeze %dma_start3A_411 : memref<1x!tpu.dma_semaphore, #tpu.memory_space<semaphore_mem>> -> memref<!tpu.dma_semaphore, #tpu.memory_space<semaphore_mem>>
      tpu.enqueue_indirect_dma source(%dma_start3A_410 : memref<10240x64xf32, #tpu.memory_space<vmem_shared>>) target(%dma_start3A_404 : memref<128x64xf32, #tpu.memory_space<vmem>>) offsets(%dma_start3A_407 : memref<128xi32, #tpu.memory_space<vmem>>) semaphore(%dma_start3A_412 : memref<!tpu.dma_semaphore, #tpu.memory_space<semaphore_mem>>)
      %mul3A_413 = arith.constant 16 : i32
      %mul3A_414 = arith.muli %scan3A_166, %mul3A_413 : i32
      %add3A_415 = arith.constant 4 : i32
      %add3A_416 = arith.addi %mul3A_414, %add3A_415 : i32
      %dma_wait3A_417 = arith.constant 4 : i32
      %dma_wait3A_418 = arith.constant 0 : i32
      %dma_wait3A_419 = arith.constant 0 : i32
      %dma_wait3A_420 = arith.constant 0 : i32
      %dma_wait3A_421 = arith.constant 0 : i32
      %dma_wait3A_422 = tpu.memref_slice %arg10[%dma_wait3A_418, %dma_wait3A_420, %dma_wait3A_421] : memref<4x128x64xf32, #tpu.memory_space<vmem>> -> memref<1x128x64xf32, #tpu.memory_space<vmem>>
      %dma_wait3A_423 = tpu.memref_squeeze %dma_wait3A_422 : memref<1x128x64xf32, #tpu.memory_space<vmem>> -> memref<128x64xf32, #tpu.memory_space<vmem>>
      %dma_wait3A_424 = arith.constant 0 : i32
      %dma_wait3A_425 = tpu.memref_slice %arg8[%rem3A_167, %dma_wait3A_417, %dma_wait3A_424] : memref<2x16x128xi32, #tpu.memory_space<vmem>> -> memref<1x1x128xi32, #tpu.memory_space<vmem>>
      %dma_wait3A_426 = tpu.memref_squeeze %dma_wait3A_425 : memref<1x1x128xi32, #tpu.memory_space<vmem>> -> memref<128xi32, #tpu.memory_space<vmem>>
      %dma_wait3A_427 = arith.constant 0 : i32
      %dma_wait3A_428 = arith.constant 0 : i32
      %dma_wait3A_429 = tpu.memref_slice %arg12[%dma_wait3A_427, %dma_wait3A_428] : memref<10240x64xf32, #tpu.memory_space<vmem_shared>> -> memref<10240x64xf32, #tpu.memory_space<vmem_shared>>
      %dma_wait3A_430 = tpu.memref_slice %arg13[%dma_wait3A_419] : memref<4x!tpu.dma_semaphore, #tpu.memory_space<semaphore_mem>> -> memref<1x!tpu.dma_semaphore, #tpu.memory_space<semaphore_mem>>
      %dma_wait3A_431 = tpu.memref_squeeze %dma_wait3A_430 : memref<1x!tpu.dma_semaphore, #tpu.memory_space<semaphore_mem>> -> memref<!tpu.dma_semaphore, #tpu.memory_space<semaphore_mem>>
      tpu.wait_indirect_dma semaphore(%dma_wait3A_431 : memref<!tpu.dma_semaphore, #tpu.memory_space<semaphore_mem>>) src(%dma_wait3A_429 : memref<10240x64xf32, #tpu.memory_space<vmem_shared>>) dst(%dma_wait3A_423 : memref<128x64xf32, #tpu.memory_space<vmem>>)
      %dma_start3A_432 = arith.constant 0 : i32
      %dma_start3A_433 = arith.constant 4 : i32
      %dma_start3A_434 = arith.constant 0 : i32
      %dma_start3A_435 = arith.constant 0 : i32
      %dma_start3A_436 = arith.constant 0 : i32
      %dma_start3A_437 = tpu.memref_slice %arg10[%dma_start3A_432, %dma_start3A_435, %dma_start3A_436] : memref<4x128x64xf32, #tpu.memory_space<vmem>> -> memref<1x128x64xf32, #tpu.memory_space<vmem>>
      %dma_start3A_438 = tpu.memref_squeeze %dma_start3A_437 : memref<1x128x64xf32, #tpu.memory_space<vmem>> -> memref<128x64xf32, #tpu.memory_space<vmem>>
      %dma_start3A_439 = arith.constant 0 : i32
      %dma_start3A_440 = tpu.memref_slice %arg9[%rem3A_167, %dma_start3A_433, %dma_start3A_439] : memref<2x16x128xi32, #tpu.memory_space<vmem>> -> memref<1x1x128xi32, #tpu.memory_space<vmem>>
      %dma_start3A_441 = tpu.memref_squeeze %dma_start3A_440 : memref<1x1x128xi32, #tpu.memory_space<vmem>> -> memref<128xi32, #tpu.memory_space<vmem>>
      %dma_start3A_442 = arith.constant 0 : i32
      %dma_start3A_443 = arith.constant 0 : i32
      %dma_start3A_444 = tpu.memref_slice %arg11[%dma_start3A_442, %dma_start3A_443] : memref<10240x64xf32, #tpu.memory_space<vmem_shared>> -> memref<10240x64xf32, #tpu.memory_space<vmem_shared>>
      %dma_start3A_445 = tpu.memref_slice %arg14[%dma_start3A_434] : memref<4x!tpu.dma_semaphore, #tpu.memory_space<semaphore_mem>> -> memref<1x!tpu.dma_semaphore, #tpu.memory_space<semaphore_mem>>
      %dma_start3A_446 = tpu.memref_squeeze %dma_start3A_445 : memref<1x!tpu.dma_semaphore, #tpu.memory_space<semaphore_mem>> -> memref<!tpu.dma_semaphore, #tpu.memory_space<semaphore_mem>>
      tpu.enqueue_indirect_dma source(%dma_start3A_438 : memref<128x64xf32, #tpu.memory_space<vmem>>) target(%dma_start3A_444 : memref<10240x64xf32, #tpu.memory_space<vmem_shared>>) offsets(%dma_start3A_441 : memref<128xi32, #tpu.memory_space<vmem>>) semaphore(%dma_start3A_446 : memref<!tpu.dma_semaphore, #tpu.memory_space<semaphore_mem>>) {add = true}
      %dma_wait3A_447 = arith.constant 2 : i32
      %dma_wait3A_448 = arith.constant 2 : i32
      %dma_wait3A_449 = arith.constant 2 : i32
      %dma_wait3A_450 = arith.constant 0 : i32
      %dma_wait3A_451 = arith.constant 0 : i32
      %dma_wait3A_452 = tpu.memref_slice %arg10[%dma_wait3A_447, %dma_wait3A_450, %dma_wait3A_451] : memref<4x128x64xf32, #tpu.memory_space<vmem>> -> memref<1x128x64xf32, #tpu.memory_space<vmem>>
      %dma_wait3A_453 = tpu.memref_squeeze %dma_wait3A_452 : memref<1x128x64xf32, #tpu.memory_space<vmem>> -> memref<128x64xf32, #tpu.memory_space<vmem>>
      %dma_wait3A_454 = arith.constant 0 : i32
      %dma_wait3A_455 = tpu.memref_slice %arg9[%rem3A_167, %dma_wait3A_448, %dma_wait3A_454] : memref<2x16x128xi32, #tpu.memory_space<vmem>> -> memref<1x1x128xi32, #tpu.memory_space<vmem>>
      %dma_wait3A_456 = tpu.memref_squeeze %dma_wait3A_455 : memref<1x1x128xi32, #tpu.memory_space<vmem>> -> memref<128xi32, #tpu.memory_space<vmem>>
      %dma_wait3A_457 = arith.constant 0 : i32
      %dma_wait3A_458 = arith.constant 0 : i32
      %dma_wait3A_459 = tpu.memref_slice %arg11[%dma_wait3A_457, %dma_wait3A_458] : memref<10240x64xf32, #tpu.memory_space<vmem_shared>> -> memref<10240x64xf32, #tpu.memory_space<vmem_shared>>
      %dma_wait3A_460 = tpu.memref_slice %arg14[%dma_wait3A_449] : memref<4x!tpu.dma_semaphore, #tpu.memory_space<semaphore_mem>> -> memref<1x!tpu.dma_semaphore, #tpu.memory_space<semaphore_mem>>
      %dma_wait3A_461 = tpu.memref_squeeze %dma_wait3A_460 : memref<1x!tpu.dma_semaphore, #tpu.memory_space<semaphore_mem>> -> memref<!tpu.dma_semaphore, #tpu.memory_space<semaphore_mem>>
      tpu.wait_indirect_dma semaphore(%dma_wait3A_461 : memref<!tpu.dma_semaphore, #tpu.memory_space<semaphore_mem>>) src(%dma_wait3A_453 : memref<128x64xf32, #tpu.memory_space<vmem>>) dst(%dma_wait3A_459 : memref<10240x64xf32, #tpu.memory_space<vmem_shared>>)
      %dma_start3A_462 = arith.constant 6 : i32
      %dma_start3A_463 = arith.constant 2 : i32
      %dma_start3A_464 = arith.constant 2 : i32
      %dma_start3A_465 = arith.constant 0 : i32
      %dma_start3A_466 = arith.constant 0 : i32
      %dma_start3A_467 = tpu.memref_slice %arg10[%dma_start3A_463, %dma_start3A_465, %dma_start3A_466] : memref<4x128x64xf32, #tpu.memory_space<vmem>> -> memref<1x128x64xf32, #tpu.memory_space<vmem>>
      %dma_start3A_468 = tpu.memref_squeeze %dma_start3A_467 : memref<1x128x64xf32, #tpu.memory_space<vmem>> -> memref<128x64xf32, #tpu.memory_space<vmem>>
      %dma_start3A_469 = arith.constant 0 : i32
      %dma_start3A_470 = tpu.memref_slice %arg8[%rem3A_167, %dma_start3A_462, %dma_start3A_469] : memref<2x16x128xi32, #tpu.memory_space<vmem>> -> memref<1x1x128xi32, #tpu.memory_space<vmem>>
      %dma_start3A_471 = tpu.memref_squeeze %dma_start3A_470 : memref<1x1x128xi32, #tpu.memory_space<vmem>> -> memref<128xi32, #tpu.memory_space<vmem>>
      %dma_start3A_472 = arith.constant 0 : i32
      %dma_start3A_473 = arith.constant 0 : i32
      %dma_start3A_474 = tpu.memref_slice %arg12[%dma_start3A_472, %dma_start3A_473] : memref<10240x64xf32, #tpu.memory_space<vmem_shared>> -> memref<10240x64xf32, #tpu.memory_space<vmem_shared>>
      %dma_start3A_475 = tpu.memref_slice %arg13[%dma_start3A_464] : memref<4x!tpu.dma_semaphore, #tpu.memory_space<semaphore_mem>> -> memref<1x!tpu.dma_semaphore, #tpu.memory_space<semaphore_mem>>
      %dma_start3A_476 = tpu.memref_squeeze %dma_start3A_475 : memref<1x!tpu.dma_semaphore, #tpu.memory_space<semaphore_mem>> -> memref<!tpu.dma_semaphore, #tpu.memory_space<semaphore_mem>>
      tpu.enqueue_indirect_dma source(%dma_start3A_474 : memref<10240x64xf32, #tpu.memory_space<vmem_shared>>) target(%dma_start3A_468 : memref<128x64xf32, #tpu.memory_space<vmem>>) offsets(%dma_start3A_471 : memref<128xi32, #tpu.memory_space<vmem>>) semaphore(%dma_start3A_476 : memref<!tpu.dma_semaphore, #tpu.memory_space<semaphore_mem>>)
      %mul3A_477 = arith.constant 16 : i32
      %mul3A_478 = arith.muli %scan3A_166, %mul3A_477 : i32
      %add3A_479 = arith.constant 5 : i32
      %add3A_480 = arith.addi %mul3A_478, %add3A_479 : i32
      %dma_wait3A_481 = arith.constant 5 : i32
      %dma_wait3A_482 = arith.constant 1 : i32
      %dma_wait3A_483 = arith.constant 1 : i32
      %dma_wait3A_484 = arith.constant 0 : i32
      %dma_wait3A_485 = arith.constant 0 : i32
      %dma_wait3A_486 = tpu.memref_slice %arg10[%dma_wait3A_482, %dma_wait3A_484, %dma_wait3A_485] : memref<4x128x64xf32, #tpu.memory_space<vmem>> -> memref<1x128x64xf32, #tpu.memory_space<vmem>>
      %dma_wait3A_487 = tpu.memref_squeeze %dma_wait3A_486 : memref<1x128x64xf32, #tpu.memory_space<vmem>> -> memref<128x64xf32, #tpu.memory_space<vmem>>
      %dma_wait3A_488 = arith.constant 0 : i32
      %dma_wait3A_489 = tpu.memref_slice %arg8[%rem3A_167, %dma_wait3A_481, %dma_wait3A_488] : memref<2x16x128xi32, #tpu.memory_space<vmem>> -> memref<1x1x128xi32, #tpu.memory_space<vmem>>
      %dma_wait3A_490 = tpu.memref_squeeze %dma_wait3A_489 : memref<1x1x128xi32, #tpu.memory_space<vmem>> -> memref<128xi32, #tpu.memory_space<vmem>>
      %dma_wait3A_491 = arith.constant 0 : i32
      %dma_wait3A_492 = arith.constant 0 : i32
      %dma_wait3A_493 = tpu.memref_slice %arg12[%dma_wait3A_491, %dma_wait3A_492] : memref<10240x64xf32, #tpu.memory_space<vmem_shared>> -> memref<10240x64xf32, #tpu.memory_space<vmem_shared>>
      %dma_wait3A_494 = tpu.memref_slice %arg13[%dma_wait3A_483] : memref<4x!tpu.dma_semaphore, #tpu.memory_space<semaphore_mem>> -> memref<1x!tpu.dma_semaphore, #tpu.memory_space<semaphore_mem>>
      %dma_wait3A_495 = tpu.memref_squeeze %dma_wait3A_494 : memref<1x!tpu.dma_semaphore, #tpu.memory_space<semaphore_mem>> -> memref<!tpu.dma_semaphore, #tpu.memory_space<semaphore_mem>>
      tpu.wait_indirect_dma semaphore(%dma_wait3A_495 : memref<!tpu.dma_semaphore, #tpu.memory_space<semaphore_mem>>) src(%dma_wait3A_493 : memref<10240x64xf32, #tpu.memory_space<vmem_shared>>) dst(%dma_wait3A_487 : memref<128x64xf32, #tpu.memory_space<vmem>>)
      %dma_start3A_496 = arith.constant 1 : i32
      %dma_start3A_497 = arith.constant 5 : i32
      %dma_start3A_498 = arith.constant 1 : i32
      %dma_start3A_499 = arith.constant 0 : i32
      %dma_start3A_500 = arith.constant 0 : i32
      %dma_start3A_501 = tpu.memref_slice %arg10[%dma_start3A_496, %dma_start3A_499, %dma_start3A_500] : memref<4x128x64xf32, #tpu.memory_space<vmem>> -> memref<1x128x64xf32, #tpu.memory_space<vmem>>
      %dma_start3A_502 = tpu.memref_squeeze %dma_start3A_501 : memref<1x128x64xf32, #tpu.memory_space<vmem>> -> memref<128x64xf32, #tpu.memory_space<vmem>>
      %dma_start3A_503 = arith.constant 0 : i32
      %dma_start3A_504 = tpu.memref_slice %arg9[%rem3A_167, %dma_start3A_497, %dma_start3A_503] : memref<2x16x128xi32, #tpu.memory_space<vmem>> -> memref<1x1x128xi32, #tpu.memory_space<vmem>>
      %dma_start3A_505 = tpu.memref_squeeze %dma_start3A_504 : memref<1x1x128xi32, #tpu.memory_space<vmem>> -> memref<128xi32, #tpu.memory_space<vmem>>
      %dma_start3A_506 = arith.constant 0 : i32
      %dma_start3A_507 = arith.constant 0 : i32
      %dma_start3A_508 = tpu.memref_slice %arg11[%dma_start3A_506, %dma_start3A_507] : memref<10240x64xf32, #tpu.memory_space<vmem_shared>> -> memref<10240x64xf32, #tpu.memory_space<vmem_shared>>
      %dma_start3A_509 = tpu.memref_slice %arg14[%dma_start3A_498] : memref<4x!tpu.dma_semaphore, #tpu.memory_space<semaphore_mem>> -> memref<1x!tpu.dma_semaphore, #tpu.memory_space<semaphore_mem>>
      %dma_start3A_510 = tpu.memref_squeeze %dma_start3A_509 : memref<1x!tpu.dma_semaphore, #tpu.memory_space<semaphore_mem>> -> memref<!tpu.dma_semaphore, #tpu.memory_space<semaphore_mem>>
      tpu.enqueue_indirect_dma source(%dma_start3A_502 : memref<128x64xf32, #tpu.memory_space<vmem>>) target(%dma_start3A_508 : memref<10240x64xf32, #tpu.memory_space<vmem_shared>>) offsets(%dma_start3A_505 : memref<128xi32, #tpu.memory_space<vmem>>) semaphore(%dma_start3A_510 : memref<!tpu.dma_semaphore, #tpu.memory_space<semaphore_mem>>) {add = true}
      %dma_wait3A_511 = arith.constant 3 : i32
      %dma_wait3A_512 = arith.constant 3 : i32
      %dma_wait3A_513 = arith.constant 3 : i32
      %dma_wait3A_514 = arith.constant 0 : i32
      %dma_wait3A_515 = arith.constant 0 : i32
      %dma_wait3A_516 = tpu.memref_slice %arg10[%dma_wait3A_511, %dma_wait3A_514, %dma_wait3A_515] : memref<4x128x64xf32, #tpu.memory_space<vmem>> -> memref<1x128x64xf32, #tpu.memory_space<vmem>>
      %dma_wait3A_517 = tpu.memref_squeeze %dma_wait3A_516 : memref<1x128x64xf32, #tpu.memory_space<vmem>> -> memref<128x64xf32, #tpu.memory_space<vmem>>
      %dma_wait3A_518 = arith.constant 0 : i32
      %dma_wait3A_519 = tpu.memref_slice %arg9[%rem3A_167, %dma_wait3A_512, %dma_wait3A_518] : memref<2x16x128xi32, #tpu.memory_space<vmem>> -> memref<1x1x128xi32, #tpu.memory_space<vmem>>
      %dma_wait3A_520 = tpu.memref_squeeze %dma_wait3A_519 : memref<1x1x128xi32, #tpu.memory_space<vmem>> -> memref<128xi32, #tpu.memory_space<vmem>>
      %dma_wait3A_521 = arith.constant 0 : i32
      %dma_wait3A_522 = arith.constant 0 : i32
      %dma_wait3A_523 = tpu.memref_slice %arg11[%dma_wait3A_521, %dma_wait3A_522] : memref<10240x64xf32, #tpu.memory_space<vmem_shared>> -> memref<10240x64xf32, #tpu.memory_space<vmem_shared>>
      %dma_wait3A_524 = tpu.memref_slice %arg14[%dma_wait3A_513] : memref<4x!tpu.dma_semaphore, #tpu.memory_space<semaphore_mem>> -> memref<1x!tpu.dma_semaphore, #tpu.memory_space<semaphore_mem>>
      %dma_wait3A_525 = tpu.memref_squeeze %dma_wait3A_524 : memref<1x!tpu.dma_semaphore, #tpu.memory_space<semaphore_mem>> -> memref<!tpu.dma_semaphore, #tpu.memory_space<semaphore_mem>>
      tpu.wait_indirect_dma semaphore(%dma_wait3A_525 : memref<!tpu.dma_semaphore, #tpu.memory_space<semaphore_mem>>) src(%dma_wait3A_517 : memref<128x64xf32, #tpu.memory_space<vmem>>) dst(%dma_wait3A_523 : memref<10240x64xf32, #tpu.memory_space<vmem_shared>>)
      %dma_start3A_526 = arith.constant 7 : i32
      %dma_start3A_527 = arith.constant 3 : i32
      %dma_start3A_528 = arith.constant 3 : i32
      %dma_start3A_529 = arith.constant 0 : i32
      %dma_start3A_530 = arith.constant 0 : i32
      %dma_start3A_531 = tpu.memref_slice %arg10[%dma_start3A_527, %dma_start3A_529, %dma_start3A_530] : memref<4x128x64xf32, #tpu.memory_space<vmem>> -> memref<1x128x64xf32, #tpu.memory_space<vmem>>
      %dma_start3A_532 = tpu.memref_squeeze %dma_start3A_531 : memref<1x128x64xf32, #tpu.memory_space<vmem>> -> memref<128x64xf32, #tpu.memory_space<vmem>>
      %dma_start3A_533 = arith.constant 0 : i32
      %dma_start3A_534 = tpu.memref_slice %arg8[%rem3A_167, %dma_start3A_526, %dma_start3A_533] : memref<2x16x128xi32, #tpu.memory_space<vmem>> -> memref<1x1x128xi32, #tpu.memory_space<vmem>>
      %dma_start3A_535 = tpu.memref_squeeze %dma_start3A_534 : memref<1x1x128xi32, #tpu.memory_space<vmem>> -> memref<128xi32, #tpu.memory_space<vmem>>
      %dma_start3A_536 = arith.constant 0 : i32
      %dma_start3A_537 = arith.constant 0 : i32
      %dma_start3A_538 = tpu.memref_slice %arg12[%dma_start3A_536, %dma_start3A_537] : memref<10240x64xf32, #tpu.memory_space<vmem_shared>> -> memref<10240x64xf32, #tpu.memory_space<vmem_shared>>
      %dma_start3A_539 = tpu.memref_slice %arg13[%dma_start3A_528] : memref<4x!tpu.dma_semaphore, #tpu.memory_space<semaphore_mem>> -> memref<1x!tpu.dma_semaphore, #tpu.memory_space<semaphore_mem>>
      %dma_start3A_540 = tpu.memref_squeeze %dma_start3A_539 : memref<1x!tpu.dma_semaphore, #tpu.memory_space<semaphore_mem>> -> memref<!tpu.dma_semaphore, #tpu.memory_space<semaphore_mem>>
      tpu.enqueue_indirect_dma source(%dma_start3A_538 : memref<10240x64xf32, #tpu.memory_space<vmem_shared>>) target(%dma_start3A_532 : memref<128x64xf32, #tpu.memory_space<vmem>>) offsets(%dma_start3A_535 : memref<128xi32, #tpu.memory_space<vmem>>) semaphore(%dma_start3A_540 : memref<!tpu.dma_semaphore, #tpu.memory_space<semaphore_mem>>)
      %mul3A_541 = arith.constant 16 : i32
      %mul3A_542 = arith.muli %scan3A_166, %mul3A_541 : i32
      %add3A_543 = arith.constant 6 : i32
      %add3A_544 = arith.addi %mul3A_542, %add3A_543 : i32
      %dma_wait3A_545 = arith.constant 6 : i32
      %dma_wait3A_546 = arith.constant 2 : i32
      %dma_wait3A_547 = arith.constant 2 : i32
      %dma_wait3A_548 = arith.constant 0 : i32
      %dma_wait3A_549 = arith.constant 0 : i32
      %dma_wait3A_550 = tpu.memref_slice %arg10[%dma_wait3A_546, %dma_wait3A_548, %dma_wait3A_549] : memref<4x128x64xf32, #tpu.memory_space<vmem>> -> memref<1x128x64xf32, #tpu.memory_space<vmem>>
      %dma_wait3A_551 = tpu.memref_squeeze %dma_wait3A_550 : memref<1x128x64xf32, #tpu.memory_space<vmem>> -> memref<128x64xf32, #tpu.memory_space<vmem>>
      %dma_wait3A_552 = arith.constant 0 : i32
      %dma_wait3A_553 = tpu.memref_slice %arg8[%rem3A_167, %dma_wait3A_545, %dma_wait3A_552] : memref<2x16x128xi32, #tpu.memory_space<vmem>> -> memref<1x1x128xi32, #tpu.memory_space<vmem>>
      %dma_wait3A_554 = tpu.memref_squeeze %dma_wait3A_553 : memref<1x1x128xi32, #tpu.memory_space<vmem>> -> memref<128xi32, #tpu.memory_space<vmem>>
      %dma_wait3A_555 = arith.constant 0 : i32
      %dma_wait3A_556 = arith.constant 0 : i32
      %dma_wait3A_557 = tpu.memref_slice %arg12[%dma_wait3A_555, %dma_wait3A_556] : memref<10240x64xf32, #tpu.memory_space<vmem_shared>> -> memref<10240x64xf32, #tpu.memory_space<vmem_shared>>
      %dma_wait3A_558 = tpu.memref_slice %arg13[%dma_wait3A_547] : memref<4x!tpu.dma_semaphore, #tpu.memory_space<semaphore_mem>> -> memref<1x!tpu.dma_semaphore, #tpu.memory_space<semaphore_mem>>
      %dma_wait3A_559 = tpu.memref_squeeze %dma_wait3A_558 : memref<1x!tpu.dma_semaphore, #tpu.memory_space<semaphore_mem>> -> memref<!tpu.dma_semaphore, #tpu.memory_space<semaphore_mem>>
      tpu.wait_indirect_dma semaphore(%dma_wait3A_559 : memref<!tpu.dma_semaphore, #tpu.memory_space<semaphore_mem>>) src(%dma_wait3A_557 : memref<10240x64xf32, #tpu.memory_space<vmem_shared>>) dst(%dma_wait3A_551 : memref<128x64xf32, #tpu.memory_space<vmem>>)
      %dma_start3A_560 = arith.constant 2 : i32
      %dma_start3A_561 = arith.constant 6 : i32
      %dma_start3A_562 = arith.constant 2 : i32
      %dma_start3A_563 = arith.constant 0 : i32
      %dma_start3A_564 = arith.constant 0 : i32
      %dma_start3A_565 = tpu.memref_slice %arg10[%dma_start3A_560, %dma_start3A_563, %dma_start3A_564] : memref<4x128x64xf32, #tpu.memory_space<vmem>> -> memref<1x128x64xf32, #tpu.memory_space<vmem>>
      %dma_start3A_566 = tpu.memref_squeeze %dma_start3A_565 : memref<1x128x64xf32, #tpu.memory_space<vmem>> -> memref<128x64xf32, #tpu.memory_space<vmem>>
      %dma_start3A_567 = arith.constant 0 : i32
      %dma_start3A_568 = tpu.memref_slice %arg9[%rem3A_167, %dma_start3A_561, %dma_start3A_567] : memref<2x16x128xi32, #tpu.memory_space<vmem>> -> memref<1x1x128xi32, #tpu.memory_space<vmem>>
      %dma_start3A_569 = tpu.memref_squeeze %dma_start3A_568 : memref<1x1x128xi32, #tpu.memory_space<vmem>> -> memref<128xi32, #tpu.memory_space<vmem>>
      %dma_start3A_570 = arith.constant 0 : i32
      %dma_start3A_571 = arith.constant 0 : i32
      %dma_start3A_572 = tpu.memref_slice %arg11[%dma_start3A_570, %dma_start3A_571] : memref<10240x64xf32, #tpu.memory_space<vmem_shared>> -> memref<10240x64xf32, #tpu.memory_space<vmem_shared>>
      %dma_start3A_573 = tpu.memref_slice %arg14[%dma_start3A_562] : memref<4x!tpu.dma_semaphore, #tpu.memory_space<semaphore_mem>> -> memref<1x!tpu.dma_semaphore, #tpu.memory_space<semaphore_mem>>
      %dma_start3A_574 = tpu.memref_squeeze %dma_start3A_573 : memref<1x!tpu.dma_semaphore, #tpu.memory_space<semaphore_mem>> -> memref<!tpu.dma_semaphore, #tpu.memory_space<semaphore_mem>>
      tpu.enqueue_indirect_dma source(%dma_start3A_566 : memref<128x64xf32, #tpu.memory_space<vmem>>) target(%dma_start3A_572 : memref<10240x64xf32, #tpu.memory_space<vmem_shared>>) offsets(%dma_start3A_569 : memref<128xi32, #tpu.memory_space<vmem>>) semaphore(%dma_start3A_574 : memref<!tpu.dma_semaphore, #tpu.memory_space<semaphore_mem>>) {add = true}
      %dma_wait3A_575 = arith.constant 0 : i32
      %dma_wait3A_576 = arith.constant 4 : i32
      %dma_wait3A_577 = arith.constant 0 : i32
      %dma_wait3A_578 = arith.constant 0 : i32
      %dma_wait3A_579 = arith.constant 0 : i32
      %dma_wait3A_580 = tpu.memref_slice %arg10[%dma_wait3A_575, %dma_wait3A_578, %dma_wait3A_579] : memref<4x128x64xf32, #tpu.memory_space<vmem>> -> memref<1x128x64xf32, #tpu.memory_space<vmem>>
      %dma_wait3A_581 = tpu.memref_squeeze %dma_wait3A_580 : memref<1x128x64xf32, #tpu.memory_space<vmem>> -> memref<128x64xf32, #tpu.memory_space<vmem>>
      %dma_wait3A_582 = arith.constant 0 : i32
      %dma_wait3A_583 = tpu.memref_slice %arg9[%rem3A_167, %dma_wait3A_576, %dma_wait3A_582] : memref<2x16x128xi32, #tpu.memory_space<vmem>> -> memref<1x1x128xi32, #tpu.memory_space<vmem>>
      %dma_wait3A_584 = tpu.memref_squeeze %dma_wait3A_583 : memref<1x1x128xi32, #tpu.memory_space<vmem>> -> memref<128xi32, #tpu.memory_space<vmem>>
      %dma_wait3A_585 = arith.constant 0 : i32
      %dma_wait3A_586 = arith.constant 0 : i32
      %dma_wait3A_587 = tpu.memref_slice %arg11[%dma_wait3A_585, %dma_wait3A_586] : memref<10240x64xf32, #tpu.memory_space<vmem_shared>> -> memref<10240x64xf32, #tpu.memory_space<vmem_shared>>
      %dma_wait3A_588 = tpu.memref_slice %arg14[%dma_wait3A_577] : memref<4x!tpu.dma_semaphore, #tpu.memory_space<semaphore_mem>> -> memref<1x!tpu.dma_semaphore, #tpu.memory_space<semaphore_mem>>
      %dma_wait3A_589 = tpu.memref_squeeze %dma_wait3A_588 : memref<1x!tpu.dma_semaphore, #tpu.memory_space<semaphore_mem>> -> memref<!tpu.dma_semaphore, #tpu.memory_space<semaphore_mem>>
      tpu.wait_indirect_dma semaphore(%dma_wait3A_589 : memref<!tpu.dma_semaphore, #tpu.memory_space<semaphore_mem>>) src(%dma_wait3A_581 : memref<128x64xf32, #tpu.memory_space<vmem>>) dst(%dma_wait3A_587 : memref<10240x64xf32, #tpu.memory_space<vmem_shared>>)
      %dma_start3A_590 = arith.constant 8 : i32
      %dma_start3A_591 = arith.constant 0 : i32
      %dma_start3A_592 = arith.constant 0 : i32
      %dma_start3A_593 = arith.constant 0 : i32
      %dma_start3A_594 = arith.constant 0 : i32
      %dma_start3A_595 = tpu.memref_slice %arg10[%dma_start3A_591, %dma_start3A_593, %dma_start3A_594] : memref<4x128x64xf32, #tpu.memory_space<vmem>> -> memref<1x128x64xf32, #tpu.memory_space<vmem>>
      %dma_start3A_596 = tpu.memref_squeeze %dma_start3A_595 : memref<1x128x64xf32, #tpu.memory_space<vmem>> -> memref<128x64xf32, #tpu.memory_space<vmem>>
      %dma_start3A_597 = arith.constant 0 : i32
      %dma_start3A_598 = tpu.memref_slice %arg8[%rem3A_167, %dma_start3A_590, %dma_start3A_597] : memref<2x16x128xi32, #tpu.memory_space<vmem>> -> memref<1x1x128xi32, #tpu.memory_space<vmem>>
      %dma_start3A_599 = tpu.memref_squeeze %dma_start3A_598 : memref<1x1x128xi32, #tpu.memory_space<vmem>> -> memref<128xi32, #tpu.memory_space<vmem>>
      %dma_start3A_600 = arith.constant 0 : i32
      %dma_start3A_601 = arith.constant 0 : i32
      %dma_start3A_602 = tpu.memref_slice %arg12[%dma_start3A_600, %dma_start3A_601] : memref<10240x64xf32, #tpu.memory_space<vmem_shared>> -> memref<10240x64xf32, #tpu.memory_space<vmem_shared>>
      %dma_start3A_603 = tpu.memref_slice %arg13[%dma_start3A_592] : memref<4x!tpu.dma_semaphore, #tpu.memory_space<semaphore_mem>> -> memref<1x!tpu.dma_semaphore, #tpu.memory_space<semaphore_mem>>
      %dma_start3A_604 = tpu.memref_squeeze %dma_start3A_603 : memref<1x!tpu.dma_semaphore, #tpu.memory_space<semaphore_mem>> -> memref<!tpu.dma_semaphore, #tpu.memory_space<semaphore_mem>>
      tpu.enqueue_indirect_dma source(%dma_start3A_602 : memref<10240x64xf32, #tpu.memory_space<vmem_shared>>) target(%dma_start3A_596 : memref<128x64xf32, #tpu.memory_space<vmem>>) offsets(%dma_start3A_599 : memref<128xi32, #tpu.memory_space<vmem>>) semaphore(%dma_start3A_604 : memref<!tpu.dma_semaphore, #tpu.memory_space<semaphore_mem>>)
      %mul3A_605 = arith.constant 16 : i32
      %mul3A_606 = arith.muli %scan3A_166, %mul3A_605 : i32
      %add3A_607 = arith.constant 7 : i32
      %add3A_608 = arith.addi %mul3A_606, %add3A_607 : i32
      %dma_wait3A_609 = arith.constant 7 : i32
      %dma_wait3A_610 = arith.constant 3 : i32
      %dma_wait3A_611 = arith.constant 3 : i32
      %dma_wait3A_612 = arith.constant 0 : i32
      %dma_wait3A_613 = arith.constant 0 : i32
      %dma_wait3A_614 = tpu.memref_slice %arg10[%dma_wait3A_610, %dma_wait3A_612, %dma_wait3A_613] : memref<4x128x64xf32, #tpu.memory_space<vmem>> -> memref<1x128x64xf32, #tpu.memory_space<vmem>>
      %dma_wait3A_615 = tpu.memref_squeeze %dma_wait3A_614 : memref<1x128x64xf32, #tpu.memory_space<vmem>> -> memref<128x64xf32, #tpu.memory_space<vmem>>
      %dma_wait3A_616 = arith.constant 0 : i32
      %dma_wait3A_617 = tpu.memref_slice %arg8[%rem3A_167, %dma_wait3A_609, %dma_wait3A_616] : memref<2x16x128xi32, #tpu.memory_space<vmem>> -> memref<1x1x128xi32, #tpu.memory_space<vmem>>
      %dma_wait3A_618 = tpu.memref_squeeze %dma_wait3A_617 : memref<1x1x128xi32, #tpu.memory_space<vmem>> -> memref<128xi32, #tpu.memory_space<vmem>>
      %dma_wait3A_619 = arith.constant 0 : i32
      %dma_wait3A_620 = arith.constant 0 : i32
      %dma_wait3A_621 = tpu.memref_slice %arg12[%dma_wait3A_619, %dma_wait3A_620] : memref<10240x64xf32, #tpu.memory_space<vmem_shared>> -> memref<10240x64xf32, #tpu.memory_space<vmem_shared>>
      %dma_wait3A_622 = tpu.memref_slice %arg13[%dma_wait3A_611] : memref<4x!tpu.dma_semaphore, #tpu.memory_space<semaphore_mem>> -> memref<1x!tpu.dma_semaphore, #tpu.memory_space<semaphore_mem>>
      %dma_wait3A_623 = tpu.memref_squeeze %dma_wait3A_622 : memref<1x!tpu.dma_semaphore, #tpu.memory_space<semaphore_mem>> -> memref<!tpu.dma_semaphore, #tpu.memory_space<semaphore_mem>>
      tpu.wait_indirect_dma semaphore(%dma_wait3A_623 : memref<!tpu.dma_semaphore, #tpu.memory_space<semaphore_mem>>) src(%dma_wait3A_621 : memref<10240x64xf32, #tpu.memory_space<vmem_shared>>) dst(%dma_wait3A_615 : memref<128x64xf32, #tpu.memory_space<vmem>>)
      %dma_start3A_624 = arith.constant 3 : i32
      %dma_start3A_625 = arith.constant 7 : i32
      %dma_start3A_626 = arith.constant 3 : i32
      %dma_start3A_627 = arith.constant 0 : i32
      %dma_start3A_628 = arith.constant 0 : i32
      %dma_start3A_629 = tpu.memref_slice %arg10[%dma_start3A_624, %dma_start3A_627, %dma_start3A_628] : memref<4x128x64xf32, #tpu.memory_space<vmem>> -> memref<1x128x64xf32, #tpu.memory_space<vmem>>
      %dma_start3A_630 = tpu.memref_squeeze %dma_start3A_629 : memref<1x128x64xf32, #tpu.memory_space<vmem>> -> memref<128x64xf32, #tpu.memory_space<vmem>>
      %dma_start3A_631 = arith.constant 0 : i32
      %dma_start3A_632 = tpu.memref_slice %arg9[%rem3A_167, %dma_start3A_625, %dma_start3A_631] : memref<2x16x128xi32, #tpu.memory_space<vmem>> -> memref<1x1x128xi32, #tpu.memory_space<vmem>>
      %dma_start3A_633 = tpu.memref_squeeze %dma_start3A_632 : memref<1x1x128xi32, #tpu.memory_space<vmem>> -> memref<128xi32, #tpu.memory_space<vmem>>
      %dma_start3A_634 = arith.constant 0 : i32
      %dma_start3A_635 = arith.constant 0 : i32
      %dma_start3A_636 = tpu.memref_slice %arg11[%dma_start3A_634, %dma_start3A_635] : memref<10240x64xf32, #tpu.memory_space<vmem_shared>> -> memref<10240x64xf32, #tpu.memory_space<vmem_shared>>
      %dma_start3A_637 = tpu.memref_slice %arg14[%dma_start3A_626] : memref<4x!tpu.dma_semaphore, #tpu.memory_space<semaphore_mem>> -> memref<1x!tpu.dma_semaphore, #tpu.memory_space<semaphore_mem>>
      %dma_start3A_638 = tpu.memref_squeeze %dma_start3A_637 : memref<1x!tpu.dma_semaphore, #tpu.memory_space<semaphore_mem>> -> memref<!tpu.dma_semaphore, #tpu.memory_space<semaphore_mem>>
      tpu.enqueue_indirect_dma source(%dma_start3A_630 : memref<128x64xf32, #tpu.memory_space<vmem>>) target(%dma_start3A_636 : memref<10240x64xf32, #tpu.memory_space<vmem_shared>>) offsets(%dma_start3A_633 : memref<128xi32, #tpu.memory_space<vmem>>) semaphore(%dma_start3A_638 : memref<!tpu.dma_semaphore, #tpu.memory_space<semaphore_mem>>) {add = true}
      %dma_wait3A_639 = arith.constant 1 : i32
      %dma_wait3A_640 = arith.constant 5 : i32
      %dma_wait3A_641 = arith.constant 1 : i32
      %dma_wait3A_642 = arith.constant 0 : i32
      %dma_wait3A_643 = arith.constant 0 : i32
      %dma_wait3A_644 = tpu.memref_slice %arg10[%dma_wait3A_639, %dma_wait3A_642, %dma_wait3A_643] : memref<4x128x64xf32, #tpu.memory_space<vmem>> -> memref<1x128x64xf32, #tpu.memory_space<vmem>>
      %dma_wait3A_645 = tpu.memref_squeeze %dma_wait3A_644 : memref<1x128x64xf32, #tpu.memory_space<vmem>> -> memref<128x64xf32, #tpu.memory_space<vmem>>
      %dma_wait3A_646 = arith.constant 0 : i32
      %dma_wait3A_647 = tpu.memref_slice %arg9[%rem3A_167, %dma_wait3A_640, %dma_wait3A_646] : memref<2x16x128xi32, #tpu.memory_space<vmem>> -> memref<1x1x128xi32, #tpu.memory_space<vmem>>
      %dma_wait3A_648 = tpu.memref_squeeze %dma_wait3A_647 : memref<1x1x128xi32, #tpu.memory_space<vmem>> -> memref<128xi32, #tpu.memory_space<vmem>>
      %dma_wait3A_649 = arith.constant 0 : i32
      %dma_wait3A_650 = arith.constant 0 : i32
      %dma_wait3A_651 = tpu.memref_slice %arg11[%dma_wait3A_649, %dma_wait3A_650] : memref<10240x64xf32, #tpu.memory_space<vmem_shared>> -> memref<10240x64xf32, #tpu.memory_space<vmem_shared>>
      %dma_wait3A_652 = tpu.memref_slice %arg14[%dma_wait3A_641] : memref<4x!tpu.dma_semaphore, #tpu.memory_space<semaphore_mem>> -> memref<1x!tpu.dma_semaphore, #tpu.memory_space<semaphore_mem>>
      %dma_wait3A_653 = tpu.memref_squeeze %dma_wait3A_652 : memref<1x!tpu.dma_semaphore, #tpu.memory_space<semaphore_mem>> -> memref<!tpu.dma_semaphore, #tpu.memory_space<semaphore_mem>>
      tpu.wait_indirect_dma semaphore(%dma_wait3A_653 : memref<!tpu.dma_semaphore, #tpu.memory_space<semaphore_mem>>) src(%dma_wait3A_645 : memref<128x64xf32, #tpu.memory_space<vmem>>) dst(%dma_wait3A_651 : memref<10240x64xf32, #tpu.memory_space<vmem_shared>>)
      %dma_start3A_654 = arith.constant 9 : i32
      %dma_start3A_655 = arith.constant 1 : i32
      %dma_start3A_656 = arith.constant 1 : i32
      %dma_start3A_657 = arith.constant 0 : i32
      %dma_start3A_658 = arith.constant 0 : i32
      %dma_start3A_659 = tpu.memref_slice %arg10[%dma_start3A_655, %dma_start3A_657, %dma_start3A_658] : memref<4x128x64xf32, #tpu.memory_space<vmem>> -> memref<1x128x64xf32, #tpu.memory_space<vmem>>
      %dma_start3A_660 = tpu.memref_squeeze %dma_start3A_659 : memref<1x128x64xf32, #tpu.memory_space<vmem>> -> memref<128x64xf32, #tpu.memory_space<vmem>>
      %dma_start3A_661 = arith.constant 0 : i32
      %dma_start3A_662 = tpu.memref_slice %arg8[%rem3A_167, %dma_start3A_654, %dma_start3A_661] : memref<2x16x128xi32, #tpu.memory_space<vmem>> -> memref<1x1x128xi32, #tpu.memory_space<vmem>>
      %dma_start3A_663 = tpu.memref_squeeze %dma_start3A_662 : memref<1x1x128xi32, #tpu.memory_space<vmem>> -> memref<128xi32, #tpu.memory_space<vmem>>
      %dma_start3A_664 = arith.constant 0 : i32
      %dma_start3A_665 = arith.constant 0 : i32
      %dma_start3A_666 = tpu.memref_slice %arg12[%dma_start3A_664, %dma_start3A_665] : memref<10240x64xf32, #tpu.memory_space<vmem_shared>> -> memref<10240x64xf32, #tpu.memory_space<vmem_shared>>
      %dma_start3A_667 = tpu.memref_slice %arg13[%dma_start3A_656] : memref<4x!tpu.dma_semaphore, #tpu.memory_space<semaphore_mem>> -> memref<1x!tpu.dma_semaphore, #tpu.memory_space<semaphore_mem>>
      %dma_start3A_668 = tpu.memref_squeeze %dma_start3A_667 : memref<1x!tpu.dma_semaphore, #tpu.memory_space<semaphore_mem>> -> memref<!tpu.dma_semaphore, #tpu.memory_space<semaphore_mem>>
      tpu.enqueue_indirect_dma source(%dma_start3A_666 : memref<10240x64xf32, #tpu.memory_space<vmem_shared>>) target(%dma_start3A_660 : memref<128x64xf32, #tpu.memory_space<vmem>>) offsets(%dma_start3A_663 : memref<128xi32, #tpu.memory_space<vmem>>) semaphore(%dma_start3A_668 : memref<!tpu.dma_semaphore, #tpu.memory_space<semaphore_mem>>)
      %mul3A_669 = arith.constant 16 : i32
      %mul3A_670 = arith.muli %scan3A_166, %mul3A_669 : i32
      %add3A_671 = arith.constant 8 : i32
      %add3A_672 = arith.addi %mul3A_670, %add3A_671 : i32
      %dma_wait3A_673 = arith.constant 8 : i32
      %dma_wait3A_674 = arith.constant 0 : i32
      %dma_wait3A_675 = arith.constant 0 : i32
      %dma_wait3A_676 = arith.constant 0 : i32
      %dma_wait3A_677 = arith.constant 0 : i32
      %dma_wait3A_678 = tpu.memref_slice %arg10[%dma_wait3A_674, %dma_wait3A_676, %dma_wait3A_677] : memref<4x128x64xf32, #tpu.memory_space<vmem>> -> memref<1x128x64xf32, #tpu.memory_space<vmem>>
      %dma_wait3A_679 = tpu.memref_squeeze %dma_wait3A_678 : memref<1x128x64xf32, #tpu.memory_space<vmem>> -> memref<128x64xf32, #tpu.memory_space<vmem>>
      %dma_wait3A_680 = arith.constant 0 : i32
      %dma_wait3A_681 = tpu.memref_slice %arg8[%rem3A_167, %dma_wait3A_673, %dma_wait3A_680] : memref<2x16x128xi32, #tpu.memory_space<vmem>> -> memref<1x1x128xi32, #tpu.memory_space<vmem>>
      %dma_wait3A_682 = tpu.memref_squeeze %dma_wait3A_681 : memref<1x1x128xi32, #tpu.memory_space<vmem>> -> memref<128xi32, #tpu.memory_space<vmem>>
      %dma_wait3A_683 = arith.constant 0 : i32
      %dma_wait3A_684 = arith.constant 0 : i32
      %dma_wait3A_685 = tpu.memref_slice %arg12[%dma_wait3A_683, %dma_wait3A_684] : memref<10240x64xf32, #tpu.memory_space<vmem_shared>> -> memref<10240x64xf32, #tpu.memory_space<vmem_shared>>
      %dma_wait3A_686 = tpu.memref_slice %arg13[%dma_wait3A_675] : memref<4x!tpu.dma_semaphore, #tpu.memory_space<semaphore_mem>> -> memref<1x!tpu.dma_semaphore, #tpu.memory_space<semaphore_mem>>
      %dma_wait3A_687 = tpu.memref_squeeze %dma_wait3A_686 : memref<1x!tpu.dma_semaphore, #tpu.memory_space<semaphore_mem>> -> memref<!tpu.dma_semaphore, #tpu.memory_space<semaphore_mem>>
      tpu.wait_indirect_dma semaphore(%dma_wait3A_687 : memref<!tpu.dma_semaphore, #tpu.memory_space<semaphore_mem>>) src(%dma_wait3A_685 : memref<10240x64xf32, #tpu.memory_space<vmem_shared>>) dst(%dma_wait3A_679 : memref<128x64xf32, #tpu.memory_space<vmem>>)
      %dma_start3A_688 = arith.constant 0 : i32
      %dma_start3A_689 = arith.constant 8 : i32
      %dma_start3A_690 = arith.constant 0 : i32
      %dma_start3A_691 = arith.constant 0 : i32
      %dma_start3A_692 = arith.constant 0 : i32
      %dma_start3A_693 = tpu.memref_slice %arg10[%dma_start3A_688, %dma_start3A_691, %dma_start3A_692] : memref<4x128x64xf32, #tpu.memory_space<vmem>> -> memref<1x128x64xf32, #tpu.memory_space<vmem>>
      %dma_start3A_694 = tpu.memref_squeeze %dma_start3A_693 : memref<1x128x64xf32, #tpu.memory_space<vmem>> -> memref<128x64xf32, #tpu.memory_space<vmem>>
      %dma_start3A_695 = arith.constant 0 : i32
      %dma_start3A_696 = tpu.memref_slice %arg9[%rem3A_167, %dma_start3A_689, %dma_start3A_695] : memref<2x16x128xi32, #tpu.memory_space<vmem>> -> memref<1x1x128xi32, #tpu.memory_space<vmem>>
      %dma_start3A_697 = tpu.memref_squeeze %dma_start3A_696 : memref<1x1x128xi32, #tpu.memory_space<vmem>> -> memref<128xi32, #tpu.memory_space<vmem>>
      %dma_start3A_698 = arith.constant 0 : i32
      %dma_start3A_699 = arith.constant 0 : i32
      %dma_start3A_700 = tpu.memref_slice %arg11[%dma_start3A_698, %dma_start3A_699] : memref<10240x64xf32, #tpu.memory_space<vmem_shared>> -> memref<10240x64xf32, #tpu.memory_space<vmem_shared>>
      %dma_start3A_701 = tpu.memref_slice %arg14[%dma_start3A_690] : memref<4x!tpu.dma_semaphore, #tpu.memory_space<semaphore_mem>> -> memref<1x!tpu.dma_semaphore, #tpu.memory_space<semaphore_mem>>
      %dma_start3A_702 = tpu.memref_squeeze %dma_start3A_701 : memref<1x!tpu.dma_semaphore, #tpu.memory_space<semaphore_mem>> -> memref<!tpu.dma_semaphore, #tpu.memory_space<semaphore_mem>>
      tpu.enqueue_indirect_dma source(%dma_start3A_694 : memref<128x64xf32, #tpu.memory_space<vmem>>) target(%dma_start3A_700 : memref<10240x64xf32, #tpu.memory_space<vmem_shared>>) offsets(%dma_start3A_697 : memref<128xi32, #tpu.memory_space<vmem>>) semaphore(%dma_start3A_702 : memref<!tpu.dma_semaphore, #tpu.memory_space<semaphore_mem>>) {add = true}
      %dma_wait3A_703 = arith.constant 2 : i32
      %dma_wait3A_704 = arith.constant 6 : i32
      %dma_wait3A_705 = arith.constant 2 : i32
      %dma_wait3A_706 = arith.constant 0 : i32
      %dma_wait3A_707 = arith.constant 0 : i32
      %dma_wait3A_708 = tpu.memref_slice %arg10[%dma_wait3A_703, %dma_wait3A_706, %dma_wait3A_707] : memref<4x128x64xf32, #tpu.memory_space<vmem>> -> memref<1x128x64xf32, #tpu.memory_space<vmem>>
      %dma_wait3A_709 = tpu.memref_squeeze %dma_wait3A_708 : memref<1x128x64xf32, #tpu.memory_space<vmem>> -> memref<128x64xf32, #tpu.memory_space<vmem>>
      %dma_wait3A_710 = arith.constant 0 : i32
      %dma_wait3A_711 = tpu.memref_slice %arg9[%rem3A_167, %dma_wait3A_704, %dma_wait3A_710] : memref<2x16x128xi32, #tpu.memory_space<vmem>> -> memref<1x1x128xi32, #tpu.memory_space<vmem>>
      %dma_wait3A_712 = tpu.memref_squeeze %dma_wait3A_711 : memref<1x1x128xi32, #tpu.memory_space<vmem>> -> memref<128xi32, #tpu.memory_space<vmem>>
      %dma_wait3A_713 = arith.constant 0 : i32
      %dma_wait3A_714 = arith.constant 0 : i32
      %dma_wait3A_715 = tpu.memref_slice %arg11[%dma_wait3A_713, %dma_wait3A_714] : memref<10240x64xf32, #tpu.memory_space<vmem_shared>> -> memref<10240x64xf32, #tpu.memory_space<vmem_shared>>
      %dma_wait3A_716 = tpu.memref_slice %arg14[%dma_wait3A_705] : memref<4x!tpu.dma_semaphore, #tpu.memory_space<semaphore_mem>> -> memref<1x!tpu.dma_semaphore, #tpu.memory_space<semaphore_mem>>
      %dma_wait3A_717 = tpu.memref_squeeze %dma_wait3A_716 : memref<1x!tpu.dma_semaphore, #tpu.memory_space<semaphore_mem>> -> memref<!tpu.dma_semaphore, #tpu.memory_space<semaphore_mem>>
      tpu.wait_indirect_dma semaphore(%dma_wait3A_717 : memref<!tpu.dma_semaphore, #tpu.memory_space<semaphore_mem>>) src(%dma_wait3A_709 : memref<128x64xf32, #tpu.memory_space<vmem>>) dst(%dma_wait3A_715 : memref<10240x64xf32, #tpu.memory_space<vmem_shared>>)
      %dma_start3A_718 = arith.constant 10 : i32
      %dma_start3A_719 = arith.constant 2 : i32
      %dma_start3A_720 = arith.constant 2 : i32
      %dma_start3A_721 = arith.constant 0 : i32
      %dma_start3A_722 = arith.constant 0 : i32
      %dma_start3A_723 = tpu.memref_slice %arg10[%dma_start3A_719, %dma_start3A_721, %dma_start3A_722] : memref<4x128x64xf32, #tpu.memory_space<vmem>> -> memref<1x128x64xf32, #tpu.memory_space<vmem>>
      %dma_start3A_724 = tpu.memref_squeeze %dma_start3A_723 : memref<1x128x64xf32, #tpu.memory_space<vmem>> -> memref<128x64xf32, #tpu.memory_space<vmem>>
      %dma_start3A_725 = arith.constant 0 : i32
      %dma_start3A_726 = tpu.memref_slice %arg8[%rem3A_167, %dma_start3A_718, %dma_start3A_725] : memref<2x16x128xi32, #tpu.memory_space<vmem>> -> memref<1x1x128xi32, #tpu.memory_space<vmem>>
      %dma_start3A_727 = tpu.memref_squeeze %dma_start3A_726 : memref<1x1x128xi32, #tpu.memory_space<vmem>> -> memref<128xi32, #tpu.memory_space<vmem>>
      %dma_start3A_728 = arith.constant 0 : i32
      %dma_start3A_729 = arith.constant 0 : i32
      %dma_start3A_730 = tpu.memref_slice %arg12[%dma_start3A_728, %dma_start3A_729] : memref<10240x64xf32, #tpu.memory_space<vmem_shared>> -> memref<10240x64xf32, #tpu.memory_space<vmem_shared>>
      %dma_start3A_731 = tpu.memref_slice %arg13[%dma_start3A_720] : memref<4x!tpu.dma_semaphore, #tpu.memory_space<semaphore_mem>> -> memref<1x!tpu.dma_semaphore, #tpu.memory_space<semaphore_mem>>
      %dma_start3A_732 = tpu.memref_squeeze %dma_start3A_731 : memref<1x!tpu.dma_semaphore, #tpu.memory_space<semaphore_mem>> -> memref<!tpu.dma_semaphore, #tpu.memory_space<semaphore_mem>>
      tpu.enqueue_indirect_dma source(%dma_start3A_730 : memref<10240x64xf32, #tpu.memory_space<vmem_shared>>) target(%dma_start3A_724 : memref<128x64xf32, #tpu.memory_space<vmem>>) offsets(%dma_start3A_727 : memref<128xi32, #tpu.memory_space<vmem>>) semaphore(%dma_start3A_732 : memref<!tpu.dma_semaphore, #tpu.memory_space<semaphore_mem>>)
      %mul3A_733 = arith.constant 16 : i32
      %mul3A_734 = arith.muli %scan3A_166, %mul3A_733 : i32
      %add3A_735 = arith.constant 9 : i32
      %add3A_736 = arith.addi %mul3A_734, %add3A_735 : i32
      %dma_wait3A_737 = arith.constant 9 : i32
      %dma_wait3A_738 = arith.constant 1 : i32
      %dma_wait3A_739 = arith.constant 1 : i32
      %dma_wait3A_740 = arith.constant 0 : i32
      %dma_wait3A_741 = arith.constant 0 : i32
      %dma_wait3A_742 = tpu.memref_slice %arg10[%dma_wait3A_738, %dma_wait3A_740, %dma_wait3A_741] : memref<4x128x64xf32, #tpu.memory_space<vmem>> -> memref<1x128x64xf32, #tpu.memory_space<vmem>>
      %dma_wait3A_743 = tpu.memref_squeeze %dma_wait3A_742 : memref<1x128x64xf32, #tpu.memory_space<vmem>> -> memref<128x64xf32, #tpu.memory_space<vmem>>
      %dma_wait3A_744 = arith.constant 0 : i32
      %dma_wait3A_745 = tpu.memref_slice %arg8[%rem3A_167, %dma_wait3A_737, %dma_wait3A_744] : memref<2x16x128xi32, #tpu.memory_space<vmem>> -> memref<1x1x128xi32, #tpu.memory_space<vmem>>
      %dma_wait3A_746 = tpu.memref_squeeze %dma_wait3A_745 : memref<1x1x128xi32, #tpu.memory_space<vmem>> -> memref<128xi32, #tpu.memory_space<vmem>>
      %dma_wait3A_747 = arith.constant 0 : i32
      %dma_wait3A_748 = arith.constant 0 : i32
      %dma_wait3A_749 = tpu.memref_slice %arg12[%dma_wait3A_747, %dma_wait3A_748] : memref<10240x64xf32, #tpu.memory_space<vmem_shared>> -> memref<10240x64xf32, #tpu.memory_space<vmem_shared>>
      %dma_wait3A_750 = tpu.memref_slice %arg13[%dma_wait3A_739] : memref<4x!tpu.dma_semaphore, #tpu.memory_space<semaphore_mem>> -> memref<1x!tpu.dma_semaphore, #tpu.memory_space<semaphore_mem>>
      %dma_wait3A_751 = tpu.memref_squeeze %dma_wait3A_750 : memref<1x!tpu.dma_semaphore, #tpu.memory_space<semaphore_mem>> -> memref<!tpu.dma_semaphore, #tpu.memory_space<semaphore_mem>>
      tpu.wait_indirect_dma semaphore(%dma_wait3A_751 : memref<!tpu.dma_semaphore, #tpu.memory_space<semaphore_mem>>) src(%dma_wait3A_749 : memref<10240x64xf32, #tpu.memory_space<vmem_shared>>) dst(%dma_wait3A_743 : memref<128x64xf32, #tpu.memory_space<vmem>>)
      %dma_start3A_752 = arith.constant 1 : i32
      %dma_start3A_753 = arith.constant 9 : i32
      %dma_start3A_754 = arith.constant 1 : i32
      %dma_start3A_755 = arith.constant 0 : i32
      %dma_start3A_756 = arith.constant 0 : i32
      %dma_start3A_757 = tpu.memref_slice %arg10[%dma_start3A_752, %dma_start3A_755, %dma_start3A_756] : memref<4x128x64xf32, #tpu.memory_space<vmem>> -> memref<1x128x64xf32, #tpu.memory_space<vmem>>
      %dma_start3A_758 = tpu.memref_squeeze %dma_start3A_757 : memref<1x128x64xf32, #tpu.memory_space<vmem>> -> memref<128x64xf32, #tpu.memory_space<vmem>>
      %dma_start3A_759 = arith.constant 0 : i32
      %dma_start3A_760 = tpu.memref_slice %arg9[%rem3A_167, %dma_start3A_753, %dma_start3A_759] : memref<2x16x128xi32, #tpu.memory_space<vmem>> -> memref<1x1x128xi32, #tpu.memory_space<vmem>>
      %dma_start3A_761 = tpu.memref_squeeze %dma_start3A_760 : memref<1x1x128xi32, #tpu.memory_space<vmem>> -> memref<128xi32, #tpu.memory_space<vmem>>
      %dma_start3A_762 = arith.constant 0 : i32
      %dma_start3A_763 = arith.constant 0 : i32
      %dma_start3A_764 = tpu.memref_slice %arg11[%dma_start3A_762, %dma_start3A_763] : memref<10240x64xf32, #tpu.memory_space<vmem_shared>> -> memref<10240x64xf32, #tpu.memory_space<vmem_shared>>
      %dma_start3A_765 = tpu.memref_slice %arg14[%dma_start3A_754] : memref<4x!tpu.dma_semaphore, #tpu.memory_space<semaphore_mem>> -> memref<1x!tpu.dma_semaphore, #tpu.memory_space<semaphore_mem>>
      %dma_start3A_766 = tpu.memref_squeeze %dma_start3A_765 : memref<1x!tpu.dma_semaphore, #tpu.memory_space<semaphore_mem>> -> memref<!tpu.dma_semaphore, #tpu.memory_space<semaphore_mem>>
      tpu.enqueue_indirect_dma source(%dma_start3A_758 : memref<128x64xf32, #tpu.memory_space<vmem>>) target(%dma_start3A_764 : memref<10240x64xf32, #tpu.memory_space<vmem_shared>>) offsets(%dma_start3A_761 : memref<128xi32, #tpu.memory_space<vmem>>) semaphore(%dma_start3A_766 : memref<!tpu.dma_semaphore, #tpu.memory_space<semaphore_mem>>) {add = true}
      %dma_wait3A_767 = arith.constant 3 : i32
      %dma_wait3A_768 = arith.constant 7 : i32
      %dma_wait3A_769 = arith.constant 3 : i32
      %dma_wait3A_770 = arith.constant 0 : i32
      %dma_wait3A_771 = arith.constant 0 : i32
      %dma_wait3A_772 = tpu.memref_slice %arg10[%dma_wait3A_767, %dma_wait3A_770, %dma_wait3A_771] : memref<4x128x64xf32, #tpu.memory_space<vmem>> -> memref<1x128x64xf32, #tpu.memory_space<vmem>>
      %dma_wait3A_773 = tpu.memref_squeeze %dma_wait3A_772 : memref<1x128x64xf32, #tpu.memory_space<vmem>> -> memref<128x64xf32, #tpu.memory_space<vmem>>
      %dma_wait3A_774 = arith.constant 0 : i32
      %dma_wait3A_775 = tpu.memref_slice %arg9[%rem3A_167, %dma_wait3A_768, %dma_wait3A_774] : memref<2x16x128xi32, #tpu.memory_space<vmem>> -> memref<1x1x128xi32, #tpu.memory_space<vmem>>
      %dma_wait3A_776 = tpu.memref_squeeze %dma_wait3A_775 : memref<1x1x128xi32, #tpu.memory_space<vmem>> -> memref<128xi32, #tpu.memory_space<vmem>>
      %dma_wait3A_777 = arith.constant 0 : i32
      %dma_wait3A_778 = arith.constant 0 : i32
      %dma_wait3A_779 = tpu.memref_slice %arg11[%dma_wait3A_777, %dma_wait3A_778] : memref<10240x64xf32, #tpu.memory_space<vmem_shared>> -> memref<10240x64xf32, #tpu.memory_space<vmem_shared>>
      %dma_wait3A_780 = tpu.memref_slice %arg14[%dma_wait3A_769] : memref<4x!tpu.dma_semaphore, #tpu.memory_space<semaphore_mem>> -> memref<1x!tpu.dma_semaphore, #tpu.memory_space<semaphore_mem>>
      %dma_wait3A_781 = tpu.memref_squeeze %dma_wait3A_780 : memref<1x!tpu.dma_semaphore, #tpu.memory_space<semaphore_mem>> -> memref<!tpu.dma_semaphore, #tpu.memory_space<semaphore_mem>>
      tpu.wait_indirect_dma semaphore(%dma_wait3A_781 : memref<!tpu.dma_semaphore, #tpu.memory_space<semaphore_mem>>) src(%dma_wait3A_773 : memref<128x64xf32, #tpu.memory_space<vmem>>) dst(%dma_wait3A_779 : memref<10240x64xf32, #tpu.memory_space<vmem_shared>>)
      %dma_start3A_782 = arith.constant 11 : i32
      %dma_start3A_783 = arith.constant 3 : i32
      %dma_start3A_784 = arith.constant 3 : i32
      %dma_start3A_785 = arith.constant 0 : i32
      %dma_start3A_786 = arith.constant 0 : i32
      %dma_start3A_787 = tpu.memref_slice %arg10[%dma_start3A_783, %dma_start3A_785, %dma_start3A_786] : memref<4x128x64xf32, #tpu.memory_space<vmem>> -> memref<1x128x64xf32, #tpu.memory_space<vmem>>
      %dma_start3A_788 = tpu.memref_squeeze %dma_start3A_787 : memref<1x128x64xf32, #tpu.memory_space<vmem>> -> memref<128x64xf32, #tpu.memory_space<vmem>>
      %dma_start3A_789 = arith.constant 0 : i32
      %dma_start3A_790 = tpu.memref_slice %arg8[%rem3A_167, %dma_start3A_782, %dma_start3A_789] : memref<2x16x128xi32, #tpu.memory_space<vmem>> -> memref<1x1x128xi32, #tpu.memory_space<vmem>>
      %dma_start3A_791 = tpu.memref_squeeze %dma_start3A_790 : memref<1x1x128xi32, #tpu.memory_space<vmem>> -> memref<128xi32, #tpu.memory_space<vmem>>
      %dma_start3A_792 = arith.constant 0 : i32
      %dma_start3A_793 = arith.constant 0 : i32
      %dma_start3A_794 = tpu.memref_slice %arg12[%dma_start3A_792, %dma_start3A_793] : memref<10240x64xf32, #tpu.memory_space<vmem_shared>> -> memref<10240x64xf32, #tpu.memory_space<vmem_shared>>
      %dma_start3A_795 = tpu.memref_slice %arg13[%dma_start3A_784] : memref<4x!tpu.dma_semaphore, #tpu.memory_space<semaphore_mem>> -> memref<1x!tpu.dma_semaphore, #tpu.memory_space<semaphore_mem>>
      %dma_start3A_796 = tpu.memref_squeeze %dma_start3A_795 : memref<1x!tpu.dma_semaphore, #tpu.memory_space<semaphore_mem>> -> memref<!tpu.dma_semaphore, #tpu.memory_space<semaphore_mem>>
      tpu.enqueue_indirect_dma source(%dma_start3A_794 : memref<10240x64xf32, #tpu.memory_space<vmem_shared>>) target(%dma_start3A_788 : memref<128x64xf32, #tpu.memory_space<vmem>>) offsets(%dma_start3A_791 : memref<128xi32, #tpu.memory_space<vmem>>) semaphore(%dma_start3A_796 : memref<!tpu.dma_semaphore, #tpu.memory_space<semaphore_mem>>)
      %mul3A_797 = arith.constant 16 : i32
      %mul3A_798 = arith.muli %scan3A_166, %mul3A_797 : i32
      %add3A_799 = arith.constant 10 : i32
      %add3A_800 = arith.addi %mul3A_798, %add3A_799 : i32
      %dma_wait3A_801 = arith.constant 10 : i32
      %dma_wait3A_802 = arith.constant 2 : i32
      %dma_wait3A_803 = arith.constant 2 : i32
      %dma_wait3A_804 = arith.constant 0 : i32
      %dma_wait3A_805 = arith.constant 0 : i32
      %dma_wait3A_806 = tpu.memref_slice %arg10[%dma_wait3A_802, %dma_wait3A_804, %dma_wait3A_805] : memref<4x128x64xf32, #tpu.memory_space<vmem>> -> memref<1x128x64xf32, #tpu.memory_space<vmem>>
      %dma_wait3A_807 = tpu.memref_squeeze %dma_wait3A_806 : memref<1x128x64xf32, #tpu.memory_space<vmem>> -> memref<128x64xf32, #tpu.memory_space<vmem>>
      %dma_wait3A_808 = arith.constant 0 : i32
      %dma_wait3A_809 = tpu.memref_slice %arg8[%rem3A_167, %dma_wait3A_801, %dma_wait3A_808] : memref<2x16x128xi32, #tpu.memory_space<vmem>> -> memref<1x1x128xi32, #tpu.memory_space<vmem>>
      %dma_wait3A_810 = tpu.memref_squeeze %dma_wait3A_809 : memref<1x1x128xi32, #tpu.memory_space<vmem>> -> memref<128xi32, #tpu.memory_space<vmem>>
      %dma_wait3A_811 = arith.constant 0 : i32
      %dma_wait3A_812 = arith.constant 0 : i32
      %dma_wait3A_813 = tpu.memref_slice %arg12[%dma_wait3A_811, %dma_wait3A_812] : memref<10240x64xf32, #tpu.memory_space<vmem_shared>> -> memref<10240x64xf32, #tpu.memory_space<vmem_shared>>
      %dma_wait3A_814 = tpu.memref_slice %arg13[%dma_wait3A_803] : memref<4x!tpu.dma_semaphore, #tpu.memory_space<semaphore_mem>> -> memref<1x!tpu.dma_semaphore, #tpu.memory_space<semaphore_mem>>
      %dma_wait3A_815 = tpu.memref_squeeze %dma_wait3A_814 : memref<1x!tpu.dma_semaphore, #tpu.memory_space<semaphore_mem>> -> memref<!tpu.dma_semaphore, #tpu.memory_space<semaphore_mem>>
      tpu.wait_indirect_dma semaphore(%dma_wait3A_815 : memref<!tpu.dma_semaphore, #tpu.memory_space<semaphore_mem>>) src(%dma_wait3A_813 : memref<10240x64xf32, #tpu.memory_space<vmem_shared>>) dst(%dma_wait3A_807 : memref<128x64xf32, #tpu.memory_space<vmem>>)
      %dma_start3A_816 = arith.constant 2 : i32
      %dma_start3A_817 = arith.constant 10 : i32
      %dma_start3A_818 = arith.constant 2 : i32
      %dma_start3A_819 = arith.constant 0 : i32
      %dma_start3A_820 = arith.constant 0 : i32
      %dma_start3A_821 = tpu.memref_slice %arg10[%dma_start3A_816, %dma_start3A_819, %dma_start3A_820] : memref<4x128x64xf32, #tpu.memory_space<vmem>> -> memref<1x128x64xf32, #tpu.memory_space<vmem>>
      %dma_start3A_822 = tpu.memref_squeeze %dma_start3A_821 : memref<1x128x64xf32, #tpu.memory_space<vmem>> -> memref<128x64xf32, #tpu.memory_space<vmem>>
      %dma_start3A_823 = arith.constant 0 : i32
      %dma_start3A_824 = tpu.memref_slice %arg9[%rem3A_167, %dma_start3A_817, %dma_start3A_823] : memref<2x16x128xi32, #tpu.memory_space<vmem>> -> memref<1x1x128xi32, #tpu.memory_space<vmem>>
      %dma_start3A_825 = tpu.memref_squeeze %dma_start3A_824 : memref<1x1x128xi32, #tpu.memory_space<vmem>> -> memref<128xi32, #tpu.memory_space<vmem>>
      %dma_start3A_826 = arith.constant 0 : i32
      %dma_start3A_827 = arith.constant 0 : i32
      %dma_start3A_828 = tpu.memref_slice %arg11[%dma_start3A_826, %dma_start3A_827] : memref<10240x64xf32, #tpu.memory_space<vmem_shared>> -> memref<10240x64xf32, #tpu.memory_space<vmem_shared>>
      %dma_start3A_829 = tpu.memref_slice %arg14[%dma_start3A_818] : memref<4x!tpu.dma_semaphore, #tpu.memory_space<semaphore_mem>> -> memref<1x!tpu.dma_semaphore, #tpu.memory_space<semaphore_mem>>
      %dma_start3A_830 = tpu.memref_squeeze %dma_start3A_829 : memref<1x!tpu.dma_semaphore, #tpu.memory_space<semaphore_mem>> -> memref<!tpu.dma_semaphore, #tpu.memory_space<semaphore_mem>>
      tpu.enqueue_indirect_dma source(%dma_start3A_822 : memref<128x64xf32, #tpu.memory_space<vmem>>) target(%dma_start3A_828 : memref<10240x64xf32, #tpu.memory_space<vmem_shared>>) offsets(%dma_start3A_825 : memref<128xi32, #tpu.memory_space<vmem>>) semaphore(%dma_start3A_830 : memref<!tpu.dma_semaphore, #tpu.memory_space<semaphore_mem>>) {add = true}
      %dma_wait3A_831 = arith.constant 0 : i32
      %dma_wait3A_832 = arith.constant 8 : i32
      %dma_wait3A_833 = arith.constant 0 : i32
      %dma_wait3A_834 = arith.constant 0 : i32
      %dma_wait3A_835 = arith.constant 0 : i32
      %dma_wait3A_836 = tpu.memref_slice %arg10[%dma_wait3A_831, %dma_wait3A_834, %dma_wait3A_835] : memref<4x128x64xf32, #tpu.memory_space<vmem>> -> memref<1x128x64xf32, #tpu.memory_space<vmem>>
      %dma_wait3A_837 = tpu.memref_squeeze %dma_wait3A_836 : memref<1x128x64xf32, #tpu.memory_space<vmem>> -> memref<128x64xf32, #tpu.memory_space<vmem>>
      %dma_wait3A_838 = arith.constant 0 : i32
      %dma_wait3A_839 = tpu.memref_slice %arg9[%rem3A_167, %dma_wait3A_832, %dma_wait3A_838] : memref<2x16x128xi32, #tpu.memory_space<vmem>> -> memref<1x1x128xi32, #tpu.memory_space<vmem>>
      %dma_wait3A_840 = tpu.memref_squeeze %dma_wait3A_839 : memref<1x1x128xi32, #tpu.memory_space<vmem>> -> memref<128xi32, #tpu.memory_space<vmem>>
      %dma_wait3A_841 = arith.constant 0 : i32
      %dma_wait3A_842 = arith.constant 0 : i32
      %dma_wait3A_843 = tpu.memref_slice %arg11[%dma_wait3A_841, %dma_wait3A_842] : memref<10240x64xf32, #tpu.memory_space<vmem_shared>> -> memref<10240x64xf32, #tpu.memory_space<vmem_shared>>
      %dma_wait3A_844 = tpu.memref_slice %arg14[%dma_wait3A_833] : memref<4x!tpu.dma_semaphore, #tpu.memory_space<semaphore_mem>> -> memref<1x!tpu.dma_semaphore, #tpu.memory_space<semaphore_mem>>
      %dma_wait3A_845 = tpu.memref_squeeze %dma_wait3A_844 : memref<1x!tpu.dma_semaphore, #tpu.memory_space<semaphore_mem>> -> memref<!tpu.dma_semaphore, #tpu.memory_space<semaphore_mem>>
      tpu.wait_indirect_dma semaphore(%dma_wait3A_845 : memref<!tpu.dma_semaphore, #tpu.memory_space<semaphore_mem>>) src(%dma_wait3A_837 : memref<128x64xf32, #tpu.memory_space<vmem>>) dst(%dma_wait3A_843 : memref<10240x64xf32, #tpu.memory_space<vmem_shared>>)
      %dma_start3A_846 = arith.constant 12 : i32
      %dma_start3A_847 = arith.constant 0 : i32
      %dma_start3A_848 = arith.constant 0 : i32
      %dma_start3A_849 = arith.constant 0 : i32
      %dma_start3A_850 = arith.constant 0 : i32
      %dma_start3A_851 = tpu.memref_slice %arg10[%dma_start3A_847, %dma_start3A_849, %dma_start3A_850] : memref<4x128x64xf32, #tpu.memory_space<vmem>> -> memref<1x128x64xf32, #tpu.memory_space<vmem>>
      %dma_start3A_852 = tpu.memref_squeeze %dma_start3A_851 : memref<1x128x64xf32, #tpu.memory_space<vmem>> -> memref<128x64xf32, #tpu.memory_space<vmem>>
      %dma_start3A_853 = arith.constant 0 : i32
      %dma_start3A_854 = tpu.memref_slice %arg8[%rem3A_167, %dma_start3A_846, %dma_start3A_853] : memref<2x16x128xi32, #tpu.memory_space<vmem>> -> memref<1x1x128xi32, #tpu.memory_space<vmem>>
      %dma_start3A_855 = tpu.memref_squeeze %dma_start3A_854 : memref<1x1x128xi32, #tpu.memory_space<vmem>> -> memref<128xi32, #tpu.memory_space<vmem>>
      %dma_start3A_856 = arith.constant 0 : i32
      %dma_start3A_857 = arith.constant 0 : i32
      %dma_start3A_858 = tpu.memref_slice %arg12[%dma_start3A_856, %dma_start3A_857] : memref<10240x64xf32, #tpu.memory_space<vmem_shared>> -> memref<10240x64xf32, #tpu.memory_space<vmem_shared>>
      %dma_start3A_859 = tpu.memref_slice %arg13[%dma_start3A_848] : memref<4x!tpu.dma_semaphore, #tpu.memory_space<semaphore_mem>> -> memref<1x!tpu.dma_semaphore, #tpu.memory_space<semaphore_mem>>
      %dma_start3A_860 = tpu.memref_squeeze %dma_start3A_859 : memref<1x!tpu.dma_semaphore, #tpu.memory_space<semaphore_mem>> -> memref<!tpu.dma_semaphore, #tpu.memory_space<semaphore_mem>>
      tpu.enqueue_indirect_dma source(%dma_start3A_858 : memref<10240x64xf32, #tpu.memory_space<vmem_shared>>) target(%dma_start3A_852 : memref<128x64xf32, #tpu.memory_space<vmem>>) offsets(%dma_start3A_855 : memref<128xi32, #tpu.memory_space<vmem>>) semaphore(%dma_start3A_860 : memref<!tpu.dma_semaphore, #tpu.memory_space<semaphore_mem>>)
      %mul3A_861 = arith.constant 16 : i32
      %mul3A_862 = arith.muli %scan3A_166, %mul3A_861 : i32
      %add3A_863 = arith.constant 11 : i32
      %add3A_864 = arith.addi %mul3A_862, %add3A_863 : i32
      %dma_wait3A_865 = arith.constant 11 : i32
      %dma_wait3A_866 = arith.constant 3 : i32
      %dma_wait3A_867 = arith.constant 3 : i32
      %dma_wait3A_868 = arith.constant 0 : i32
      %dma_wait3A_869 = arith.constant 0 : i32
      %dma_wait3A_870 = tpu.memref_slice %arg10[%dma_wait3A_866, %dma_wait3A_868, %dma_wait3A_869] : memref<4x128x64xf32, #tpu.memory_space<vmem>> -> memref<1x128x64xf32, #tpu.memory_space<vmem>>
      %dma_wait3A_871 = tpu.memref_squeeze %dma_wait3A_870 : memref<1x128x64xf32, #tpu.memory_space<vmem>> -> memref<128x64xf32, #tpu.memory_space<vmem>>
      %dma_wait3A_872 = arith.constant 0 : i32
      %dma_wait3A_873 = tpu.memref_slice %arg8[%rem3A_167, %dma_wait3A_865, %dma_wait3A_872] : memref<2x16x128xi32, #tpu.memory_space<vmem>> -> memref<1x1x128xi32, #tpu.memory_space<vmem>>
      %dma_wait3A_874 = tpu.memref_squeeze %dma_wait3A_873 : memref<1x1x128xi32, #tpu.memory_space<vmem>> -> memref<128xi32, #tpu.memory_space<vmem>>
      %dma_wait3A_875 = arith.constant 0 : i32
      %dma_wait3A_876 = arith.constant 0 : i32
      %dma_wait3A_877 = tpu.memref_slice %arg12[%dma_wait3A_875, %dma_wait3A_876] : memref<10240x64xf32, #tpu.memory_space<vmem_shared>> -> memref<10240x64xf32, #tpu.memory_space<vmem_shared>>
      %dma_wait3A_878 = tpu.memref_slice %arg13[%dma_wait3A_867] : memref<4x!tpu.dma_semaphore, #tpu.memory_space<semaphore_mem>> -> memref<1x!tpu.dma_semaphore, #tpu.memory_space<semaphore_mem>>
      %dma_wait3A_879 = tpu.memref_squeeze %dma_wait3A_878 : memref<1x!tpu.dma_semaphore, #tpu.memory_space<semaphore_mem>> -> memref<!tpu.dma_semaphore, #tpu.memory_space<semaphore_mem>>
      tpu.wait_indirect_dma semaphore(%dma_wait3A_879 : memref<!tpu.dma_semaphore, #tpu.memory_space<semaphore_mem>>) src(%dma_wait3A_877 : memref<10240x64xf32, #tpu.memory_space<vmem_shared>>) dst(%dma_wait3A_871 : memref<128x64xf32, #tpu.memory_space<vmem>>)
      %dma_start3A_880 = arith.constant 3 : i32
      %dma_start3A_881 = arith.constant 11 : i32
      %dma_start3A_882 = arith.constant 3 : i32
      %dma_start3A_883 = arith.constant 0 : i32
      %dma_start3A_884 = arith.constant 0 : i32
      %dma_start3A_885 = tpu.memref_slice %arg10[%dma_start3A_880, %dma_start3A_883, %dma_start3A_884] : memref<4x128x64xf32, #tpu.memory_space<vmem>> -> memref<1x128x64xf32, #tpu.memory_space<vmem>>
      %dma_start3A_886 = tpu.memref_squeeze %dma_start3A_885 : memref<1x128x64xf32, #tpu.memory_space<vmem>> -> memref<128x64xf32, #tpu.memory_space<vmem>>
      %dma_start3A_887 = arith.constant 0 : i32
      %dma_start3A_888 = tpu.memref_slice %arg9[%rem3A_167, %dma_start3A_881, %dma_start3A_887] : memref<2x16x128xi32, #tpu.memory_space<vmem>> -> memref<1x1x128xi32, #tpu.memory_space<vmem>>
      %dma_start3A_889 = tpu.memref_squeeze %dma_start3A_888 : memref<1x1x128xi32, #tpu.memory_space<vmem>> -> memref<128xi32, #tpu.memory_space<vmem>>
      %dma_start3A_890 = arith.constant 0 : i32
      %dma_start3A_891 = arith.constant 0 : i32
      %dma_start3A_892 = tpu.memref_slice %arg11[%dma_start3A_890, %dma_start3A_891] : memref<10240x64xf32, #tpu.memory_space<vmem_shared>> -> memref<10240x64xf32, #tpu.memory_space<vmem_shared>>
      %dma_start3A_893 = tpu.memref_slice %arg14[%dma_start3A_882] : memref<4x!tpu.dma_semaphore, #tpu.memory_space<semaphore_mem>> -> memref<1x!tpu.dma_semaphore, #tpu.memory_space<semaphore_mem>>
      %dma_start3A_894 = tpu.memref_squeeze %dma_start3A_893 : memref<1x!tpu.dma_semaphore, #tpu.memory_space<semaphore_mem>> -> memref<!tpu.dma_semaphore, #tpu.memory_space<semaphore_mem>>
      tpu.enqueue_indirect_dma source(%dma_start3A_886 : memref<128x64xf32, #tpu.memory_space<vmem>>) target(%dma_start3A_892 : memref<10240x64xf32, #tpu.memory_space<vmem_shared>>) offsets(%dma_start3A_889 : memref<128xi32, #tpu.memory_space<vmem>>) semaphore(%dma_start3A_894 : memref<!tpu.dma_semaphore, #tpu.memory_space<semaphore_mem>>) {add = true}
      %dma_wait3A_895 = arith.constant 1 : i32
      %dma_wait3A_896 = arith.constant 9 : i32
      %dma_wait3A_897 = arith.constant 1 : i32
      %dma_wait3A_898 = arith.constant 0 : i32
      %dma_wait3A_899 = arith.constant 0 : i32
      %dma_wait3A_900 = tpu.memref_slice %arg10[%dma_wait3A_895, %dma_wait3A_898, %dma_wait3A_899] : memref<4x128x64xf32, #tpu.memory_space<vmem>> -> memref<1x128x64xf32, #tpu.memory_space<vmem>>
      %dma_wait3A_901 = tpu.memref_squeeze %dma_wait3A_900 : memref<1x128x64xf32, #tpu.memory_space<vmem>> -> memref<128x64xf32, #tpu.memory_space<vmem>>
      %dma_wait3A_902 = arith.constant 0 : i32
      %dma_wait3A_903 = tpu.memref_slice %arg9[%rem3A_167, %dma_wait3A_896, %dma_wait3A_902] : memref<2x16x128xi32, #tpu.memory_space<vmem>> -> memref<1x1x128xi32, #tpu.memory_space<vmem>>
      %dma_wait3A_904 = tpu.memref_squeeze %dma_wait3A_903 : memref<1x1x128xi32, #tpu.memory_space<vmem>> -> memref<128xi32, #tpu.memory_space<vmem>>
      %dma_wait3A_905 = arith.constant 0 : i32
      %dma_wait3A_906 = arith.constant 0 : i32
      %dma_wait3A_907 = tpu.memref_slice %arg11[%dma_wait3A_905, %dma_wait3A_906] : memref<10240x64xf32, #tpu.memory_space<vmem_shared>> -> memref<10240x64xf32, #tpu.memory_space<vmem_shared>>
      %dma_wait3A_908 = tpu.memref_slice %arg14[%dma_wait3A_897] : memref<4x!tpu.dma_semaphore, #tpu.memory_space<semaphore_mem>> -> memref<1x!tpu.dma_semaphore, #tpu.memory_space<semaphore_mem>>
      %dma_wait3A_909 = tpu.memref_squeeze %dma_wait3A_908 : memref<1x!tpu.dma_semaphore, #tpu.memory_space<semaphore_mem>> -> memref<!tpu.dma_semaphore, #tpu.memory_space<semaphore_mem>>
      tpu.wait_indirect_dma semaphore(%dma_wait3A_909 : memref<!tpu.dma_semaphore, #tpu.memory_space<semaphore_mem>>) src(%dma_wait3A_901 : memref<128x64xf32, #tpu.memory_space<vmem>>) dst(%dma_wait3A_907 : memref<10240x64xf32, #tpu.memory_space<vmem_shared>>)
      %dma_start3A_910 = arith.constant 13 : i32
      %dma_start3A_911 = arith.constant 1 : i32
      %dma_start3A_912 = arith.constant 1 : i32
      %dma_start3A_913 = arith.constant 0 : i32
      %dma_start3A_914 = arith.constant 0 : i32
      %dma_start3A_915 = tpu.memref_slice %arg10[%dma_start3A_911, %dma_start3A_913, %dma_start3A_914] : memref<4x128x64xf32, #tpu.memory_space<vmem>> -> memref<1x128x64xf32, #tpu.memory_space<vmem>>
      %dma_start3A_916 = tpu.memref_squeeze %dma_start3A_915 : memref<1x128x64xf32, #tpu.memory_space<vmem>> -> memref<128x64xf32, #tpu.memory_space<vmem>>
      %dma_start3A_917 = arith.constant 0 : i32
      %dma_start3A_918 = tpu.memref_slice %arg8[%rem3A_167, %dma_start3A_910, %dma_start3A_917] : memref<2x16x128xi32, #tpu.memory_space<vmem>> -> memref<1x1x128xi32, #tpu.memory_space<vmem>>
      %dma_start3A_919 = tpu.memref_squeeze %dma_start3A_918 : memref<1x1x128xi32, #tpu.memory_space<vmem>> -> memref<128xi32, #tpu.memory_space<vmem>>
      %dma_start3A_920 = arith.constant 0 : i32
      %dma_start3A_921 = arith.constant 0 : i32
      %dma_start3A_922 = tpu.memref_slice %arg12[%dma_start3A_920, %dma_start3A_921] : memref<10240x64xf32, #tpu.memory_space<vmem_shared>> -> memref<10240x64xf32, #tpu.memory_space<vmem_shared>>
      %dma_start3A_923 = tpu.memref_slice %arg13[%dma_start3A_912] : memref<4x!tpu.dma_semaphore, #tpu.memory_space<semaphore_mem>> -> memref<1x!tpu.dma_semaphore, #tpu.memory_space<semaphore_mem>>
      %dma_start3A_924 = tpu.memref_squeeze %dma_start3A_923 : memref<1x!tpu.dma_semaphore, #tpu.memory_space<semaphore_mem>> -> memref<!tpu.dma_semaphore, #tpu.memory_space<semaphore_mem>>
      tpu.enqueue_indirect_dma source(%dma_start3A_922 : memref<10240x64xf32, #tpu.memory_space<vmem_shared>>) target(%dma_start3A_916 : memref<128x64xf32, #tpu.memory_space<vmem>>) offsets(%dma_start3A_919 : memref<128xi32, #tpu.memory_space<vmem>>) semaphore(%dma_start3A_924 : memref<!tpu.dma_semaphore, #tpu.memory_space<semaphore_mem>>)
      %mul3A_925 = arith.constant 16 : i32
      %mul3A_926 = arith.muli %scan3A_166, %mul3A_925 : i32
      %add3A_927 = arith.constant 12 : i32
      %add3A_928 = arith.addi %mul3A_926, %add3A_927 : i32
      %dma_wait3A_929 = arith.constant 12 : i32
      %dma_wait3A_930 = arith.constant 0 : i32
      %dma_wait3A_931 = arith.constant 0 : i32
      %dma_wait3A_932 = arith.constant 0 : i32
      %dma_wait3A_933 = arith.constant 0 : i32
      %dma_wait3A_934 = tpu.memref_slice %arg10[%dma_wait3A_930, %dma_wait3A_932, %dma_wait3A_933] : memref<4x128x64xf32, #tpu.memory_space<vmem>> -> memref<1x128x64xf32, #tpu.memory_space<vmem>>
      %dma_wait3A_935 = tpu.memref_squeeze %dma_wait3A_934 : memref<1x128x64xf32, #tpu.memory_space<vmem>> -> memref<128x64xf32, #tpu.memory_space<vmem>>
      %dma_wait3A_936 = arith.constant 0 : i32
      %dma_wait3A_937 = tpu.memref_slice %arg8[%rem3A_167, %dma_wait3A_929, %dma_wait3A_936] : memref<2x16x128xi32, #tpu.memory_space<vmem>> -> memref<1x1x128xi32, #tpu.memory_space<vmem>>
      %dma_wait3A_938 = tpu.memref_squeeze %dma_wait3A_937 : memref<1x1x128xi32, #tpu.memory_space<vmem>> -> memref<128xi32, #tpu.memory_space<vmem>>
      %dma_wait3A_939 = arith.constant 0 : i32
      %dma_wait3A_940 = arith.constant 0 : i32
      %dma_wait3A_941 = tpu.memref_slice %arg12[%dma_wait3A_939, %dma_wait3A_940] : memref<10240x64xf32, #tpu.memory_space<vmem_shared>> -> memref<10240x64xf32, #tpu.memory_space<vmem_shared>>
      %dma_wait3A_942 = tpu.memref_slice %arg13[%dma_wait3A_931] : memref<4x!tpu.dma_semaphore, #tpu.memory_space<semaphore_mem>> -> memref<1x!tpu.dma_semaphore, #tpu.memory_space<semaphore_mem>>
      %dma_wait3A_943 = tpu.memref_squeeze %dma_wait3A_942 : memref<1x!tpu.dma_semaphore, #tpu.memory_space<semaphore_mem>> -> memref<!tpu.dma_semaphore, #tpu.memory_space<semaphore_mem>>
      tpu.wait_indirect_dma semaphore(%dma_wait3A_943 : memref<!tpu.dma_semaphore, #tpu.memory_space<semaphore_mem>>) src(%dma_wait3A_941 : memref<10240x64xf32, #tpu.memory_space<vmem_shared>>) dst(%dma_wait3A_935 : memref<128x64xf32, #tpu.memory_space<vmem>>)
      %dma_start3A_944 = arith.constant 0 : i32
      %dma_start3A_945 = arith.constant 12 : i32
      %dma_start3A_946 = arith.constant 0 : i32
      %dma_start3A_947 = arith.constant 0 : i32
      %dma_start3A_948 = arith.constant 0 : i32
      %dma_start3A_949 = tpu.memref_slice %arg10[%dma_start3A_944, %dma_start3A_947, %dma_start3A_948] : memref<4x128x64xf32, #tpu.memory_space<vmem>> -> memref<1x128x64xf32, #tpu.memory_space<vmem>>
      %dma_start3A_950 = tpu.memref_squeeze %dma_start3A_949 : memref<1x128x64xf32, #tpu.memory_space<vmem>> -> memref<128x64xf32, #tpu.memory_space<vmem>>
      %dma_start3A_951 = arith.constant 0 : i32
      %dma_start3A_952 = tpu.memref_slice %arg9[%rem3A_167, %dma_start3A_945, %dma_start3A_951] : memref<2x16x128xi32, #tpu.memory_space<vmem>> -> memref<1x1x128xi32, #tpu.memory_space<vmem>>
      %dma_start3A_953 = tpu.memref_squeeze %dma_start3A_952 : memref<1x1x128xi32, #tpu.memory_space<vmem>> -> memref<128xi32, #tpu.memory_space<vmem>>
      %dma_start3A_954 = arith.constant 0 : i32
      %dma_start3A_955 = arith.constant 0 : i32
      %dma_start3A_956 = tpu.memref_slice %arg11[%dma_start3A_954, %dma_start3A_955] : memref<10240x64xf32, #tpu.memory_space<vmem_shared>> -> memref<10240x64xf32, #tpu.memory_space<vmem_shared>>
      %dma_start3A_957 = tpu.memref_slice %arg14[%dma_start3A_946] : memref<4x!tpu.dma_semaphore, #tpu.memory_space<semaphore_mem>> -> memref<1x!tpu.dma_semaphore, #tpu.memory_space<semaphore_mem>>
      %dma_start3A_958 = tpu.memref_squeeze %dma_start3A_957 : memref<1x!tpu.dma_semaphore, #tpu.memory_space<semaphore_mem>> -> memref<!tpu.dma_semaphore, #tpu.memory_space<semaphore_mem>>
      tpu.enqueue_indirect_dma source(%dma_start3A_950 : memref<128x64xf32, #tpu.memory_space<vmem>>) target(%dma_start3A_956 : memref<10240x64xf32, #tpu.memory_space<vmem_shared>>) offsets(%dma_start3A_953 : memref<128xi32, #tpu.memory_space<vmem>>) semaphore(%dma_start3A_958 : memref<!tpu.dma_semaphore, #tpu.memory_space<semaphore_mem>>) {add = true}
      %dma_wait3A_959 = arith.constant 2 : i32
      %dma_wait3A_960 = arith.constant 10 : i32
      %dma_wait3A_961 = arith.constant 2 : i32
      %dma_wait3A_962 = arith.constant 0 : i32
      %dma_wait3A_963 = arith.constant 0 : i32
      %dma_wait3A_964 = tpu.memref_slice %arg10[%dma_wait3A_959, %dma_wait3A_962, %dma_wait3A_963] : memref<4x128x64xf32, #tpu.memory_space<vmem>> -> memref<1x128x64xf32, #tpu.memory_space<vmem>>
      %dma_wait3A_965 = tpu.memref_squeeze %dma_wait3A_964 : memref<1x128x64xf32, #tpu.memory_space<vmem>> -> memref<128x64xf32, #tpu.memory_space<vmem>>
      %dma_wait3A_966 = arith.constant 0 : i32
      %dma_wait3A_967 = tpu.memref_slice %arg9[%rem3A_167, %dma_wait3A_960, %dma_wait3A_966] : memref<2x16x128xi32, #tpu.memory_space<vmem>> -> memref<1x1x128xi32, #tpu.memory_space<vmem>>
      %dma_wait3A_968 = tpu.memref_squeeze %dma_wait3A_967 : memref<1x1x128xi32, #tpu.memory_space<vmem>> -> memref<128xi32, #tpu.memory_space<vmem>>
      %dma_wait3A_969 = arith.constant 0 : i32
      %dma_wait3A_970 = arith.constant 0 : i32
      %dma_wait3A_971 = tpu.memref_slice %arg11[%dma_wait3A_969, %dma_wait3A_970] : memref<10240x64xf32, #tpu.memory_space<vmem_shared>> -> memref<10240x64xf32, #tpu.memory_space<vmem_shared>>
      %dma_wait3A_972 = tpu.memref_slice %arg14[%dma_wait3A_961] : memref<4x!tpu.dma_semaphore, #tpu.memory_space<semaphore_mem>> -> memref<1x!tpu.dma_semaphore, #tpu.memory_space<semaphore_mem>>
      %dma_wait3A_973 = tpu.memref_squeeze %dma_wait3A_972 : memref<1x!tpu.dma_semaphore, #tpu.memory_space<semaphore_mem>> -> memref<!tpu.dma_semaphore, #tpu.memory_space<semaphore_mem>>
      tpu.wait_indirect_dma semaphore(%dma_wait3A_973 : memref<!tpu.dma_semaphore, #tpu.memory_space<semaphore_mem>>) src(%dma_wait3A_965 : memref<128x64xf32, #tpu.memory_space<vmem>>) dst(%dma_wait3A_971 : memref<10240x64xf32, #tpu.memory_space<vmem_shared>>)
      %dma_start3A_974 = arith.constant 14 : i32
      %dma_start3A_975 = arith.constant 2 : i32
      %dma_start3A_976 = arith.constant 2 : i32
      %dma_start3A_977 = arith.constant 0 : i32
      %dma_start3A_978 = arith.constant 0 : i32
      %dma_start3A_979 = tpu.memref_slice %arg10[%dma_start3A_975, %dma_start3A_977, %dma_start3A_978] : memref<4x128x64xf32, #tpu.memory_space<vmem>> -> memref<1x128x64xf32, #tpu.memory_space<vmem>>
      %dma_start3A_980 = tpu.memref_squeeze %dma_start3A_979 : memref<1x128x64xf32, #tpu.memory_space<vmem>> -> memref<128x64xf32, #tpu.memory_space<vmem>>
      %dma_start3A_981 = arith.constant 0 : i32
      %dma_start3A_982 = tpu.memref_slice %arg8[%rem3A_167, %dma_start3A_974, %dma_start3A_981] : memref<2x16x128xi32, #tpu.memory_space<vmem>> -> memref<1x1x128xi32, #tpu.memory_space<vmem>>
      %dma_start3A_983 = tpu.memref_squeeze %dma_start3A_982 : memref<1x1x128xi32, #tpu.memory_space<vmem>> -> memref<128xi32, #tpu.memory_space<vmem>>
      %dma_start3A_984 = arith.constant 0 : i32
      %dma_start3A_985 = arith.constant 0 : i32
      %dma_start3A_986 = tpu.memref_slice %arg12[%dma_start3A_984, %dma_start3A_985] : memref<10240x64xf32, #tpu.memory_space<vmem_shared>> -> memref<10240x64xf32, #tpu.memory_space<vmem_shared>>
      %dma_start3A_987 = tpu.memref_slice %arg13[%dma_start3A_976] : memref<4x!tpu.dma_semaphore, #tpu.memory_space<semaphore_mem>> -> memref<1x!tpu.dma_semaphore, #tpu.memory_space<semaphore_mem>>
      %dma_start3A_988 = tpu.memref_squeeze %dma_start3A_987 : memref<1x!tpu.dma_semaphore, #tpu.memory_space<semaphore_mem>> -> memref<!tpu.dma_semaphore, #tpu.memory_space<semaphore_mem>>
      tpu.enqueue_indirect_dma source(%dma_start3A_986 : memref<10240x64xf32, #tpu.memory_space<vmem_shared>>) target(%dma_start3A_980 : memref<128x64xf32, #tpu.memory_space<vmem>>) offsets(%dma_start3A_983 : memref<128xi32, #tpu.memory_space<vmem>>) semaphore(%dma_start3A_988 : memref<!tpu.dma_semaphore, #tpu.memory_space<semaphore_mem>>)
      %mul3A_989 = arith.constant 16 : i32
      %mul3A_990 = arith.muli %scan3A_166, %mul3A_989 : i32
      %add3A_991 = arith.constant 13 : i32
      %add3A_992 = arith.addi %mul3A_990, %add3A_991 : i32
      %dma_wait3A_993 = arith.constant 13 : i32
      %dma_wait3A_994 = arith.constant 1 : i32
      %dma_wait3A_995 = arith.constant 1 : i32
      %dma_wait3A_996 = arith.constant 0 : i32
      %dma_wait3A_997 = arith.constant 0 : i32
      %dma_wait3A_998 = tpu.memref_slice %arg10[%dma_wait3A_994, %dma_wait3A_996, %dma_wait3A_997] : memref<4x128x64xf32, #tpu.memory_space<vmem>> -> memref<1x128x64xf32, #tpu.memory_space<vmem>>
      %dma_wait3A_999 = tpu.memref_squeeze %dma_wait3A_998 : memref<1x128x64xf32, #tpu.memory_space<vmem>> -> memref<128x64xf32, #tpu.memory_space<vmem>>
      %dma_wait3A_1000 = arith.constant 0 : i32
      %dma_wait3A_1001 = tpu.memref_slice %arg8[%rem3A_167, %dma_wait3A_993, %dma_wait3A_1000] : memref<2x16x128xi32, #tpu.memory_space<vmem>> -> memref<1x1x128xi32, #tpu.memory_space<vmem>>
      %dma_wait3A_1002 = tpu.memref_squeeze %dma_wait3A_1001 : memref<1x1x128xi32, #tpu.memory_space<vmem>> -> memref<128xi32, #tpu.memory_space<vmem>>
      %dma_wait3A_1003 = arith.constant 0 : i32
      %dma_wait3A_1004 = arith.constant 0 : i32
      %dma_wait3A_1005 = tpu.memref_slice %arg12[%dma_wait3A_1003, %dma_wait3A_1004] : memref<10240x64xf32, #tpu.memory_space<vmem_shared>> -> memref<10240x64xf32, #tpu.memory_space<vmem_shared>>
      %dma_wait3A_1006 = tpu.memref_slice %arg13[%dma_wait3A_995] : memref<4x!tpu.dma_semaphore, #tpu.memory_space<semaphore_mem>> -> memref<1x!tpu.dma_semaphore, #tpu.memory_space<semaphore_mem>>
      %dma_wait3A_1007 = tpu.memref_squeeze %dma_wait3A_1006 : memref<1x!tpu.dma_semaphore, #tpu.memory_space<semaphore_mem>> -> memref<!tpu.dma_semaphore, #tpu.memory_space<semaphore_mem>>
      tpu.wait_indirect_dma semaphore(%dma_wait3A_1007 : memref<!tpu.dma_semaphore, #tpu.memory_space<semaphore_mem>>) src(%dma_wait3A_1005 : memref<10240x64xf32, #tpu.memory_space<vmem_shared>>) dst(%dma_wait3A_999 : memref<128x64xf32, #tpu.memory_space<vmem>>)
      %dma_start3A_1008 = arith.constant 1 : i32
      %dma_start3A_1009 = arith.constant 13 : i32
      %dma_start3A_1010 = arith.constant 1 : i32
      %dma_start3A_1011 = arith.constant 0 : i32
      %dma_start3A_1012 = arith.constant 0 : i32
      %dma_start3A_1013 = tpu.memref_slice %arg10[%dma_start3A_1008, %dma_start3A_1011, %dma_start3A_1012] : memref<4x128x64xf32, #tpu.memory_space<vmem>> -> memref<1x128x64xf32, #tpu.memory_space<vmem>>
      %dma_start3A_1014 = tpu.memref_squeeze %dma_start3A_1013 : memref<1x128x64xf32, #tpu.memory_space<vmem>> -> memref<128x64xf32, #tpu.memory_space<vmem>>
      %dma_start3A_1015 = arith.constant 0 : i32
      %dma_start3A_1016 = tpu.memref_slice %arg9[%rem3A_167, %dma_start3A_1009, %dma_start3A_1015] : memref<2x16x128xi32, #tpu.memory_space<vmem>> -> memref<1x1x128xi32, #tpu.memory_space<vmem>>
      %dma_start3A_1017 = tpu.memref_squeeze %dma_start3A_1016 : memref<1x1x128xi32, #tpu.memory_space<vmem>> -> memref<128xi32, #tpu.memory_space<vmem>>
      %dma_start3A_1018 = arith.constant 0 : i32
      %dma_start3A_1019 = arith.constant 0 : i32
      %dma_start3A_1020 = tpu.memref_slice %arg11[%dma_start3A_1018, %dma_start3A_1019] : memref<10240x64xf32, #tpu.memory_space<vmem_shared>> -> memref<10240x64xf32, #tpu.memory_space<vmem_shared>>
      %dma_start3A_1021 = tpu.memref_slice %arg14[%dma_start3A_1010] : memref<4x!tpu.dma_semaphore, #tpu.memory_space<semaphore_mem>> -> memref<1x!tpu.dma_semaphore, #tpu.memory_space<semaphore_mem>>
      %dma_start3A_1022 = tpu.memref_squeeze %dma_start3A_1021 : memref<1x!tpu.dma_semaphore, #tpu.memory_space<semaphore_mem>> -> memref<!tpu.dma_semaphore, #tpu.memory_space<semaphore_mem>>
      tpu.enqueue_indirect_dma source(%dma_start3A_1014 : memref<128x64xf32, #tpu.memory_space<vmem>>) target(%dma_start3A_1020 : memref<10240x64xf32, #tpu.memory_space<vmem_shared>>) offsets(%dma_start3A_1017 : memref<128xi32, #tpu.memory_space<vmem>>) semaphore(%dma_start3A_1022 : memref<!tpu.dma_semaphore, #tpu.memory_space<semaphore_mem>>) {add = true}
      %dma_wait3A_1023 = arith.constant 3 : i32
      %dma_wait3A_1024 = arith.constant 11 : i32
      %dma_wait3A_1025 = arith.constant 3 : i32
      %dma_wait3A_1026 = arith.constant 0 : i32
      %dma_wait3A_1027 = arith.constant 0 : i32
      %dma_wait3A_1028 = tpu.memref_slice %arg10[%dma_wait3A_1023, %dma_wait3A_1026, %dma_wait3A_1027] : memref<4x128x64xf32, #tpu.memory_space<vmem>> -> memref<1x128x64xf32, #tpu.memory_space<vmem>>
      %dma_wait3A_1029 = tpu.memref_squeeze %dma_wait3A_1028 : memref<1x128x64xf32, #tpu.memory_space<vmem>> -> memref<128x64xf32, #tpu.memory_space<vmem>>
      %dma_wait3A_1030 = arith.constant 0 : i32
      %dma_wait3A_1031 = tpu.memref_slice %arg9[%rem3A_167, %dma_wait3A_1024, %dma_wait3A_1030] : memref<2x16x128xi32, #tpu.memory_space<vmem>> -> memref<1x1x128xi32, #tpu.memory_space<vmem>>
      %dma_wait3A_1032 = tpu.memref_squeeze %dma_wait3A_1031 : memref<1x1x128xi32, #tpu.memory_space<vmem>> -> memref<128xi32, #tpu.memory_space<vmem>>
      %dma_wait3A_1033 = arith.constant 0 : i32
      %dma_wait3A_1034 = arith.constant 0 : i32
      %dma_wait3A_1035 = tpu.memref_slice %arg11[%dma_wait3A_1033, %dma_wait3A_1034] : memref<10240x64xf32, #tpu.memory_space<vmem_shared>> -> memref<10240x64xf32, #tpu.memory_space<vmem_shared>>
      %dma_wait3A_1036 = tpu.memref_slice %arg14[%dma_wait3A_1025] : memref<4x!tpu.dma_semaphore, #tpu.memory_space<semaphore_mem>> -> memref<1x!tpu.dma_semaphore, #tpu.memory_space<semaphore_mem>>
      %dma_wait3A_1037 = tpu.memref_squeeze %dma_wait3A_1036 : memref<1x!tpu.dma_semaphore, #tpu.memory_space<semaphore_mem>> -> memref<!tpu.dma_semaphore, #tpu.memory_space<semaphore_mem>>
      tpu.wait_indirect_dma semaphore(%dma_wait3A_1037 : memref<!tpu.dma_semaphore, #tpu.memory_space<semaphore_mem>>) src(%dma_wait3A_1029 : memref<128x64xf32, #tpu.memory_space<vmem>>) dst(%dma_wait3A_1035 : memref<10240x64xf32, #tpu.memory_space<vmem_shared>>)
      %dma_start3A_1038 = arith.constant 15 : i32
      %dma_start3A_1039 = arith.constant 3 : i32
      %dma_start3A_1040 = arith.constant 3 : i32
      %dma_start3A_1041 = arith.constant 0 : i32
      %dma_start3A_1042 = arith.constant 0 : i32
      %dma_start3A_1043 = tpu.memref_slice %arg10[%dma_start3A_1039, %dma_start3A_1041, %dma_start3A_1042] : memref<4x128x64xf32, #tpu.memory_space<vmem>> -> memref<1x128x64xf32, #tpu.memory_space<vmem>>
      %dma_start3A_1044 = tpu.memref_squeeze %dma_start3A_1043 : memref<1x128x64xf32, #tpu.memory_space<vmem>> -> memref<128x64xf32, #tpu.memory_space<vmem>>
      %dma_start3A_1045 = arith.constant 0 : i32
      %dma_start3A_1046 = tpu.memref_slice %arg8[%rem3A_167, %dma_start3A_1038, %dma_start3A_1045] : memref<2x16x128xi32, #tpu.memory_space<vmem>> -> memref<1x1x128xi32, #tpu.memory_space<vmem>>
      %dma_start3A_1047 = tpu.memref_squeeze %dma_start3A_1046 : memref<1x1x128xi32, #tpu.memory_space<vmem>> -> memref<128xi32, #tpu.memory_space<vmem>>
      %dma_start3A_1048 = arith.constant 0 : i32
      %dma_start3A_1049 = arith.constant 0 : i32
      %dma_start3A_1050 = tpu.memref_slice %arg12[%dma_start3A_1048, %dma_start3A_1049] : memref<10240x64xf32, #tpu.memory_space<vmem_shared>> -> memref<10240x64xf32, #tpu.memory_space<vmem_shared>>
      %dma_start3A_1051 = tpu.memref_slice %arg13[%dma_start3A_1040] : memref<4x!tpu.dma_semaphore, #tpu.memory_space<semaphore_mem>> -> memref<1x!tpu.dma_semaphore, #tpu.memory_space<semaphore_mem>>
      %dma_start3A_1052 = tpu.memref_squeeze %dma_start3A_1051 : memref<1x!tpu.dma_semaphore, #tpu.memory_space<semaphore_mem>> -> memref<!tpu.dma_semaphore, #tpu.memory_space<semaphore_mem>>
      tpu.enqueue_indirect_dma source(%dma_start3A_1050 : memref<10240x64xf32, #tpu.memory_space<vmem_shared>>) target(%dma_start3A_1044 : memref<128x64xf32, #tpu.memory_space<vmem>>) offsets(%dma_start3A_1047 : memref<128xi32, #tpu.memory_space<vmem>>) semaphore(%dma_start3A_1052 : memref<!tpu.dma_semaphore, #tpu.memory_space<semaphore_mem>>)
      %mul3A_1053 = arith.constant 16 : i32
      %mul3A_1054 = arith.muli %scan3A_166, %mul3A_1053 : i32
      %add3A_1055 = arith.constant 14 : i32
      %add3A_1056 = arith.addi %mul3A_1054, %add3A_1055 : i32
      %dma_wait3A_1057 = arith.constant 14 : i32
      %dma_wait3A_1058 = arith.constant 2 : i32
      %dma_wait3A_1059 = arith.constant 2 : i32
      %dma_wait3A_1060 = arith.constant 0 : i32
      %dma_wait3A_1061 = arith.constant 0 : i32
      %dma_wait3A_1062 = tpu.memref_slice %arg10[%dma_wait3A_1058, %dma_wait3A_1060, %dma_wait3A_1061] : memref<4x128x64xf32, #tpu.memory_space<vmem>> -> memref<1x128x64xf32, #tpu.memory_space<vmem>>
      %dma_wait3A_1063 = tpu.memref_squeeze %dma_wait3A_1062 : memref<1x128x64xf32, #tpu.memory_space<vmem>> -> memref<128x64xf32, #tpu.memory_space<vmem>>
      %dma_wait3A_1064 = arith.constant 0 : i32
      %dma_wait3A_1065 = tpu.memref_slice %arg8[%rem3A_167, %dma_wait3A_1057, %dma_wait3A_1064] : memref<2x16x128xi32, #tpu.memory_space<vmem>> -> memref<1x1x128xi32, #tpu.memory_space<vmem>>
      %dma_wait3A_1066 = tpu.memref_squeeze %dma_wait3A_1065 : memref<1x1x128xi32, #tpu.memory_space<vmem>> -> memref<128xi32, #tpu.memory_space<vmem>>
      %dma_wait3A_1067 = arith.constant 0 : i32
      %dma_wait3A_1068 = arith.constant 0 : i32
      %dma_wait3A_1069 = tpu.memref_slice %arg12[%dma_wait3A_1067, %dma_wait3A_1068] : memref<10240x64xf32, #tpu.memory_space<vmem_shared>> -> memref<10240x64xf32, #tpu.memory_space<vmem_shared>>
      %dma_wait3A_1070 = tpu.memref_slice %arg13[%dma_wait3A_1059] : memref<4x!tpu.dma_semaphore, #tpu.memory_space<semaphore_mem>> -> memref<1x!tpu.dma_semaphore, #tpu.memory_space<semaphore_mem>>
      %dma_wait3A_1071 = tpu.memref_squeeze %dma_wait3A_1070 : memref<1x!tpu.dma_semaphore, #tpu.memory_space<semaphore_mem>> -> memref<!tpu.dma_semaphore, #tpu.memory_space<semaphore_mem>>
      tpu.wait_indirect_dma semaphore(%dma_wait3A_1071 : memref<!tpu.dma_semaphore, #tpu.memory_space<semaphore_mem>>) src(%dma_wait3A_1069 : memref<10240x64xf32, #tpu.memory_space<vmem_shared>>) dst(%dma_wait3A_1063 : memref<128x64xf32, #tpu.memory_space<vmem>>)
      %dma_start3A_1072 = arith.constant 2 : i32
      %dma_start3A_1073 = arith.constant 14 : i32
      %dma_start3A_1074 = arith.constant 2 : i32
      %dma_start3A_1075 = arith.constant 0 : i32
      %dma_start3A_1076 = arith.constant 0 : i32
      %dma_start3A_1077 = tpu.memref_slice %arg10[%dma_start3A_1072, %dma_start3A_1075, %dma_start3A_1076] : memref<4x128x64xf32, #tpu.memory_space<vmem>> -> memref<1x128x64xf32, #tpu.memory_space<vmem>>
      %dma_start3A_1078 = tpu.memref_squeeze %dma_start3A_1077 : memref<1x128x64xf32, #tpu.memory_space<vmem>> -> memref<128x64xf32, #tpu.memory_space<vmem>>
      %dma_start3A_1079 = arith.constant 0 : i32
      %dma_start3A_1080 = tpu.memref_slice %arg9[%rem3A_167, %dma_start3A_1073, %dma_start3A_1079] : memref<2x16x128xi32, #tpu.memory_space<vmem>> -> memref<1x1x128xi32, #tpu.memory_space<vmem>>
      %dma_start3A_1081 = tpu.memref_squeeze %dma_start3A_1080 : memref<1x1x128xi32, #tpu.memory_space<vmem>> -> memref<128xi32, #tpu.memory_space<vmem>>
      %dma_start3A_1082 = arith.constant 0 : i32
      %dma_start3A_1083 = arith.constant 0 : i32
      %dma_start3A_1084 = tpu.memref_slice %arg11[%dma_start3A_1082, %dma_start3A_1083] : memref<10240x64xf32, #tpu.memory_space<vmem_shared>> -> memref<10240x64xf32, #tpu.memory_space<vmem_shared>>
      %dma_start3A_1085 = tpu.memref_slice %arg14[%dma_start3A_1074] : memref<4x!tpu.dma_semaphore, #tpu.memory_space<semaphore_mem>> -> memref<1x!tpu.dma_semaphore, #tpu.memory_space<semaphore_mem>>
      %dma_start3A_1086 = tpu.memref_squeeze %dma_start3A_1085 : memref<1x!tpu.dma_semaphore, #tpu.memory_space<semaphore_mem>> -> memref<!tpu.dma_semaphore, #tpu.memory_space<semaphore_mem>>
      tpu.enqueue_indirect_dma source(%dma_start3A_1078 : memref<128x64xf32, #tpu.memory_space<vmem>>) target(%dma_start3A_1084 : memref<10240x64xf32, #tpu.memory_space<vmem_shared>>) offsets(%dma_start3A_1081 : memref<128xi32, #tpu.memory_space<vmem>>) semaphore(%dma_start3A_1086 : memref<!tpu.dma_semaphore, #tpu.memory_space<semaphore_mem>>) {add = true}
      %dma_wait3A_1087 = arith.constant 0 : i32
      %dma_wait3A_1088 = arith.constant 12 : i32
      %dma_wait3A_1089 = arith.constant 0 : i32
      %dma_wait3A_1090 = arith.constant 0 : i32
      %dma_wait3A_1091 = arith.constant 0 : i32
      %dma_wait3A_1092 = tpu.memref_slice %arg10[%dma_wait3A_1087, %dma_wait3A_1090, %dma_wait3A_1091] : memref<4x128x64xf32, #tpu.memory_space<vmem>> -> memref<1x128x64xf32, #tpu.memory_space<vmem>>
      %dma_wait3A_1093 = tpu.memref_squeeze %dma_wait3A_1092 : memref<1x128x64xf32, #tpu.memory_space<vmem>> -> memref<128x64xf32, #tpu.memory_space<vmem>>
      %dma_wait3A_1094 = arith.constant 0 : i32
      %dma_wait3A_1095 = tpu.memref_slice %arg9[%rem3A_167, %dma_wait3A_1088, %dma_wait3A_1094] : memref<2x16x128xi32, #tpu.memory_space<vmem>> -> memref<1x1x128xi32, #tpu.memory_space<vmem>>
      %dma_wait3A_1096 = tpu.memref_squeeze %dma_wait3A_1095 : memref<1x1x128xi32, #tpu.memory_space<vmem>> -> memref<128xi32, #tpu.memory_space<vmem>>
      %dma_wait3A_1097 = arith.constant 0 : i32
      %dma_wait3A_1098 = arith.constant 0 : i32
      %dma_wait3A_1099 = tpu.memref_slice %arg11[%dma_wait3A_1097, %dma_wait3A_1098] : memref<10240x64xf32, #tpu.memory_space<vmem_shared>> -> memref<10240x64xf32, #tpu.memory_space<vmem_shared>>
      %dma_wait3A_1100 = tpu.memref_slice %arg14[%dma_wait3A_1089] : memref<4x!tpu.dma_semaphore, #tpu.memory_space<semaphore_mem>> -> memref<1x!tpu.dma_semaphore, #tpu.memory_space<semaphore_mem>>
      %dma_wait3A_1101 = tpu.memref_squeeze %dma_wait3A_1100 : memref<1x!tpu.dma_semaphore, #tpu.memory_space<semaphore_mem>> -> memref<!tpu.dma_semaphore, #tpu.memory_space<semaphore_mem>>
      tpu.wait_indirect_dma semaphore(%dma_wait3A_1101 : memref<!tpu.dma_semaphore, #tpu.memory_space<semaphore_mem>>) src(%dma_wait3A_1093 : memref<128x64xf32, #tpu.memory_space<vmem>>) dst(%dma_wait3A_1099 : memref<10240x64xf32, #tpu.memory_space<vmem_shared>>)
      %add3A_1102 = arith.constant 1 : i32
      %add3A_1103 = arith.addi %scan3A_166, %add3A_1102 : i32
      %lt3A_1104 = arith.constant 10 : i32
      %lt3A_1105 = arith.cmpi slt, %add3A_1103, %lt3A_1104 : i32
      %convert_element_type3A_1106 = arith.extui %lt3A_1105 : i1 to i32
      %cond3A_1107 = arith.constant 0 : i32
      %cond3A_1108 = arith.cmpi ne, %convert_element_type3A_1106, %cond3A_1107 : i32
      scf.if %cond3A_1108 {
        %add3A_1172 = arith.constant 1 : i32
        %add3A_1173 = arith.addi %scan3A_166, %add3A_1172 : i32
        %mul3A_1174 = arith.constant 16 : i32
        %mul3A_1175 = arith.muli %add3A_1173, %mul3A_1174 : i32
        %add3A_1176 = arith.addi %mul3A_0, %mul3A_1175 : i32
        %dma_wait3A_1177 = arith.constant 0 : i32
        %dma_wait3A_1178 = arith.constant 0 : i32
        %dma_wait3A_1179 = tpu.memref_slice %arg8[%rem3A_171, %dma_wait3A_1177, %dma_wait3A_1178] : memref<2x16x128xi32, #tpu.memory_space<vmem>> -> memref<1x16x128xi32, #tpu.memory_space<vmem>>
        %dma_wait3A_1180 = tpu.memref_squeeze %dma_wait3A_1179 : memref<1x16x128xi32, #tpu.memory_space<vmem>> -> memref<16x128xi32, #tpu.memory_space<vmem>>
        %dma_wait3A_1181 = arith.constant 0 : i32
        %dma_wait3A_1182 = tpu.memref_slice %arg4[%add3A_1176, %dma_wait3A_1181] : memref<2560x128xi32, #tpu.memory_space<hbm>> -> memref<16x128xi32, #tpu.memory_space<hbm>>
        %dma_wait3A_1183 = tpu.memref_slice %arg15[%rem3A_171] : memref<2x!tpu.dma_semaphore, #tpu.memory_space<semaphore_mem>> -> memref<1x!tpu.dma_semaphore, #tpu.memory_space<semaphore_mem>>
        %dma_wait3A_1184 = tpu.memref_squeeze %dma_wait3A_1183 : memref<1x!tpu.dma_semaphore, #tpu.memory_space<semaphore_mem>> -> memref<!tpu.dma_semaphore, #tpu.memory_space<semaphore_mem>>
        %dma_wait3A_1185 = arith.constant 0 : i32
        %dma_wait3A_1186 = arith.constant 0 : i32
        %dma_wait3A_1187 = tpu.memref_slice %arg8[%rem3A_171, %dma_wait3A_1185, %dma_wait3A_1186] : memref<2x16x128xi32, #tpu.memory_space<vmem>> -> memref<1x16x128xi32, #tpu.memory_space<vmem>>
        %dma_wait3A_1188 = tpu.memref_squeeze %dma_wait3A_1187 : memref<1x16x128xi32, #tpu.memory_space<vmem>> -> memref<16x128xi32, #tpu.memory_space<vmem>>
        %dma_wait3A_1189 = arith.constant 0 : i32
        %dma_wait3A_1190 = tpu.memref_slice %arg4[%add3A_1176, %dma_wait3A_1189] : memref<2560x128xi32, #tpu.memory_space<hbm>> -> memref<16x128xi32, #tpu.memory_space<hbm>>
        tpu.wait_dma2 semaphore(%dma_wait3A_1184 : memref<!tpu.dma_semaphore, #tpu.memory_space<semaphore_mem>>) src(%dma_wait3A_1190 : memref<16x128xi32, #tpu.memory_space<hbm>>) dst(%dma_wait3A_1188 : memref<16x128xi32, #tpu.memory_space<vmem>>)
        %dma_wait3A_1191 = arith.constant 0 : i32
        %dma_wait3A_1192 = arith.constant 0 : i32
        %dma_wait3A_1193 = tpu.memref_slice %arg9[%rem3A_171, %dma_wait3A_1191, %dma_wait3A_1192] : memref<2x16x128xi32, #tpu.memory_space<vmem>> -> memref<1x16x128xi32, #tpu.memory_space<vmem>>
        %dma_wait3A_1194 = tpu.memref_squeeze %dma_wait3A_1193 : memref<1x16x128xi32, #tpu.memory_space<vmem>> -> memref<16x128xi32, #tpu.memory_space<vmem>>
        %dma_wait3A_1195 = arith.constant 0 : i32
        %dma_wait3A_1196 = tpu.memref_slice %arg5[%add3A_1176, %dma_wait3A_1195] : memref<2560x128xi32, #tpu.memory_space<hbm>> -> memref<16x128xi32, #tpu.memory_space<hbm>>
        %dma_wait3A_1197 = tpu.memref_slice %arg16[%rem3A_171] : memref<2x!tpu.dma_semaphore, #tpu.memory_space<semaphore_mem>> -> memref<1x!tpu.dma_semaphore, #tpu.memory_space<semaphore_mem>>
        %dma_wait3A_1198 = tpu.memref_squeeze %dma_wait3A_1197 : memref<1x!tpu.dma_semaphore, #tpu.memory_space<semaphore_mem>> -> memref<!tpu.dma_semaphore, #tpu.memory_space<semaphore_mem>>
        %dma_wait3A_1199 = arith.constant 0 : i32
        %dma_wait3A_1200 = arith.constant 0 : i32
        %dma_wait3A_1201 = tpu.memref_slice %arg9[%rem3A_171, %dma_wait3A_1199, %dma_wait3A_1200] : memref<2x16x128xi32, #tpu.memory_space<vmem>> -> memref<1x16x128xi32, #tpu.memory_space<vmem>>
        %dma_wait3A_1202 = tpu.memref_squeeze %dma_wait3A_1201 : memref<1x16x128xi32, #tpu.memory_space<vmem>> -> memref<16x128xi32, #tpu.memory_space<vmem>>
        %dma_wait3A_1203 = arith.constant 0 : i32
        %dma_wait3A_1204 = tpu.memref_slice %arg5[%add3A_1176, %dma_wait3A_1203] : memref<2560x128xi32, #tpu.memory_space<hbm>> -> memref<16x128xi32, #tpu.memory_space<hbm>>
        tpu.wait_dma2 semaphore(%dma_wait3A_1198 : memref<!tpu.dma_semaphore, #tpu.memory_space<semaphore_mem>>) src(%dma_wait3A_1204 : memref<16x128xi32, #tpu.memory_space<hbm>>) dst(%dma_wait3A_1202 : memref<16x128xi32, #tpu.memory_space<vmem>>)
      } else {
      }
      %add3A_1109 = arith.constant 1 : i32
      %add3A_1110 = arith.addi %scan3A_166, %add3A_1109 : i32
      %lt3A_1111 = arith.constant 10 : i32
      %lt3A_1112 = arith.cmpi slt, %add3A_1110, %lt3A_1111 : i32
      %convert_element_type3A_1113 = arith.extui %lt3A_1112 : i1 to i32
      %cond3A_1114 = arith.constant 0 : i32
      %cond3A_1115 = arith.cmpi ne, %convert_element_type3A_1113, %cond3A_1114 : i32
      scf.if %cond3A_1115 {
        %dma_start3A_1172 = arith.constant 0 : i32
        %dma_start3A_1173 = arith.constant 0 : i32
        %dma_start3A_1174 = arith.constant 0 : i32
        %dma_start3A_1175 = arith.constant 0 : i32
        %dma_start3A_1176 = arith.constant 0 : i32
        %dma_start3A_1177 = tpu.memref_slice %arg10[%dma_start3A_1173, %dma_start3A_1175, %dma_start3A_1176] : memref<4x128x64xf32, #tpu.memory_space<vmem>> -> memref<1x128x64xf32, #tpu.memory_space<vmem>>
        %dma_start3A_1178 = tpu.memref_squeeze %dma_start3A_1177 : memref<1x128x64xf32, #tpu.memory_space<vmem>> -> memref<128x64xf32, #tpu.memory_space<vmem>>
        %dma_start3A_1179 = arith.constant 0 : i32
        %dma_start3A_1180 = tpu.memref_slice %arg8[%rem3A_171, %dma_start3A_1172, %dma_start3A_1179] : memref<2x16x128xi32, #tpu.memory_space<vmem>> -> memref<1x1x128xi32, #tpu.memory_space<vmem>>
        %dma_start3A_1181 = tpu.memref_squeeze %dma_start3A_1180 : memref<1x1x128xi32, #tpu.memory_space<vmem>> -> memref<128xi32, #tpu.memory_space<vmem>>
        %dma_start3A_1182 = arith.constant 0 : i32
        %dma_start3A_1183 = arith.constant 0 : i32
        %dma_start3A_1184 = tpu.memref_slice %arg12[%dma_start3A_1182, %dma_start3A_1183] : memref<10240x64xf32, #tpu.memory_space<vmem_shared>> -> memref<10240x64xf32, #tpu.memory_space<vmem_shared>>
        %dma_start3A_1185 = tpu.memref_slice %arg13[%dma_start3A_1174] : memref<4x!tpu.dma_semaphore, #tpu.memory_space<semaphore_mem>> -> memref<1x!tpu.dma_semaphore, #tpu.memory_space<semaphore_mem>>
        %dma_start3A_1186 = tpu.memref_squeeze %dma_start3A_1185 : memref<1x!tpu.dma_semaphore, #tpu.memory_space<semaphore_mem>> -> memref<!tpu.dma_semaphore, #tpu.memory_space<semaphore_mem>>
        tpu.enqueue_indirect_dma source(%dma_start3A_1184 : memref<10240x64xf32, #tpu.memory_space<vmem_shared>>) target(%dma_start3A_1178 : memref<128x64xf32, #tpu.memory_space<vmem>>) offsets(%dma_start3A_1181 : memref<128xi32, #tpu.memory_space<vmem>>) semaphore(%dma_start3A_1186 : memref<!tpu.dma_semaphore, #tpu.memory_space<semaphore_mem>>)
      } else {
      }
      %mul3A_1116 = arith.constant 16 : i32
      %mul3A_1117 = arith.muli %scan3A_166, %mul3A_1116 : i32
      %add3A_1118 = arith.constant 15 : i32
      %add3A_1119 = arith.addi %mul3A_1117, %add3A_1118 : i32
      %dma_wait3A_1120 = arith.constant 15 : i32
      %dma_wait3A_1121 = arith.constant 3 : i32
      %dma_wait3A_1122 = arith.constant 3 : i32
      %dma_wait3A_1123 = arith.constant 0 : i32
      %dma_wait3A_1124 = arith.constant 0 : i32
      %dma_wait3A_1125 = tpu.memref_slice %arg10[%dma_wait3A_1121, %dma_wait3A_1123, %dma_wait3A_1124] : memref<4x128x64xf32, #tpu.memory_space<vmem>> -> memref<1x128x64xf32, #tpu.memory_space<vmem>>
      %dma_wait3A_1126 = tpu.memref_squeeze %dma_wait3A_1125 : memref<1x128x64xf32, #tpu.memory_space<vmem>> -> memref<128x64xf32, #tpu.memory_space<vmem>>
      %dma_wait3A_1127 = arith.constant 0 : i32
      %dma_wait3A_1128 = tpu.memref_slice %arg8[%rem3A_167, %dma_wait3A_1120, %dma_wait3A_1127] : memref<2x16x128xi32, #tpu.memory_space<vmem>> -> memref<1x1x128xi32, #tpu.memory_space<vmem>>
      %dma_wait3A_1129 = tpu.memref_squeeze %dma_wait3A_1128 : memref<1x1x128xi32, #tpu.memory_space<vmem>> -> memref<128xi32, #tpu.memory_space<vmem>>
      %dma_wait3A_1130 = arith.constant 0 : i32
      %dma_wait3A_1131 = arith.constant 0 : i32
      %dma_wait3A_1132 = tpu.memref_slice %arg12[%dma_wait3A_1130, %dma_wait3A_1131] : memref<10240x64xf32, #tpu.memory_space<vmem_shared>> -> memref<10240x64xf32, #tpu.memory_space<vmem_shared>>
      %dma_wait3A_1133 = tpu.memref_slice %arg13[%dma_wait3A_1122] : memref<4x!tpu.dma_semaphore, #tpu.memory_space<semaphore_mem>> -> memref<1x!tpu.dma_semaphore, #tpu.memory_space<semaphore_mem>>
      %dma_wait3A_1134 = tpu.memref_squeeze %dma_wait3A_1133 : memref<1x!tpu.dma_semaphore, #tpu.memory_space<semaphore_mem>> -> memref<!tpu.dma_semaphore, #tpu.memory_space<semaphore_mem>>
      tpu.wait_indirect_dma semaphore(%dma_wait3A_1134 : memref<!tpu.dma_semaphore, #tpu.memory_space<semaphore_mem>>) src(%dma_wait3A_1132 : memref<10240x64xf32, #tpu.memory_space<vmem_shared>>) dst(%dma_wait3A_1126 : memref<128x64xf32, #tpu.memory_space<vmem>>)
      %dma_start3A_1135 = arith.constant 3 : i32
      %dma_start3A_1136 = arith.constant 15 : i32
      %dma_start3A_1137 = arith.constant 3 : i32
      %dma_start3A_1138 = arith.constant 0 : i32
      %dma_start3A_1139 = arith.constant 0 : i32
      %dma_start3A_1140 = tpu.memref_slice %arg10[%dma_start3A_1135, %dma_start3A_1138, %dma_start3A_1139] : memref<4x128x64xf32, #tpu.memory_space<vmem>> -> memref<1x128x64xf32, #tpu.memory_space<vmem>>
      %dma_start3A_1141 = tpu.memref_squeeze %dma_start3A_1140 : memref<1x128x64xf32, #tpu.memory_space<vmem>> -> memref<128x64xf32, #tpu.memory_space<vmem>>
      %dma_start3A_1142 = arith.constant 0 : i32
      %dma_start3A_1143 = tpu.memref_slice %arg9[%rem3A_167, %dma_start3A_1136, %dma_start3A_1142] : memref<2x16x128xi32, #tpu.memory_space<vmem>> -> memref<1x1x128xi32, #tpu.memory_space<vmem>>
      %dma_start3A_1144 = tpu.memref_squeeze %dma_start3A_1143 : memref<1x1x128xi32, #tpu.memory_space<vmem>> -> memref<128xi32, #tpu.memory_space<vmem>>
      %dma_start3A_1145 = arith.constant 0 : i32
      %dma_start3A_1146 = arith.constant 0 : i32
      %dma_start3A_1147 = tpu.memref_slice %arg11[%dma_start3A_1145, %dma_start3A_1146] : memref<10240x64xf32, #tpu.memory_space<vmem_shared>> -> memref<10240x64xf32, #tpu.memory_space<vmem_shared>>
      %dma_start3A_1148 = tpu.memref_slice %arg14[%dma_start3A_1137] : memref<4x!tpu.dma_semaphore, #tpu.memory_space<semaphore_mem>> -> memref<1x!tpu.dma_semaphore, #tpu.memory_space<semaphore_mem>>
      %dma_start3A_1149 = tpu.memref_squeeze %dma_start3A_1148 : memref<1x!tpu.dma_semaphore, #tpu.memory_space<semaphore_mem>> -> memref<!tpu.dma_semaphore, #tpu.memory_space<semaphore_mem>>
      tpu.enqueue_indirect_dma source(%dma_start3A_1141 : memref<128x64xf32, #tpu.memory_space<vmem>>) target(%dma_start3A_1147 : memref<10240x64xf32, #tpu.memory_space<vmem_shared>>) offsets(%dma_start3A_1144 : memref<128xi32, #tpu.memory_space<vmem>>) semaphore(%dma_start3A_1149 : memref<!tpu.dma_semaphore, #tpu.memory_space<semaphore_mem>>) {add = true}
      %dma_wait3A_1150 = arith.constant 1 : i32
      %dma_wait3A_1151 = arith.constant 13 : i32
      %dma_wait3A_1152 = arith.constant 1 : i32
      %dma_wait3A_1153 = arith.constant 0 : i32
      %dma_wait3A_1154 = arith.constant 0 : i32
      %dma_wait3A_1155 = tpu.memref_slice %arg10[%dma_wait3A_1150, %dma_wait3A_1153, %dma_wait3A_1154] : memref<4x128x64xf32, #tpu.memory_space<vmem>> -> memref<1x128x64xf32, #tpu.memory_space<vmem>>
      %dma_wait3A_1156 = tpu.memref_squeeze %dma_wait3A_1155 : memref<1x128x64xf32, #tpu.memory_space<vmem>> -> memref<128x64xf32, #tpu.memory_space<vmem>>
      %dma_wait3A_1157 = arith.constant 0 : i32
      %dma_wait3A_1158 = tpu.memref_slice %arg9[%rem3A_167, %dma_wait3A_1151, %dma_wait3A_1157] : memref<2x16x128xi32, #tpu.memory_space<vmem>> -> memref<1x1x128xi32, #tpu.memory_space<vmem>>
      %dma_wait3A_1159 = tpu.memref_squeeze %dma_wait3A_1158 : memref<1x1x128xi32, #tpu.memory_space<vmem>> -> memref<128xi32, #tpu.memory_space<vmem>>
      %dma_wait3A_1160 = arith.constant 0 : i32
      %dma_wait3A_1161 = arith.constant 0 : i32
      %dma_wait3A_1162 = tpu.memref_slice %arg11[%dma_wait3A_1160, %dma_wait3A_1161] : memref<10240x64xf32, #tpu.memory_space<vmem_shared>> -> memref<10240x64xf32, #tpu.memory_space<vmem_shared>>
      %dma_wait3A_1163 = tpu.memref_slice %arg14[%dma_wait3A_1152] : memref<4x!tpu.dma_semaphore, #tpu.memory_space<semaphore_mem>> -> memref<1x!tpu.dma_semaphore, #tpu.memory_space<semaphore_mem>>
      %dma_wait3A_1164 = tpu.memref_squeeze %dma_wait3A_1163 : memref<1x!tpu.dma_semaphore, #tpu.memory_space<semaphore_mem>> -> memref<!tpu.dma_semaphore, #tpu.memory_space<semaphore_mem>>
      tpu.wait_indirect_dma semaphore(%dma_wait3A_1164 : memref<!tpu.dma_semaphore, #tpu.memory_space<semaphore_mem>>) src(%dma_wait3A_1156 : memref<128x64xf32, #tpu.memory_space<vmem>>) dst(%dma_wait3A_1162 : memref<10240x64xf32, #tpu.memory_space<vmem_shared>>)
      %add3A_1165 = arith.constant 1 : i32
      %add3A_1166 = arith.addi %scan3A_166, %add3A_1165 : i32
      %lt3A_1167 = arith.constant 10 : i32
      %lt3A_1168 = arith.cmpi slt, %add3A_1166, %lt3A_1167 : i32
      %convert_element_type3A_1169 = arith.extui %lt3A_1168 : i1 to i32
      %cond3A_1170 = arith.constant 0 : i32
      %cond3A_1171 = arith.cmpi ne, %convert_element_type3A_1169, %cond3A_1170 : i32
      scf.if %cond3A_1171 {
        %dma_start3A_1172 = arith.constant 1 : i32
        %dma_start3A_1173 = arith.constant 1 : i32
        %dma_start3A_1174 = arith.constant 1 : i32
        %dma_start3A_1175 = arith.constant 0 : i32
        %dma_start3A_1176 = arith.constant 0 : i32
        %dma_start3A_1177 = tpu.memref_slice %arg10[%dma_start3A_1173, %dma_start3A_1175, %dma_start3A_1176] : memref<4x128x64xf32, #tpu.memory_space<vmem>> -> memref<1x128x64xf32, #tpu.memory_space<vmem>>
        %dma_start3A_1178 = tpu.memref_squeeze %dma_start3A_1177 : memref<1x128x64xf32, #tpu.memory_space<vmem>> -> memref<128x64xf32, #tpu.memory_space<vmem>>
        %dma_start3A_1179 = arith.constant 0 : i32
        %dma_start3A_1180 = tpu.memref_slice %arg8[%rem3A_171, %dma_start3A_1172, %dma_start3A_1179] : memref<2x16x128xi32, #tpu.memory_space<vmem>> -> memref<1x1x128xi32, #tpu.memory_space<vmem>>
        %dma_start3A_1181 = tpu.memref_squeeze %dma_start3A_1180 : memref<1x1x128xi32, #tpu.memory_space<vmem>> -> memref<128xi32, #tpu.memory_space<vmem>>
        %dma_start3A_1182 = arith.constant 0 : i32
        %dma_start3A_1183 = arith.constant 0 : i32
        %dma_start3A_1184 = tpu.memref_slice %arg12[%dma_start3A_1182, %dma_start3A_1183] : memref<10240x64xf32, #tpu.memory_space<vmem_shared>> -> memref<10240x64xf32, #tpu.memory_space<vmem_shared>>
        %dma_start3A_1185 = tpu.memref_slice %arg13[%dma_start3A_1174] : memref<4x!tpu.dma_semaphore, #tpu.memory_space<semaphore_mem>> -> memref<1x!tpu.dma_semaphore, #tpu.memory_space<semaphore_mem>>
        %dma_start3A_1186 = tpu.memref_squeeze %dma_start3A_1185 : memref<1x!tpu.dma_semaphore, #tpu.memory_space<semaphore_mem>> -> memref<!tpu.dma_semaphore, #tpu.memory_space<semaphore_mem>>
        tpu.enqueue_indirect_dma source(%dma_start3A_1184 : memref<10240x64xf32, #tpu.memory_space<vmem_shared>>) target(%dma_start3A_1178 : memref<128x64xf32, #tpu.memory_space<vmem>>) offsets(%dma_start3A_1181 : memref<128xi32, #tpu.memory_space<vmem>>) semaphore(%dma_start3A_1186 : memref<!tpu.dma_semaphore, #tpu.memory_space<semaphore_mem>>)
      } else {
      }
    }
    %scan3A_132 = arith.constant 10 : i32
    %dma_wait3A_133 = arith.constant 2 : i32
    %dma_wait3A_134 = arith.constant 1 : i32
    %dma_wait3A_135 = arith.constant 14 : i32
    %dma_wait3A_136 = arith.constant 2 : i32
    %dma_wait3A_137 = arith.constant 0 : i32
    %dma_wait3A_138 = arith.constant 0 : i32
    %dma_wait3A_139 = tpu.memref_slice %arg10[%dma_wait3A_133, %dma_wait3A_137, %dma_wait3A_138] : memref<4x128x64xf32, #tpu.memory_space<vmem>> -> memref<1x128x64xf32, #tpu.memory_space<vmem>>
    %dma_wait3A_140 = tpu.memref_squeeze %dma_wait3A_139 : memref<1x128x64xf32, #tpu.memory_space<vmem>> -> memref<128x64xf32, #tpu.memory_space<vmem>>
    %dma_wait3A_141 = arith.constant 0 : i32
    %dma_wait3A_142 = tpu.memref_slice %arg9[%dma_wait3A_134, %dma_wait3A_135, %dma_wait3A_141] : memref<2x16x128xi32, #tpu.memory_space<vmem>> -> memref<1x1x128xi32, #tpu.memory_space<vmem>>
    %dma_wait3A_143 = tpu.memref_squeeze %dma_wait3A_142 : memref<1x1x128xi32, #tpu.memory_space<vmem>> -> memref<128xi32, #tpu.memory_space<vmem>>
    %dma_wait3A_144 = arith.constant 0 : i32
    %dma_wait3A_145 = arith.constant 0 : i32
    %dma_wait3A_146 = tpu.memref_slice %arg11[%dma_wait3A_144, %dma_wait3A_145] : memref<10240x64xf32, #tpu.memory_space<vmem_shared>> -> memref<10240x64xf32, #tpu.memory_space<vmem_shared>>
    %dma_wait3A_147 = tpu.memref_slice %arg14[%dma_wait3A_136] : memref<4x!tpu.dma_semaphore, #tpu.memory_space<semaphore_mem>> -> memref<1x!tpu.dma_semaphore, #tpu.memory_space<semaphore_mem>>
    %dma_wait3A_148 = tpu.memref_squeeze %dma_wait3A_147 : memref<1x!tpu.dma_semaphore, #tpu.memory_space<semaphore_mem>> -> memref<!tpu.dma_semaphore, #tpu.memory_space<semaphore_mem>>
    tpu.wait_indirect_dma semaphore(%dma_wait3A_148 : memref<!tpu.dma_semaphore, #tpu.memory_space<semaphore_mem>>) src(%dma_wait3A_140 : memref<128x64xf32, #tpu.memory_space<vmem>>) dst(%dma_wait3A_146 : memref<10240x64xf32, #tpu.memory_space<vmem_shared>>)
    %dma_wait3A_149 = arith.constant 3 : i32
    %dma_wait3A_150 = arith.constant 1 : i32
    %dma_wait3A_151 = arith.constant 15 : i32
    %dma_wait3A_152 = arith.constant 3 : i32
    %dma_wait3A_153 = arith.constant 0 : i32
    %dma_wait3A_154 = arith.constant 0 : i32
    %dma_wait3A_155 = tpu.memref_slice %arg10[%dma_wait3A_149, %dma_wait3A_153, %dma_wait3A_154] : memref<4x128x64xf32, #tpu.memory_space<vmem>> -> memref<1x128x64xf32, #tpu.memory_space<vmem>>
    %dma_wait3A_156 = tpu.memref_squeeze %dma_wait3A_155 : memref<1x128x64xf32, #tpu.memory_space<vmem>> -> memref<128x64xf32, #tpu.memory_space<vmem>>
    %dma_wait3A_157 = arith.constant 0 : i32
    %dma_wait3A_158 = tpu.memref_slice %arg9[%dma_wait3A_150, %dma_wait3A_151, %dma_wait3A_157] : memref<2x16x128xi32, #tpu.memory_space<vmem>> -> memref<1x1x128xi32, #tpu.memory_space<vmem>>
    %dma_wait3A_159 = tpu.memref_squeeze %dma_wait3A_158 : memref<1x1x128xi32, #tpu.memory_space<vmem>> -> memref<128xi32, #tpu.memory_space<vmem>>
    %dma_wait3A_160 = arith.constant 0 : i32
    %dma_wait3A_161 = arith.constant 0 : i32
    %dma_wait3A_162 = tpu.memref_slice %arg11[%dma_wait3A_160, %dma_wait3A_161] : memref<10240x64xf32, #tpu.memory_space<vmem_shared>> -> memref<10240x64xf32, #tpu.memory_space<vmem_shared>>
    %dma_wait3A_163 = tpu.memref_slice %arg14[%dma_wait3A_152] : memref<4x!tpu.dma_semaphore, #tpu.memory_space<semaphore_mem>> -> memref<1x!tpu.dma_semaphore, #tpu.memory_space<semaphore_mem>>
    %dma_wait3A_164 = tpu.memref_squeeze %dma_wait3A_163 : memref<1x!tpu.dma_semaphore, #tpu.memory_space<semaphore_mem>> -> memref<!tpu.dma_semaphore, #tpu.memory_space<semaphore_mem>>
    tpu.wait_indirect_dma semaphore(%dma_wait3A_164 : memref<!tpu.dma_semaphore, #tpu.memory_space<semaphore_mem>>) src(%dma_wait3A_156 : memref<128x64xf32, #tpu.memory_space<vmem>>) dst(%dma_wait3A_162 : memref<10240x64xf32, #tpu.memory_space<vmem_shared>>)
    %barrier3A_165 = arith.constant 0 : index
    tpu.barrier barrier_id(%barrier3A_165)
    "tpu.region"() ({
      %run_scoped3A_166 = tpu.sem_alloc : memref<!tpu.dma_semaphore, #tpu.memory_space<semaphore_mem>>
      %dma_start3A_167 = arith.constant 0 : i32
      %dma_start3A_168 = tpu.memref_slice %arg7[%arg0, %mul3A_26, %dma_start3A_167] : memref<2x10240x64xf32, #tpu.memory_space<hbm>> -> memref<1x640x64xf32, #tpu.memory_space<hbm>>
      %dma_start3A_169 = tpu.memref_squeeze %dma_start3A_168 : memref<1x640x64xf32, #tpu.memory_space<hbm>> -> memref<640x64xf32, #tpu.memory_space<hbm>>
      %dma_start3A_170 = arith.constant 0 : i32
      %dma_start3A_171 = tpu.memref_slice %arg11[%mul3A_26, %dma_start3A_170] : memref<10240x64xf32, #tpu.memory_space<vmem_shared>> -> memref<640x64xf32, #tpu.memory_space<vmem_shared>>
      tpu.enqueue_dma source(%dma_start3A_171 : memref<640x64xf32, #tpu.memory_space<vmem_shared>>) target(%dma_start3A_169 : memref<640x64xf32, #tpu.memory_space<hbm>>) target_semaphore(%run_scoped3A_166 : memref<!tpu.dma_semaphore, #tpu.memory_space<semaphore_mem>>)
      %dma_wait3A_172 = arith.constant 0 : i32
      %dma_wait3A_173 = tpu.memref_slice %arg7[%arg0, %mul3A_26, %dma_wait3A_172] : memref<2x10240x64xf32, #tpu.memory_space<hbm>> -> memref<1x640x64xf32, #tpu.memory_space<hbm>>
      %dma_wait3A_174 = tpu.memref_squeeze %dma_wait3A_173 : memref<1x640x64xf32, #tpu.memory_space<hbm>> -> memref<640x64xf32, #tpu.memory_space<hbm>>
      %dma_wait3A_175 = arith.constant 0 : i32
      %dma_wait3A_176 = tpu.memref_slice %arg11[%mul3A_26, %dma_wait3A_175] : memref<10240x64xf32, #tpu.memory_space<vmem_shared>> -> memref<640x64xf32, #tpu.memory_space<vmem_shared>>
      tpu.wait_dma2 semaphore(%run_scoped3A_166 : memref<!tpu.dma_semaphore, #tpu.memory_space<semaphore_mem>>) src(%dma_wait3A_176 : memref<640x64xf32, #tpu.memory_space<vmem_shared>>) dst(%dma_wait3A_174 : memref<640x64xf32, #tpu.memory_space<hbm>>)
      tpu.yield
    }) : () -> ()
    return
  }
}

module attributes {stable_mosaic.version = 14 : i64} {
  func.func @_g_body(%arg0: i32, %arg1: memref<512x128xf32, #tpu.memory_space<vmem>>, %arg2: memref<128x128xf32, #tpu.memory_space<vmem>>, %arg3: memref<2x512x1xf32, #tpu.memory_space<vmem>>, %arg4: memref<512x64xf32, #tpu.memory_space<vmem>>, %arg5: memref<512x64xf32, #tpu.memory_space<vmem>>) attributes {dimension_semantics = [#tpu.dimension_semantics<arbitrary>], iteration_bounds = array<i64: 20>, scalar_prefetch = 0 : i64, scratch_operands = 0 : i64, tpu.core_type = #tpu.core_type<tc>, window_params = [{transform_indices = @transform_0, window_bounds = array<i64: 512, 128>}, {pipeline_mode = #tpu.pipeline_mode<synchronous>, transform_indices = @transform_1, window_bounds = array<i64: 128, 128>}, {transform_indices = @transform_2, window_bounds = array<i64: 2, 512, 1>}, {transform_indices = @transform_3, window_bounds = array<i64: 512, 64>}, {transform_indices = @transform_4, window_bounds = array<i64: 512, 64>}]} {
    %get3A = arith.constant 0 : index
    %get3A_0 = arith.constant 0 : index
    %get3A_1 = arith.constant 0 : index
    %get3A_2 = vector.load %arg3[%get3A, %get3A_0, %get3A_1] : memref<2x512x1xf32, #tpu.memory_space<vmem>>, vector<1x512x1xf32>
    %get3A_3 = vector.shape_cast %get3A_2 : vector<1x512x1xf32> to vector<512x1xf32>
    %get3A_4 = arith.constant 1 : index
    %get3A_5 = arith.constant 0 : index
    %get3A_6 = arith.constant 0 : index
    %get3A_7 = vector.load %arg3[%get3A_4, %get3A_5, %get3A_6] : memref<2x512x1xf32, #tpu.memory_space<vmem>>, vector<1x512x1xf32>
    %get3A_8 = vector.shape_cast %get3A_7 : vector<1x512x1xf32> to vector<512x1xf32>
    %add3A = arith.addf %get3A_3, %get3A_8 : vector<512x1xf32>
    %max3A = arith.constant 1.000000e+00 : f32
    %max3A_9 = vector.broadcast %max3A : f32 to vector<512x1xf32>
    %max3A_10 = arith.maximumf %add3A, %max3A_9 : vector<512x1xf32>
    %rsqrt3A = math.rsqrt %max3A_10 : vector<512x1xf32>
    %get3A_11 = arith.constant 0 : index
    %get3A_12 = arith.constant 0 : index
    %get3A_13 = vector.load %arg1[%get3A_11, %get3A_12] : memref<512x128xf32, #tpu.memory_space<vmem>>, vector<512x128xf32>
    %get3A_14 = arith.constant 0 : index
    %get3A_15 = arith.constant 0 : index
    %get3A_16 = vector.load %arg2[%get3A_14, %get3A_15] : memref<128x128xf32, #tpu.memory_space<vmem>>, vector<128x128xf32>
    %dot_general3A = arith.constant dense<0.000000e+00> : vector<512x128xf32>
    %dot_general3A_17 = tpu.matmul %get3A_13, %get3A_16, %dot_general3A {dimension_numbers = #tpu.dot_dimension_numbers<[1], [0], [0], [1], [0, 0, 1, 1], [], []>, transpose_lhs_hint = false} : vector<512x128xf32>, vector<128x128xf32>, vector<512x128xf32> -> vector<512x128xf32>
    %mul3A = vector.broadcast %rsqrt3A : vector<512x1xf32> to vector<512x128xf32>
    %mul3A_18 = arith.mulf %dot_general3A_17, %mul3A : vector<512x128xf32>
    %slice3A = vector.extract_strided_slice %mul3A_18 {offsets = [0, 0], sizes = [512, 64], strides = [1, 1]} : vector<512x128xf32> to vector<512x64xf32>
    %swap3A = arith.constant 0 : index
    %swap3A_19 = arith.constant 0 : index
    %swap3A_20 = vector.load %arg4[%swap3A, %swap3A_19] : memref<512x64xf32, #tpu.memory_space<vmem>>, vector<512x64xf32>
    tpu.vector_store %arg4[%swap3A, %swap3A_19], %slice3A {strides = array<i32>} : memref<512x64xf32, #tpu.memory_space<vmem>>, vector<512x64xf32>,
    %slice3A_21 = vector.extract_strided_slice %mul3A_18 {offsets = [0, 64], sizes = [512, 64], strides = [1, 1]} : vector<512x128xf32> to vector<512x64xf32>
    %swap3A_22 = arith.constant 0 : index
    %swap3A_23 = arith.constant 0 : index
    %swap3A_24 = vector.load %arg5[%swap3A_22, %swap3A_23] : memref<512x64xf32, #tpu.memory_space<vmem>>, vector<512x64xf32>
    tpu.vector_store %arg5[%swap3A_22, %swap3A_23], %slice3A_21 {strides = array<i32>} : memref<512x64xf32, #tpu.memory_space<vmem>>, vector<512x64xf32>,
    return
  }
  func.func @transform_0(%arg0: i32) -> (i32, i32) {
    %c0_i32 = arith.constant 0 : i32
    %c0_i32_0 = arith.constant 0 : i32
    return %arg0, %c0_i32 : i32, i32
  }
  func.func @transform_1(%arg0: i32) -> (i32, i32) {
    %c0_i32 = arith.constant 0 : i32
    %c0_i32_0 = arith.constant 0 : i32
    %c0_i32_1 = arith.constant 0 : i32
    return %c0_i32, %c0_i32_0 : i32, i32
  }
  func.func @transform_2(%arg0: i32) -> (i32, i32, i32) {
    %c0_i32 = arith.constant 0 : i32
    %c0_i32_0 = arith.constant 0 : i32
    %c0_i32_1 = arith.constant 0 : i32
    return %c0_i32, %arg0, %c0_i32_0 : i32, i32, i32
  }
  func.func @transform_3(%arg0: i32) -> (i32, i32) {
    %c0_i32 = arith.constant 0 : i32
    %c0_i32_0 = arith.constant 0 : i32
    return %arg0, %c0_i32 : i32, i32
  }
  func.func @transform_4(%arg0: i32) -> (i32, i32) {
    %c0_i32 = arith.constant 0 : i32
    %c0_i32_0 = arith.constant 0 : i32
    return %arg0, %c0_i32 : i32, i32
  }
}

module attributes {stable_mosaic.version = 14 : i64} {
  func.func @_out_body(%arg0: i32, %arg1: memref<2x512x64xf32, #tpu.memory_space<vmem>>, %arg2: memref<2x512x1xf32, #tpu.memory_space<vmem>>, %arg3: memref<1x128xf32, #tpu.memory_space<vmem>>, %arg4: memref<512x128xf32, #tpu.memory_space<vmem>>) attributes {dimension_semantics = [#tpu.dimension_semantics<arbitrary>], iteration_bounds = array<i64: 20>, scalar_prefetch = 0 : i64, scratch_operands = 0 : i64, tpu.core_type = #tpu.core_type<tc>, window_params = [{transform_indices = @transform_0, window_bounds = array<i64: 2, 512, 64>}, {transform_indices = @transform_1, window_bounds = array<i64: 2, 512, 1>}, {pipeline_mode = #tpu.pipeline_mode<synchronous>, transform_indices = @transform_2, window_bounds = array<i64: 1, 128>}, {transform_indices = @transform_3, window_bounds = array<i64: 512, 128>}]} {
    %get3A = arith.constant 0 : index
    %get3A_0 = arith.constant 0 : index
    %get3A_1 = arith.constant 0 : index
    %get3A_2 = vector.load %arg2[%get3A, %get3A_0, %get3A_1] : memref<2x512x1xf32, #tpu.memory_space<vmem>>, vector<1x512x1xf32>
    %get3A_3 = vector.shape_cast %get3A_2 : vector<1x512x1xf32> to vector<512x1xf32>
    %get3A_4 = arith.constant 1 : index
    %get3A_5 = arith.constant 0 : index
    %get3A_6 = arith.constant 0 : index
    %get3A_7 = vector.load %arg2[%get3A_4, %get3A_5, %get3A_6] : memref<2x512x1xf32, #tpu.memory_space<vmem>>, vector<1x512x1xf32>
    %get3A_8 = vector.shape_cast %get3A_7 : vector<1x512x1xf32> to vector<512x1xf32>
    %add3A = arith.addf %get3A_3, %get3A_8 : vector<512x1xf32>
    %max3A = arith.constant 1.000000e+00 : f32
    %max3A_9 = vector.broadcast %max3A : f32 to vector<512x1xf32>
    %max3A_10 = arith.maximumf %add3A, %max3A_9 : vector<512x1xf32>
    %rsqrt3A = math.rsqrt %max3A_10 : vector<512x1xf32>
    %get3A_11 = arith.constant 0 : index
    %get3A_12 = arith.constant 0 : index
    %get3A_13 = arith.constant 0 : index
    %get3A_14 = vector.load %arg1[%get3A_11, %get3A_12, %get3A_13] : memref<2x512x64xf32, #tpu.memory_space<vmem>>, vector<1x512x64xf32>
    %get3A_15 = vector.shape_cast %get3A_14 : vector<1x512x64xf32> to vector<512x64xf32>
    %get3A_16 = arith.constant 1 : index
    %get3A_17 = arith.constant 0 : index
    %get3A_18 = arith.constant 0 : index
    %get3A_19 = vector.load %arg1[%get3A_16, %get3A_17, %get3A_18] : memref<2x512x64xf32, #tpu.memory_space<vmem>>, vector<1x512x64xf32>
    %get3A_20 = vector.shape_cast %get3A_19 : vector<1x512x64xf32> to vector<512x64xf32>
    %concatenate3A = tpu.concatenate %get3A_15, %get3A_20 in 1 : vector<512x64xf32>, vector<512x64xf32> -> vector<512x128xf32>
    %mul3A = vector.broadcast %rsqrt3A : vector<512x1xf32> to vector<512x128xf32>
    %mul3A_21 = arith.mulf %concatenate3A, %mul3A : vector<512x128xf32>
    %get3A_22 = arith.constant 0 : index
    %get3A_23 = arith.constant 0 : index
    %get3A_24 = vector.load %arg3[%get3A_22, %get3A_23] : memref<1x128xf32, #tpu.memory_space<vmem>>, vector<1x128xf32>
    %add3A_25 = vector.broadcast %get3A_24 : vector<1x128xf32> to vector<512x128xf32>
    %add3A_26 = arith.addf %mul3A_21, %add3A_25 : vector<512x128xf32>
    %swap3A = arith.constant 0 : index
    %swap3A_27 = arith.constant 0 : index
    %swap3A_28 = vector.load %arg4[%swap3A, %swap3A_27] : memref<512x128xf32, #tpu.memory_space<vmem>>, vector<512x128xf32>
    tpu.vector_store %arg4[%swap3A, %swap3A_27], %add3A_26 {strides = array<i32>} : memref<512x128xf32, #tpu.memory_space<vmem>>, vector<512x128xf32>,
    return
  }
  func.func @transform_0(%arg0: i32) -> (i32, i32, i32) {
    %c0_i32 = arith.constant 0 : i32
    %c0_i32_0 = arith.constant 0 : i32
    %c0_i32_1 = arith.constant 0 : i32
    return %c0_i32, %arg0, %c0_i32_0 : i32, i32, i32
  }
  func.func @transform_1(%arg0: i32) -> (i32, i32, i32) {
    %c0_i32 = arith.constant 0 : i32
    %c0_i32_0 = arith.constant 0 : i32
    %c0_i32_1 = arith.constant 0 : i32
    return %c0_i32, %arg0, %c0_i32_0 : i32, i32, i32
  }
  func.func @transform_2(%arg0: i32) -> (i32, i32) {
    %c0_i32 = arith.constant 0 : i32
    %c0_i32_0 = arith.constant 0 : i32
    %c0_i32_1 = arith.constant 0 : i32
    return %c0_i32, %c0_i32_0 : i32, i32
  }
  func.func @transform_3(%arg0: i32) -> (i32, i32) {
    %c0_i32 = arith.constant 0 : i32
    %c0_i32_0 = arith.constant 0 : i32
    return %arg0, %c0_i32 : i32, i32
  }
}

</mosaic_0001>

<sc_bundles>
// kernel: kernel.6.cloned.1.call-start
scs
__scs_entry_jumppad:
0x0: {  	(pc) =	sbr.rel $0x88, $3  }
0x1: {  	(tag) =	ssettag $0x0;
	lr =	simm.s32 $0x1  }
0x2: {  	[smem:$0x3F9D] =	sst lr;
	_ =	strace $0xD0000000  }
0x3: {  	_ = 	snop  }
0x4: {  	_ = 	snop  }
0x5: {  	_ = 	snop  }
0x6: {  	_ = 	snop  }
0x7: {  	_ = 	snop  }
__scs_overlays_trampoline_lowered:
0x8: {  	[smem:$0x3FAC] =	sst s0  }
0x9: {  	[smem:$0x3FAD] =	sst s1  }
0xa: {  	[smem:$0x3FAE] =	sst s2  }
0xb: {  	[smem:$0x3FAF] =	sst s3  }
0xc: {  	[smem:$0x3FB0] =	sst s4  }
0xd: {  	[smem:$0x3FB1] =	sst s5  }
0xe: {  	[smem:$0x3FB2] =	sst s6  }
0xf: {  	[smem:$0x3FB3] =	sst s7  }
0x10: {  	[smem:$0x3FB4] =	sst s8  }
0x11: {  	[smem:$0x3FB5] =	sst s9;
	s0 =	simm.s32 @!p0 $0x0  }
0x12: {  	s1 =	sld [smem:$0x3F9B];
	s0 =	simm.s32 @p0 $0x1  }
0x13: {  	[smem:$0x3FB6] =	sst s0;
	s0 =	simm.s32 @!p1 $0x0  }
0x14: {  	s2 =	sld [smem:$0x3F9A];
	s0 =	simm.s32 @p1 $0x1  }
0x15: {  	[smem:$0x3FB7] =	sst s0;
	s0 =	simm.s32 @!p2 $0x0  }
0x16: {  	s3 =	sld [smem:$0x3FDB];
	s0 =	simm.s32 @p2 $0x1  }
0x17: {  	s4 =	simm.s32 $0x1BF5;
	[smem:$0x3FB9] =	sst s0  }
0x18: {  	s0 =	sld [smem:$0x3F9C];
	_ =	swait.ge [sflag:s4], $0x0  }
0x19: {  	s7 =	sld [smem:$0x3F9D]  }
0x1a: {  	s8 =	sadd.s32 $0xFFFFE003, lr  }
0x1b: {  	s9 =	sadd.s32 $0xFFFFFEF7, lr;
	s5 =	simm.s32 $0xFFFFFFFF;
	p2 =	slt.u32 s8, $0xFFFFF086  }
0x1c: {  	p1 =	slt.u32 s9, $0xF7A;
	s5 =	simm.s32 @!p2 $0x0  }
0x1d: {  	s5 =	simm.s32 @p1 $0x1;
	p0 =	seq.s32 s7, s2  }
0x1e: {  	s7 =	smul.u32 @!p0 $0xF7A, s2;
	p2 =	seq.s32 @!p0 s5, $0x0  }
0x1f: {  	s9 =	smul.u32 $0xF7A, s1;
	s8 =	simm.s32 @!p0 $0x1BF5;
	p2 =	por !p2, p0  }
0x20: {  	[sflag:s8] =	ssyncset.s32 @!p0 $0xFFFFF086;
	s6 =	sadd.s32 @!p0 s3, s7;
	s7 =	simm.s32 @!p0 $0x108  }
0x21: {  	s3 =	sadd.s32 s3, s9;
	s6 =	sadd.s32 @!p0 $0x88, s6;
	s7 =	simm.s32 @p2 $0x1082  }
0x22: {  	[simem:s7], [sflag:s8] =	dma.local @!p0 [hbm:s6], $0xF7A  }
0x23: {  	s9 =	sor.u32 $0xD0000000, s2;
	s6 =	simm.s32 $0x108;
	_ =	swait.ge @!p0 [sflag:s8], $0x0  }
0x24: {  	s3 =	sadd.s32 $0x88, s3;
	s6 =	simm.s32 @!p1 $0x1082;
	[sflag:s4] =	ssyncset.s32 $0xFFFFF086  }
0x25: {  	[simem:s6], [sflag:s4] =	dma.local [hbm:s3], $0xF7A  }
0x26: {  	[smem:$0x3F9D] =	sst s1;
	(tag) =	ssettag s2;
	_ =	strace s9  }
0x27: {  	s1 =	sld [smem:$0x3FAD]  }
0x28: {  	s2 =	sld [smem:$0x3FAE]  }
0x29: {  	s4 =	sld [smem:$0x3FB0]  }
0x2a: {  	p0 =	seq.s32 s5, $0x0;
	s5 =	sld [smem:$0x3FB1]  }
0x2b: {  	s6 =	sld [smem:$0x3FB2]  }
0x2c: {  	s7 =	sld [smem:$0x3FB3]  }
0x2d: {  	s3 =	simm.s32 $0x108;
	s8 =	sld [smem:$0x3FB4]  }
0x2e: {  	s3 =	simm.s32 @!p0 $0x1082;
	s9 =	sld [smem:$0x3FB5]  }
0x2f: {  	lr =	sadd.s32 s0, s3;
	s0 =	sld [smem:$0x3FAC]  }
0x30: {  	s3 =	sld [smem:$0x3FAF]  }
0x31: {  	[smem:$0x3FB8] =	sst s10  }
0x32: {  	s10 =	sld [smem:$0x3FB6];
	_ =	sdelay $0x3  }
0x33: {  	p0 =	seq.s32 s10, $0x1;
	s10 =	sld [smem:$0x3FB8];
	_ =	sdelay $0x3  }
0x34: {  	[smem:$0x3FB8] =	sst s10  }
0x35: {  	s10 =	sld [smem:$0x3FB7];
	_ =	sdelay $0x3  }
0x36: {  	p1 =	seq.s32 s10, $0x1;
	s10 =	sld [smem:$0x3FB8];
	_ =	sdelay $0x3  }
0x37: {  	[smem:$0x3FB8] =	sst s10  }
0x38: {  	s10 =	sld [smem:$0x3FB9]  }
0x39: {  	_ = 	snop;
	(pc) =	sbr.ind lr, $3  }
0x3a: {  	_ = 	snop  }
0x3b: {  	_ = 	snop  }
0x3c: {  	p2 =	seq.s32 s10, $0x1;
	s10 =	sld [smem:$0x3FB8]  }
0x3d: {  	_ =	shalt  }
0x3e: {  	_ =	shalt  }
0x3f: {  	_ =	shalt  }
0x40: {  	_ =	shalt  }
0x41: {  	_ =	shalt  }
0x42: {  	_ =	shalt  }
0x43: {  	_ =	shalt  }
0x44: {  	_ =	shalt  }
0x45: {  	_ =	shalt  }
0x46: {  	_ =	shalt  }
0x47: {  	_ =	shalt  }
0x48: {  	_ =	shalt  }
0x49: {  	_ =	shalt  }
0x4a: {  	_ =	shalt  }
0x4b: {  	_ =	shalt  }
0x4c: {  	_ =	shalt  }
0x4d: {  	_ =	shalt  }
0x4e: {  	_ =	shalt  }
0x4f: {  	_ =	shalt  }
0x50: {  	_ =	shalt  }
0x51: {  	_ =	shalt  }
0x52: {  	_ =	shalt  }
0x53: {  	_ =	shalt  }
0x54: {  	_ =	shalt  }
0x55: {  	_ =	shalt  }
0x56: {  	_ =	shalt  }
0x57: {  	_ =	shalt  }
0x58: {  	_ =	shalt  }
0x59: {  	_ =	shalt  }
0x5a: {  	_ =	shalt  }
0x5b: {  	_ =	shalt  }
0x5c: {  	_ =	shalt  }
0x5d: {  	_ =	shalt  }
0x5e: {  	_ =	shalt  }
0x5f: {  	_ =	shalt  }
0x60: {  	_ =	shalt  }
0x61: {  	_ =	shalt  }
0x62: {  	_ =	shalt  }
0x63: {  	_ =	shalt  }
0x64: {  	_ =	shalt  }
0x65: {  	_ =	shalt  }
0x66: {  	_ =	shalt  }
0x67: {  	_ =	shalt  }
0x68: {  	_ =	shalt  }
0x69: {  	_ =	shalt  }
0x6a: {  	_ =	shalt  }
0x6b: {  	_ =	shalt  }
0x6c: {  	_ =	shalt  }
0x6d: {  	_ =	shalt  }
0x6e: {  	_ =	shalt  }
0x6f: {  	_ =	shalt  }
0x70: {  	_ =	shalt  }
0x71: {  	_ =	shalt  }
0x72: {  	_ =	shalt  }
0x73: {  	_ =	shalt  }
0x74: {  	_ =	shalt  }
0x75: {  	_ =	shalt  }
0x76: {  	_ =	shalt  }
0x77: {  	_ =	shalt  }
0x78: {  	_ =	shalt  }
0x79: {  	_ =	shalt  }
0x7a: {  	_ =	shalt  }
0x7b: {  	_ =	shalt  }
0x7c: {  	_ =	shalt  }
0x7d: {  	_ =	shalt  }
0x7e: {  	_ =	shalt  }
0x7f: {  	_ =	shalt  }
0x80: {  	_ =	shalt  }
0x81: {  	_ =	shalt  }
0x82: {  	_ =	shalt  }
0x83: {  	_ =	shalt  }
0x84: {  	_ =	shalt  }
0x85: {  	_ =	shalt  }
0x86: {  	_ =	shalt  }
0x87: {  	_ =	shalt  }
.Lfunc_end0:
.L_simem_size_0:
called_computation_lowered:
.L_overlay_start_0:
0x88: {  	s2 =	sld [smem:$0x3FD9]  }
0x89: {  	s3 =	sld [smem:$0x3FFE];
	_ =	sdelay $0x1  }
0x8a: {  	s1 =	srdreg.scid  }
0x8b: {  	s0 =	sand.u32 $0x1, s1  }
0x8c: {  	s17 =	sshll.u32 s0, $0xA;
	s2 =	sadd.s32 s3, s2  }
0x8d: {  	s2 =	sadd.s32 s2, s17  }
0x8e: {  	[smem:$0x3FC4] =	sst s2  }
0x8f: {  	_ = 	snop  }
0x90: {  	s2 =	sld [smem:$0x3FD0];
	(tm) =	ssettm $0x1  }
0x91: {  	s18 =	sld [smem:$0x3FFB];
	_ =	sdelay $0x3  }
0x92: {  	_ =	strace s18  }
0x93: {  	s3 =	sld [smem:$0x3FFC];
	_ =	sdelay $0x3  }
0x94: {  	_ =	strace s3  }
0x95: {  	s3 =	sld [smem:$0x3FFD];
	_ =	sdelay $0x3  }
0x96: {  	_ =	strace s3  }
0x97: {  	_ =	strace $0x8FFFFFFF  }
0x98: {  	s19 =	sld [smem:$0x3FDB];
	_ =	sdelay $0x1  }
0x99: {  	s4 =	simm.s32 $_scs_section_size  }
0x9a: {  	s5 =	simm.s32 $_size__tile_overlayer_lowered;
	s6 =	simm.s32 $_tile_overlayer_lowered  }
0x9b: {  	s22 =	simm.s32 $0x1BFF;
	s21 =	sshll.u32 s6, $0x1;
	s3 =	sadd.s32 s4, s19  }
0x9c: {  	s7 =	simm.s32 $0x0;
	s20 =	sshll.u32 s5, $0x1;
	s5 =	sadd.s32 s21, s3  }
0x9d: {  	[timem:s7], [sflag:s22] =	dma.local [hbm:s5], s20  }
0x9e: {  	_ =	swait.ge [sflag:s22], s20  }
0x9f: {  	s4 =	ssub.s32 $0x0, s20;
	[sflag:s22] =	ssyncset.done $0x0  }
0xa0: {  	[sflag:s22] =	ssyncadd.s32 s4;
	_ =	sdelay $0x1  }
0xa1: {  	s23 =	simm.s32 $0x1B8B  }
0xa2: {  	_ =	swait.ge [sflag:s23], $0x1  }
0xa3: {  	[sflag:s23] =	ssyncset.done $0x0  }
0xa4: {  	s25 =	simm.s32 $0x1B8E;
	s24 =	sld [smem:$0x3FFE];
	[sflag:s23] =	ssyncadd.s32 $0xFFFFFFFF  }
0xa5: {  	s26 =	simm.s32 $execute0_lowered;
	[smem:$0x3FD2] =	sst s25  }
0xa6: {  	s5 =	sshll.u32 s26, $0x1;
	_ =	strace $0x80000046;
	[dreg:$0x1] =	wrdreg $0xFFFFFFFF  }
0xa7: {  	s28 =	simm.s32 $_size_execute0_lowered;
	s3 =	sadd.s32 s3, s5;
	[dreg:$0x0] =	wrdreg $0x0  }
0xa8: {  	s5 =	sshll.u32 s28, $0x1;
	[dreg:$0x2] =	wrdreg s3  }
0xa9: {  	[dreg:$0x3] =	wrdreg s5  }
0xaa: {  	[dreg:$0x4] =	wrdreg $0xC0  }
0xab: {  	_ =	task [dreg:s7], $0x5FFFF  }
0xac: {  	[dreg:$0x1] =	wrdreg $0xFFFFFFFF  }
0xad: {  	[dreg:$0x0] =	wrdreg $0x60  }
0xae: {  	[dreg:$0x2] =	wrdreg s2  }
0xaf: {  	[dreg:$0x3] =	wrdreg s24  }
0xb0: {  	[dreg:$0x4] =	wrdreg $0x2B000  }
0xb1: {  	[dreg:$0x5] =	wrdreg $0x9  }
0xb2: {  	_ =	task.clear_ibuf [dreg:s7], $0x6FFFF;
	_ =	strace $0x90000046  }
0xb3: {  	s29 =	simm.s32 $0x9;
	_ =	strace $0x80000048  }
0xb4: {  	_ =	swait.ge [sflag:s29], $0x1  }
0xb5: {  	[sflag:s29] =	ssyncadd.s32 $0xFFFFFFFF  }
0xb6: {  	_ =	strace $0x90000048  }
0xb7: {  	_ =	sfence  }
0xb8: {  	s30 =	sld [smem:$0x0];
	_ =	sdelay $0x2  }
0xb9: {  	s31 =	sshll.u32 s1, $0xD;
	s1 =	sshrl.u32 s1, $0x2  }
0xba: {  	s3 =	sand.u32 $0x4000, s31;
	s1 =	sadd.s32 s1, s30  }
0xbb: {  	s0 =	sor.u32 s3, s0;
	s1 =	sshll.u32 s1, $0x11  }
0xbc: {  	s0 =	sor.u32 s1, s0  }
0xbd: {  	s0 =	sadd.s32 $0x8F2B, s0  }
0xbe: {  	[sflag:s0] =	ssyncadd.remote.s32 $0x1  }
0xbf: {  	_ =	sfence.sel $0xFFFF  }
0xc0: {  	[dreg:$0x0] =	wrdreg $0xFFFFFFFF;
	(pc) =	sbr.abs _section_cstart, $3  }
0xc1: {  	[dreg:$0x1] =	wrdreg $0xFFFFFFFF  }
0xc2: {  	_ =	task.clear_ibuf [dreg:s7], $0x2FFFF;
	_ =	strace $0x9FFFFFFF  }
0xc3: {  	(tm) =	ssettm $0x7FFFFFFF  }
tec
execute0_lowered:
.L_overlay_start_1:
0x0: {  	(tag) =	ssettag $0x1  }
0x1: {  	s6 =	rddreg [dreg:$0x0]  }
0x2: {  	s7 =	rddreg [dreg:$0x1]  }
0x3: {  	s1 =	rddreg [dreg:$0x2];
	s3 =	simm.s32 $0x0;
	s5 =	srdreg.scid  }
0x4: {  	s2 =	stileid.u32;
	s13 =	simm.s32 $0x80;
	s14 =	simm.s32 $0x100  }
0x5: {  	s15 =	simm.s32 $0x180;
	s16 =	simm.s32 $0x200;
	s17 =	simm.s32 $0x280  }
0x6: {  	s18 =	simm.s32 $0x300;
	s19 =	simm.s32 $0x380;
	s20 =	simm.s32 $0x1  }
0x7: {  	s21 =	simm.s32 $0x2;
	s22 =	simm.s32 $0x3;
	s23 =	simm.s32 $0x4  }
0x8: {  	s24 =	simm.s32 $0x5;
	s25 =	simm.s32 $0x6;
	s28 =	simm.s32 $0x8  }
0x9: {  	s29 =	simm.s32 $0x0;
	[smem:$0x7FF] =	sst s3;
	s4 =	sadd.s32 $0xB200, s7  }
0xa: {  	s8 =	sand.u32 $0x1, s5;
	s9 =	smul.u32 $0x500, s2;
	s5 =	sadd.s32 $0xB000, s7  }
0xb: {  	s30 =	smul.u32 $0xA00, s2;
	_ =	strace $0x80000047;
	s10 =	sshll.u32 s8, $0x7  }
0xc: {  	s11 =	sshll.u32 s8, $0x4;
	s8 =	ssub.s32 $0x2, s8;
	s9 =	sor.u32 s10, s9  }
0xd: {  	s26 =	sor.u32 s2, s11;
	s31 =	sshrl.u32 s8, $0x1;
	s11 =	sshrl.u32 s30, $0x2  }
0xe: {  	s9 =	sshrl.u32 s9, $0x3;
	s10 =	smul.u32 $0x500, s26;
	s12 =	ssub.s32 s8, s31  }
0xf: {  	s26 =	simm.s32 $0x7;
	s9 =	sadd.s32 s9, s7;
	s7 =	sadd.s32 s11, s1  }
0x10: {  	s11 =	simm.s32 $0x2800;
	s6 =	sadd.s32 s6, s10;
	s8 =	sadd.s32 $0xB400, s9  }
0x11: {  	s9 =	smax.u32 s12, $0x1;
	s10 =	simm.s32 $0x9;
	s12 =	simm.s32 $0x2880  }
.LBB2_1:
0x12: {  	[tilespmem:s3], [sflag:$0x9] =	stream.linear.gather [hbm4b:s6+s3], $0x2800, $0x38;
	[tilespmem:$0x2D80] =	vst v63  }
0x13: {  	_ =	swait.ge [sflag:s10], $0x2800  }
0x14: {  	[sflag:s10] =	ssyncset.done $0x0  }
0x15: {  	[sflag:s10] =	ssyncadd.s32 $0xFFFFD800  }
0x16: {  	[tilespmem:s11], [sflag:$0x9] =	stream.linear.gather [hbm4b:s4+s3], $0x80, $0x38;
	[tilespmem:$0x2D80] =	vst v63  }
0x17: {  	_ =	swait.ge [sflag:s10], $0x80  }
0x18: {  	[sflag:s10] =	ssyncset.done $0x0  }
0x19: {  	[sflag:s10] =	ssyncadd.s32 $0xFFFFFF80  }
0x1a: {  	[tilespmem:s12], [sflag:$0x9] =	stream.linear.gather [hbm4b:s5+s3], $0x280, $0x38;
	[tilespmem:$0x2D80] =	vst v63  }
0x1b: {  	_ =	swait.ge [sflag:s10], $0x280  }
0x1c: {  	[sflag:s10] =	ssyncset.done $0x0  }
0x1d: {  	[sflag:s10] =	ssyncadd.s32 $0xFFFFFD80  }
0x1e: {  	[spmem:s7] =	stream.linear.scatter [tilespmem:s12], [sflag:$0x9], $0x280, $0x38;
	[tilespmem:$0x2D80] =	vst v63  }
0x1f: {  	_ =	swait.ge [sflag:s10], $0x280  }
0x20: {  	[sflag:s10] =	ssyncset.done $0x0  }
0x21: {  	[sflag:s10] =	ssyncadd.s32 $0xFFFFFD80  }
0x22: {  	[bflag:$0x0] =	sbarrier.arrive $0xFFFF  }
0x23: {  	[spmem:s1] =	stream.indirect.scatter.add.f32 [tilespmem:s11], [sflag:$0x1], $0x1, s3, s13, $0xb8;
	[tilespmem:$0x2D80] =	vst v63  }
0x24: {  	_ = 	snop  }
0x25: {  	[spmem:s1] =	stream.indirect.scatter.add.f32 [tilespmem:s11], [sflag:$0x2], $0x1, s13, s13, $0xb8;
	[tilespmem:$0x2D80] =	vst v63  }
0x26: {  	_ = 	snop  }
0x27: {  	[spmem:s1] =	stream.indirect.scatter.add.f32 [tilespmem:s11], [sflag:$0x3], $0x1, s14, s13, $0xb8;
	[tilespmem:$0x2D80] =	vst v63  }
0x28: {  	_ = 	snop  }
0x29: {  	[spmem:s1] =	stream.indirect.scatter.add.f32 [tilespmem:s11], [sflag:$0x4], $0x1, s15, s13, $0xb8;
	[tilespmem:$0x2D80] =	vst v63  }
0x2a: {  	_ = 	snop  }
0x2b: {  	[spmem:s1] =	stream.indirect.scatter.add.f32 [tilespmem:s11], [sflag:$0x5], $0x1, s16, s13, $0xb8;
	[tilespmem:$0x2D80] =	vst v63  }
0x2c: {  	_ = 	snop  }
0x2d: {  	[spmem:s1] =	stream.indirect.scatter.add.f32 [tilespmem:s11], [sflag:$0x6], $0x1, s17, s13, $0xb8;
	[tilespmem:$0x2D80] =	vst v63  }
0x2e: {  	_ = 	snop  }
0x2f: {  	[spmem:s1] =	stream.indirect.scatter.add.f32 [tilespmem:s11], [sflag:$0x7], $0x1, s18, s13, $0xb8;
	[tilespmem:$0x2D80] =	vst v63  }
0x30: {  	_ = 	snop  }
0x31: {  	[spmem:s1] =	stream.indirect.scatter.add.f32 [tilespmem:s11], [sflag:$0x8], $0x1, s19, s13, $0xb8;
	[tilespmem:$0x2D80] =	vst v63  }
0x32: {  	_ =	swait.ge [sflag:s20], $0x80  }
0x33: {  	[sflag:s20] =	ssyncset.done $0x0  }
0x34: {  	s30 =	simm.s32 $0x400;
	[sflag:s20] =	ssyncadd.s32 $0xFFFFFF80  }
0x35: {  	[spmem:s1] =	stream.indirect.scatter.add.f32 [tilespmem:s11], [sflag:$0x1], $0x1, s30, s13, $0xb8;
	[tilespmem:$0x2D80] =	vst v63  }
0x36: {  	_ =	swait.ge [sflag:s21], $0x80  }
0x37: {  	[sflag:s21] =	ssyncset.done $0x0  }
0x38: {  	s30 =	simm.s32 $0x480;
	[sflag:s21] =	ssyncadd.s32 $0xFFFFFF80  }
0x39: {  	[spmem:s1] =	stream.indirect.scatter.add.f32 [tilespmem:s11], [sflag:$0x2], $0x1, s30, s13, $0xb8;
	[tilespmem:$0x2D80] =	vst v63  }
0x3a: {  	_ =	swait.ge [sflag:s22], $0x80  }
0x3b: {  	[sflag:s22] =	ssyncset.done $0x0  }
0x3c: {  	s30 =	simm.s32 $0x500;
	[sflag:s22] =	ssyncadd.s32 $0xFFFFFF80  }
0x3d: {  	[spmem:s1] =	stream.indirect.scatter.add.f32 [tilespmem:s11], [sflag:$0x3], $0x1, s30, s13, $0xb8;
	[tilespmem:$0x2D80] =	vst v63  }
0x3e: {  	_ =	swait.ge [sflag:s23], $0x80  }
0x3f: {  	[sflag:s23] =	ssyncset.done $0x0  }
0x40: {  	s30 =	simm.s32 $0x580;
	[sflag:s23] =	ssyncadd.s32 $0xFFFFFF80  }
0x41: {  	[spmem:s1] =	stream.indirect.scatter.add.f32 [tilespmem:s11], [sflag:$0x4], $0x1, s30, s13, $0xb8;
	[tilespmem:$0x2D80] =	vst v63  }
0x42: {  	_ =	swait.ge [sflag:s24], $0x80  }
0x43: {  	[sflag:s24] =	ssyncset.done $0x0  }
0x44: {  	s30 =	simm.s32 $0x600;
	[sflag:s24] =	ssyncadd.s32 $0xFFFFFF80  }
0x45: {  	[spmem:s1] =	stream.indirect.scatter.add.f32 [tilespmem:s11], [sflag:$0x5], $0x1, s30, s13, $0xb8;
	[tilespmem:$0x2D80] =	vst v63  }
0x46: {  	_ =	swait.ge [sflag:s25], $0x80  }
0x47: {  	[sflag:s25] =	ssyncset.done $0x0  }
0x48: {  	s30 =	simm.s32 $0x680;
	[sflag:s25] =	ssyncadd.s32 $0xFFFFFF80  }
0x49: {  	[spmem:s1] =	stream.indirect.scatter.add.f32 [tilespmem:s11], [sflag:$0x6], $0x1, s30, s13, $0xb8;
	[tilespmem:$0x2D80] =	vst v63  }
0x4a: {  	_ =	swait.ge [sflag:s26], $0x80  }
0x4b: {  	[sflag:s26] =	ssyncset.done $0x0  }
0x4c: {  	s30 =	simm.s32 $0x700;
	[sflag:s26] =	ssyncadd.s32 $0xFFFFFF80  }
0x4d: {  	[spmem:s1] =	stream.indirect.scatter.add.f32 [tilespmem:s11], [sflag:$0x7], $0x1, s30, s13, $0xb8;
	[tilespmem:$0x2D80] =	vst v63  }
0x4e: {  	_ =	swait.ge [sflag:s28], $0x80  }
0x4f: {  	[sflag:s28] =	ssyncset.done $0x0  }
0x50: {  	s31 =	simm.s32 $0x780;
	s30 =	simm.s32 $0x1000;
	[sflag:s28] =	ssyncadd.s32 $0xFFFFFF80  }
.LBB2_2:
0x51: {  	[spmem:s1] =	stream.indirect.scatter.add.f32 [tilespmem:s11], [sflag:$0x8], $0x1, s31, s13, $0xb8;
	[tilespmem:$0x2D80] =	vst v63  }
0x52: {  	s31 =	smov.u32 s30  }
0x53: {  	p0 =	sne.s32 s30, $0x8000;
	s30 =	sadd.s32 $0x1000, s30;
	_ =	swait.ge [sflag:s20], $0x80  }
0x54: {  	s31 =	sshra.s32 s31, $0x2;
	[sflag:s20] =	ssyncset.done $0x0  }
0x55: {  	s0 =	sadd.s32 $0x400, s31;
	[sflag:s20] =	ssyncadd.s32 $0xFFFFFF80  }
0x56: {  	[spmem:s1] =	stream.indirect.scatter.add.f32 [tilespmem:s11], [sflag:$0x1], $0x1, s0, s13, $0xb8;
	[tilespmem:$0x2D80] =	vst v63  }
0x57: {  	_ =	swait.ge [sflag:s21], $0x80  }
0x58: {  	[sflag:s21] =	ssyncset.done $0x0  }
0x59: {  	s0 =	sadd.s32 $0x480, s31;
	[sflag:s21] =	ssyncadd.s32 $0xFFFFFF80  }
0x5a: {  	[spmem:s1] =	stream.indirect.scatter.add.f32 [tilespmem:s11], [sflag:$0x2], $0x1, s0, s13, $0xb8;
	[tilespmem:$0x2D80] =	vst v63  }
0x5b: {  	_ =	swait.ge [sflag:s22], $0x80  }
0x5c: {  	[sflag:s22] =	ssyncset.done $0x0  }
0x5d: {  	s0 =	sadd.s32 $0x500, s31;
	[sflag:s22] =	ssyncadd.s32 $0xFFFFFF80  }
0x5e: {  	[spmem:s1] =	stream.indirect.scatter.add.f32 [tilespmem:s11], [sflag:$0x3], $0x1, s0, s13, $0xb8;
	[tilespmem:$0x2D80] =	vst v63  }
0x5f: {  	_ =	swait.ge [sflag:s23], $0x80  }
0x60: {  	[sflag:s23] =	ssyncset.done $0x0  }
0x61: {  	s0 =	sadd.s32 $0x580, s31;
	[sflag:s23] =	ssyncadd.s32 $0xFFFFFF80  }
0x62: {  	[spmem:s1] =	stream.indirect.scatter.add.f32 [tilespmem:s11], [sflag:$0x4], $0x1, s0, s13, $0xb8;
	[tilespmem:$0x2D80] =	vst v63  }
0x63: {  	_ =	swait.ge [sflag:s24], $0x80  }
0x64: {  	[sflag:s24] =	ssyncset.done $0x0  }
0x65: {  	s0 =	sadd.s32 $0x600, s31;
	[sflag:s24] =	ssyncadd.s32 $0xFFFFFF80  }
0x66: {  	[spmem:s1] =	stream.indirect.scatter.add.f32 [tilespmem:s11], [sflag:$0x5], $0x1, s0, s13, $0xb8;
	[tilespmem:$0x2D80] =	vst v63  }
0x67: {  	_ =	swait.ge [sflag:s25], $0x80  }
0x68: {  	[sflag:s25] =	ssyncset.done $0x0  }
0x69: {  	s0 =	sadd.s32 $0x680, s31;
	[sflag:s25] =	ssyncadd.s32 $0xFFFFFF80  }
0x6a: {  	[spmem:s1] =	stream.indirect.scatter.add.f32 [tilespmem:s11], [sflag:$0x6], $0x1, s0, s13, $0xb8;
	[tilespmem:$0x2D80] =	vst v63  }
0x6b: {  	_ =	swait.ge [sflag:s26], $0x80  }
0x6c: {  	[sflag:s26] =	ssyncset.done $0x0  }
.Ltmp0:
0x6d: {  	s0 =	sadd.s32 $0x700, s31;
	[sflag:s26] =	ssyncadd.s32 $0xFFFFFF80;
	(pc) =	sbr.rel @p0 .LBB2_2-.Ltmp0, $4  }
0x6e: {  	[spmem:s1] =	stream.indirect.scatter.add.f32 [tilespmem:s11], [sflag:$0x7], $0x1, s0, s13, $0xb8;
	[tilespmem:$0x2D80] =	vst v63  }
0x6f: {  	_ =	swait.ge [sflag:s28], $0x80  }
0x70: {  	[sflag:s28] =	ssyncset.done $0x0  }
0x71: {  	s31 =	sadd.s32 $0x780, s31;
	[sflag:s28] =	ssyncadd.s32 $0xFFFFFF80  }
0x72: {  	[spmem:s1] =	stream.indirect.scatter.add.f32 [tilespmem:s11], [sflag:$0x8], $0x1, s31, s13, $0xb8;
	[tilespmem:$0x2D80] =	vst v63  }
0x73: {  	_ =	swait.ge [sflag:s20], $0x80  }
0x74: {  	[sflag:s20] =	ssyncset.done $0x0  }
0x75: {  	[sflag:s20] =	ssyncadd.s32 $0xFFFFFF80  }
0x76: {  	_ =	swait.ge [sflag:s21], $0x80  }
0x77: {  	[sflag:s21] =	ssyncset.done $0x0  }
0x78: {  	[sflag:s21] =	ssyncadd.s32 $0xFFFFFF80  }
0x79: {  	_ =	swait.ge [sflag:s22], $0x80  }
0x7a: {  	[sflag:s22] =	ssyncset.done $0x0  }
0x7b: {  	[sflag:s22] =	ssyncadd.s32 $0xFFFFFF80  }
0x7c: {  	_ =	swait.ge [sflag:s23], $0x80  }
0x7d: {  	[sflag:s23] =	ssyncset.done $0x0  }
0x7e: {  	[sflag:s23] =	ssyncadd.s32 $0xFFFFFF80  }
0x7f: {  	_ =	swait.ge [sflag:s24], $0x80  }
0x80: {  	[sflag:s24] =	ssyncset.done $0x0  }
0x81: {  	[sflag:s24] =	ssyncadd.s32 $0xFFFFFF80  }
0x82: {  	_ =	swait.ge [sflag:s25], $0x80  }
0x83: {  	[sflag:s25] =	ssyncset.done $0x0  }
0x84: {  	[sflag:s25] =	ssyncadd.s32 $0xFFFFFF80  }
0x85: {  	_ =	swait.ge [sflag:s26], $0x80  }
0x86: {  	[sflag:s26] =	ssyncset.done $0x0  }
0x87: {  	[sflag:s26] =	ssyncadd.s32 $0xFFFFFF80  }
0x88: {  	_ =	swait.ge [sflag:s28], $0x80  }
0x89: {  	[sflag:s28] =	ssyncset.done $0x0  }
0x8a: {  	[sflag:s28] =	ssyncadd.s32 $0xFFFFFF80  }
0x8b: {  	[bflag:$0x0] =	sbarrier.arrive $0xFFFF  }
0x8c: {  	[tilespmem:s12], [sflag:$0x9] =	stream.linear.gather [spmem:s7], $0x280, $0x38;
	[tilespmem:$0x2D80] =	vst v63  }
0x8d: {  	s29 =	sadd.s32 $0x1, s29;
	_ =	swait.ge [sflag:s10], $0x280  }
0x8e: {  	p0 =	sne.s32 s29, s9;
	[sflag:s10] =	ssyncset.done $0x0  }
.Ltmp1:
0x8f: {  	[sflag:s10] =	ssyncadd.s32 $0xFFFFFD80;
	(pc) =	sbr.rel @p0 .LBB2_1-.Ltmp1, $4  }
0x90: {  	[hbm4b:s8+s13] =	stream.strided.scatter [tilespmem:s12], [sflag:$0x9], $0x280, s14, s13, $0x38;
	[tilespmem:$0x2D80] =	vst v63  }
0x91: {  	_ =	swait.ge [sflag:s10], $0x280  }
0x92: {  	[sflag:s10] =	ssyncset.done $0x0  }
0x93: {  	[sflag:s10] =	ssyncadd.s32 $0xFFFFFD80  }
0x94: {  	_ =	sfence.sel $0x180000  }
0x95: {  	[bflag:$0x0] =	sbarrier.arrive $0xFFFF  }
0x96: {  	_ =	strace $0x90000047  }
0x97: {  	[bflag:$0x2] =	sbarrier.arrive $0xFFFF  }
0x98: {  	p0 =	sne.s32 s2, $0x0;
	s0 =	rddreg [dreg:$0x3]  }
0x99: {  	s0 =	sadd.s32 @!p0 $0x100000, s0  }
0x9a: {  	[sflag:s0] =	ssyncadd.tile.s32 @!p0 $0x1;
	_ =	shalt  }
.Lfunc_end2:
_tile_overlayer_lowered:
.L_overlay_start_2:
0x9b: {  	(tag) =	ssettag $0x2  }
0x9c: {  	s0 =	rddreg [dreg:$0x0];
	s2 =	stileid.u32  }
0x9d: {  	s1 =	rddreg [dreg:$0x1];
	p0 =	sne.s32 s2, $0x0  }
0x9e: {  	s3 =	rddreg [dreg:$0x2];
	[bflag:$0x3] =	sbarrier.arrive $0xFFFF;
	s2 =	simm.s32 @!p0 $0x1C09  }
0x9f: {  	[timem:s3], [sflag:s2] =	dma.local @!p0 [hbm:s0], s1  }
0xa0: {  	s0 =	simm.s32 @!p0 $0x9  }
0xa1: {  	_ =	swait.ge @!p0 [sflag:s0], s1  }
0xa2: {  	s1 =	ssub.s32 @!p0 $0x0, s1;
	[sflag:s0] =	ssyncset.done @!p0 $0x0  }
0xa3: {  	[sflag:s0] =	ssyncadd.s32 @!p0 s1  }
0xa4: {  	[bflag:$0x3] =	sbarrier.arrive $0xFFFF  }
0xa5: {  	_ =	shalt  }

// kernel: kernel.9.cloned.1.call-start
scs
__scs_entry_jumppad:
0x0: {  	(pc) =	sbr.rel $0x88, $3  }
0x1: {  	(tag) =	ssettag $0x0;
	lr =	simm.s32 $0x1  }
0x2: {  	[smem:$0x3F9D] =	sst lr;
	_ =	strace $0xD0000000  }
0x3: {  	_ = 	snop  }
0x4: {  	_ = 	snop  }
0x5: {  	_ = 	snop  }
0x6: {  	_ = 	snop  }
0x7: {  	_ = 	snop  }
__scs_overlays_trampoline_lowered:
0x8: {  	[smem:$0x3FAC] =	sst s0  }
0x9: {  	[smem:$0x3FAD] =	sst s1  }
0xa: {  	[smem:$0x3FAE] =	sst s2  }
0xb: {  	[smem:$0x3FAF] =	sst s3  }
0xc: {  	[smem:$0x3FB0] =	sst s4  }
0xd: {  	[smem:$0x3FB1] =	sst s5  }
0xe: {  	[smem:$0x3FB2] =	sst s6  }
0xf: {  	[smem:$0x3FB3] =	sst s7  }
0x10: {  	[smem:$0x3FB4] =	sst s8  }
0x11: {  	[smem:$0x3FB5] =	sst s9;
	s0 =	simm.s32 @!p0 $0x0  }
0x12: {  	s1 =	sld [smem:$0x3F9B];
	s0 =	simm.s32 @p0 $0x1  }
0x13: {  	[smem:$0x3FB6] =	sst s0;
	s0 =	simm.s32 @!p1 $0x0  }
0x14: {  	s2 =	sld [smem:$0x3F9A];
	s0 =	simm.s32 @p1 $0x1  }
0x15: {  	[smem:$0x3FB7] =	sst s0;
	s0 =	simm.s32 @!p2 $0x0  }
0x16: {  	s3 =	sld [smem:$0x3FDB];
	s0 =	simm.s32 @p2 $0x1  }
0x17: {  	s4 =	simm.s32 $0x1BF5;
	[smem:$0x3FB9] =	sst s0  }
0x18: {  	s0 =	sld [smem:$0x3F9C];
	_ =	swait.ge [sflag:s4], $0x0  }
0x19: {  	s7 =	sld [smem:$0x3F9D]  }
0x1a: {  	s8 =	sadd.s32 $0xFFFFE003, lr  }
0x1b: {  	s9 =	sadd.s32 $0xFFFFFEF7, lr;
	s5 =	simm.s32 $0xFFFFFFFF;
	p2 =	slt.u32 s8, $0xFFFFF086  }
0x1c: {  	p1 =	slt.u32 s9, $0xF7A;
	s5 =	simm.s32 @!p2 $0x0  }
0x1d: {  	s5 =	simm.s32 @p1 $0x1;
	p0 =	seq.s32 s7, s2  }
0x1e: {  	s7 =	smul.u32 @!p0 $0xF7A, s2;
	p2 =	seq.s32 @!p0 s5, $0x0  }
0x1f: {  	s9 =	smul.u32 $0xF7A, s1;
	s8 =	simm.s32 @!p0 $0x1BF5;
	p2 =	por !p2, p0  }
0x20: {  	[sflag:s8] =	ssyncset.s32 @!p0 $0xFFFFF086;
	s6 =	sadd.s32 @!p0 s3, s7;
	s7 =	simm.s32 @!p0 $0x108  }
0x21: {  	s3 =	sadd.s32 s3, s9;
	s6 =	sadd.s32 @!p0 $0x88, s6;
	s7 =	simm.s32 @p2 $0x1082  }
0x22: {  	[simem:s7], [sflag:s8] =	dma.local @!p0 [hbm:s6], $0xF7A  }
0x23: {  	s9 =	sor.u32 $0xD0000000, s2;
	s6 =	simm.s32 $0x108;
	_ =	swait.ge @!p0 [sflag:s8], $0x0  }
0x24: {  	s3 =	sadd.s32 $0x88, s3;
	s6 =	simm.s32 @!p1 $0x1082;
	[sflag:s4] =	ssyncset.s32 $0xFFFFF086  }
0x25: {  	[simem:s6], [sflag:s4] =	dma.local [hbm:s3], $0xF7A  }
0x26: {  	[smem:$0x3F9D] =	sst s1;
	(tag) =	ssettag s2;
	_ =	strace s9  }
0x27: {  	s1 =	sld [smem:$0x3FAD]  }
0x28: {  	s2 =	sld [smem:$0x3FAE]  }
0x29: {  	s4 =	sld [smem:$0x3FB0]  }
0x2a: {  	p0 =	seq.s32 s5, $0x0;
	s5 =	sld [smem:$0x3FB1]  }
0x2b: {  	s6 =	sld [smem:$0x3FB2]  }
0x2c: {  	s7 =	sld [smem:$0x3FB3]  }
0x2d: {  	s3 =	simm.s32 $0x108;
	s8 =	sld [smem:$0x3FB4]  }
0x2e: {  	s3 =	simm.s32 @!p0 $0x1082;
	s9 =	sld [smem:$0x3FB5]  }
0x2f: {  	lr =	sadd.s32 s0, s3;
	s0 =	sld [smem:$0x3FAC]  }
0x30: {  	s3 =	sld [smem:$0x3FAF]  }
0x31: {  	[smem:$0x3FB8] =	sst s10  }
0x32: {  	s10 =	sld [smem:$0x3FB6];
	_ =	sdelay $0x3  }
0x33: {  	p0 =	seq.s32 s10, $0x1;
	s10 =	sld [smem:$0x3FB8];
	_ =	sdelay $0x3  }
0x34: {  	[smem:$0x3FB8] =	sst s10  }
0x35: {  	s10 =	sld [smem:$0x3FB7];
	_ =	sdelay $0x3  }
0x36: {  	p1 =	seq.s32 s10, $0x1;
	s10 =	sld [smem:$0x3FB8];
	_ =	sdelay $0x3  }
0x37: {  	[smem:$0x3FB8] =	sst s10  }
0x38: {  	s10 =	sld [smem:$0x3FB9]  }
0x39: {  	_ = 	snop;
	(pc) =	sbr.ind lr, $3  }
0x3a: {  	_ = 	snop  }
0x3b: {  	_ = 	snop  }
0x3c: {  	p2 =	seq.s32 s10, $0x1;
	s10 =	sld [smem:$0x3FB8]  }
0x3d: {  	_ =	shalt  }
0x3e: {  	_ =	shalt  }
0x3f: {  	_ =	shalt  }
0x40: {  	_ =	shalt  }
0x41: {  	_ =	shalt  }
0x42: {  	_ =	shalt  }
0x43: {  	_ =	shalt  }
0x44: {  	_ =	shalt  }
0x45: {  	_ =	shalt  }
0x46: {  	_ =	shalt  }
0x47: {  	_ =	shalt  }
0x48: {  	_ =	shalt  }
0x49: {  	_ =	shalt  }
0x4a: {  	_ =	shalt  }
0x4b: {  	_ =	shalt  }
0x4c: {  	_ =	shalt  }
0x4d: {  	_ =	shalt  }
0x4e: {  	_ =	shalt  }
0x4f: {  	_ =	shalt  }
0x50: {  	_ =	shalt  }
0x51: {  	_ =	shalt  }
0x52: {  	_ =	shalt  }
0x53: {  	_ =	shalt  }
0x54: {  	_ =	shalt  }
0x55: {  	_ =	shalt  }
0x56: {  	_ =	shalt  }
0x57: {  	_ =	shalt  }
0x58: {  	_ =	shalt  }
0x59: {  	_ =	shalt  }
0x5a: {  	_ =	shalt  }
0x5b: {  	_ =	shalt  }
0x5c: {  	_ =	shalt  }
0x5d: {  	_ =	shalt  }
0x5e: {  	_ =	shalt  }
0x5f: {  	_ =	shalt  }
0x60: {  	_ =	shalt  }
0x61: {  	_ =	shalt  }
0x62: {  	_ =	shalt  }
0x63: {  	_ =	shalt  }
0x64: {  	_ =	shalt  }
0x65: {  	_ =	shalt  }
0x66: {  	_ =	shalt  }
0x67: {  	_ =	shalt  }
0x68: {  	_ =	shalt  }
0x69: {  	_ =	shalt  }
0x6a: {  	_ =	shalt  }
0x6b: {  	_ =	shalt  }
0x6c: {  	_ =	shalt  }
0x6d: {  	_ =	shalt  }
0x6e: {  	_ =	shalt  }
0x6f: {  	_ =	shalt  }
0x70: {  	_ =	shalt  }
0x71: {  	_ =	shalt  }
0x72: {  	_ =	shalt  }
0x73: {  	_ =	shalt  }
0x74: {  	_ =	shalt  }
0x75: {  	_ =	shalt  }
0x76: {  	_ =	shalt  }
0x77: {  	_ =	shalt  }
0x78: {  	_ =	shalt  }
0x79: {  	_ =	shalt  }
0x7a: {  	_ =	shalt  }
0x7b: {  	_ =	shalt  }
0x7c: {  	_ =	shalt  }
0x7d: {  	_ =	shalt  }
0x7e: {  	_ =	shalt  }
0x7f: {  	_ =	shalt  }
0x80: {  	_ =	shalt  }
0x81: {  	_ =	shalt  }
0x82: {  	_ =	shalt  }
0x83: {  	_ =	shalt  }
0x84: {  	_ =	shalt  }
0x85: {  	_ =	shalt  }
0x86: {  	_ =	shalt  }
0x87: {  	_ =	shalt  }
.Lfunc_end0:
.L_simem_size_0:
called_computation.1_lowered:
.L_overlay_start_0:
0x88: {  	s2 =	sld [smem:$0x3FD9]  }
0x89: {  	s3 =	sld [smem:$0x3FFE];
	_ =	sdelay $0x1  }
0x8a: {  	s1 =	srdreg.scid  }
0x8b: {  	s0 =	sand.u32 $0x1, s1  }
0x8c: {  	s17 =	sshll.u32 s0, $0xA;
	s2 =	sadd.s32 s3, s2  }
0x8d: {  	s2 =	sadd.s32 s2, s17  }
0x8e: {  	[smem:$0x3FC4] =	sst s2  }
0x8f: {  	_ = 	snop  }
0x90: {  	s2 =	sld [smem:$0x3FD0];
	(tm) =	ssettm $0x1  }
0x91: {  	s18 =	sld [smem:$0x3FFB];
	_ =	sdelay $0x3  }
0x92: {  	_ =	strace s18  }
0x93: {  	s3 =	sld [smem:$0x3FFC];
	_ =	sdelay $0x3  }
0x94: {  	_ =	strace s3  }
0x95: {  	s3 =	sld [smem:$0x3FFD];
	_ =	sdelay $0x3  }
0x96: {  	_ =	strace s3  }
0x97: {  	_ =	strace $0x8FFFFFFF  }
0x98: {  	s19 =	sld [smem:$0x3FDB];
	_ =	sdelay $0x1  }
0x99: {  	s4 =	simm.s32 $_scs_section_size  }
0x9a: {  	s5 =	simm.s32 $_size__tile_overlayer_lowered;
	s6 =	simm.s32 $_tile_overlayer_lowered  }
0x9b: {  	s22 =	simm.s32 $0x1BFF;
	s21 =	sshll.u32 s6, $0x1;
	s3 =	sadd.s32 s4, s19  }
0x9c: {  	s7 =	simm.s32 $0x0;
	s20 =	sshll.u32 s5, $0x1;
	s5 =	sadd.s32 s21, s3  }
0x9d: {  	[timem:s7], [sflag:s22] =	dma.local [hbm:s5], s20  }
0x9e: {  	_ =	swait.ge [sflag:s22], s20  }
0x9f: {  	s4 =	ssub.s32 $0x0, s20;
	[sflag:s22] =	ssyncset.done $0x0  }
0xa0: {  	[sflag:s22] =	ssyncadd.s32 s4;
	_ =	sdelay $0x1  }
0xa1: {  	s23 =	simm.s32 $0x1B8B  }
0xa2: {  	_ =	swait.ge [sflag:s23], $0x1  }
0xa3: {  	[sflag:s23] =	ssyncset.done $0x0  }
0xa4: {  	s25 =	simm.s32 $0x1B8E;
	s24 =	sld [smem:$0x3FFE];
	[sflag:s23] =	ssyncadd.s32 $0xFFFFFFFF  }
0xa5: {  	s26 =	simm.s32 $execute0_lowered;
	[smem:$0x3FD2] =	sst s25  }
0xa6: {  	s5 =	sshll.u32 s26, $0x1;
	_ =	strace $0x80000049;
	[dreg:$0x1] =	wrdreg $0xFFFFFFFF  }
0xa7: {  	s28 =	simm.s32 $_size_execute0_lowered;
	s3 =	sadd.s32 s3, s5;
	[dreg:$0x0] =	wrdreg $0x0  }
0xa8: {  	s5 =	sshll.u32 s28, $0x1;
	[dreg:$0x2] =	wrdreg s3  }
0xa9: {  	[dreg:$0x3] =	wrdreg s5  }
0xaa: {  	[dreg:$0x4] =	wrdreg $0xC0  }
0xab: {  	_ =	task [dreg:s7], $0x5FFFF  }
0xac: {  	[dreg:$0x1] =	wrdreg $0xFFFFFFFF  }
0xad: {  	[dreg:$0x0] =	wrdreg $0x60  }
0xae: {  	[dreg:$0x2] =	wrdreg s2  }
0xaf: {  	[dreg:$0x3] =	wrdreg s24  }
0xb0: {  	[dreg:$0x4] =	wrdreg $0xA0000  }
0xb1: {  	[dreg:$0x5] =	wrdreg $0x140000  }
0xb2: {  	[dreg:$0x6] =	wrdreg $0x9  }
0xb3: {  	_ =	task.clear_ibuf [dreg:s7], $0x7FFFF;
	_ =	strace $0x90000049  }
0xb4: {  	s29 =	simm.s32 $0x9;
	_ =	strace $0x8000004B  }
0xb5: {  	_ =	swait.ge [sflag:s29], $0x1  }
0xb6: {  	[sflag:s29] =	ssyncadd.s32 $0xFFFFFFFF  }
0xb7: {  	_ =	strace $0x9000004B  }
0xb8: {  	_ =	sfence  }
0xb9: {  	s30 =	sld [smem:$0x0];
	_ =	sdelay $0x2  }
0xba: {  	s31 =	sshll.u32 s1, $0xD;
	s1 =	sshrl.u32 s1, $0x2  }
0xbb: {  	s3 =	sand.u32 $0x4000, s31;
	s1 =	sadd.s32 s1, s30  }
0xbc: {  	s0 =	sor.u32 s3, s0;
	s1 =	sshll.u32 s1, $0x11  }
0xbd: {  	s0 =	sor.u32 s1, s0  }
0xbe: {  	s0 =	sadd.s32 $0x8F2B, s0  }
0xbf: {  	[sflag:s0] =	ssyncadd.remote.s32 $0x1  }
0xc0: {  	_ =	sfence.sel $0xFFFF  }
0xc1: {  	[dreg:$0x0] =	wrdreg $0xFFFFFFFF;
	(pc) =	sbr.abs _section_cstart, $3  }
0xc2: {  	[dreg:$0x1] =	wrdreg $0xFFFFFFFF  }
0xc3: {  	_ =	task.clear_ibuf [dreg:s7], $0x2FFFF;
	_ =	strace $0x9FFFFFFF  }
0xc4: {  	(tm) =	ssettm $0x7FFFFFFF  }
0xc5: {  	_ =	shalt  }
tec
execute0_lowered:
.L_overlay_start_1:
0x0: {  	(tag) =	ssettag $0x1  }
0x1: {  	s0 =	rddreg [dreg:$0x0]  }
0x2: {  	s1 =	rddreg [dreg:$0x1]  }
0x3: {  	s2 =	rddreg [dreg:$0x2]  }
0x4: {  	s3 =	rddreg [dreg:$0x3];
	s4 =	stileid.u32  }
0x5: {  	s6 =	srdreg.scid;
	s9 =	simm.s32 $0x0;
	s28 =	simm.s32 $0x1  }
0x6: {  	s29 =	simm.s32 $0x6000;
	s30 =	simm.s32 $0x2;
	s5 =	smul.u32 $0xA00, s4  }
0x7: {  	s31 =	simm.s32 $0x8000;
	s7 =	sand.u32 $0x1, s6;
	s8 =	smul.u32 $0xA000, s4  }
0x8: {  	[smem:$0x7FF] =	sst s9;
	s9 =	sadd.s32 $0x65E00, s1;
	s10 =	smul.u32 $0x28000, s4  }
0x9: {  	s11 =	sadd.s32 $0xB000, s1;
	s25 =	sshll.u32 s4, $0x6;
	s6 =	smul.u32 $0xA0000, s7  }
0xa: {  	_ =	strace $0x8000004A;
	[dreg:$0x5] =	wrdreg s11;
	s17 =	ssub.s32 $0x2, s7  }
0xb: {  	p0 =	seq.s32 s7, $0x1;
	s7 =	simm.s32 $0x7;
	s5 =	sadd.s32 s5, s1  }
0xc: {  	s18 =	sshrl.u32 s17, $0x1;
	s10 =	sshrl.u32 s10, $0x2;
	s21 =	sadd.s32 s8, s3  }
0xd: {  	s0 =	smov.u32 @p0 s9;
	s9 =	simm.s32 $0x0;
	s6 =	sadd.s32 s8, s6  }
0xe: {  	s11 =	ssub.s32 s17, s18;
	s10 =	sadd.s32 s10, s2;
	s22 =	sadd.s32 $0xBE00, s5  }
0xf: {  	s23 =	sadd.s32 $0x1000, s5;
	s16 =	sadd.s32 $0x1100, s5;
	s17 =	sadd.s32 $0xBF00, s5  }
0x10: {  	s18 =	simm.s32 $0x2000;
	s26 =	sshrl.u32 s21, $0x3;
	[dreg:$0xa] =	wrdreg s22  }
0x11: {  	s5 =	simm.s32 $0x6;
	s6 =	sshrl.u32 s6, $0x3;
	[dreg:$0xb] =	wrdreg s23  }
0x12: {  	s12 =	sadd.s32 $0x2000, s10;
	s19 =	sadd.s32 $0x4000, s10;
	[dreg:$0xf] =	wrdreg s26  }
0x13: {  	s20 =	sadd.s32 $0x6000, s10;
	s10 =	sadd.s32 $0x8000, s10;
	[dreg:$0x6] =	wrdreg s12  }
0x14: {  	s24 =	smax.u32 s11, $0x1;
	s26 =	simm.s32 $0x4000;
	[dreg:$0x7] =	wrdreg s19  }
0x15: {  	s22 =	simm.s32 $0x4;
	s1 =	sadd.s32 s6, s1;
	[dreg:$0x8] =	wrdreg s20  }
.Ltmp0:
0x16: {  	s6 =	sadd.s32 s8, s2;
	[dreg:$0x9] =	wrdreg s10;
	(pc) =	sbr.rel .LBB2_1-.Ltmp0, $4  }
0x17: {  	s8 =	sshrl.u32 s8, $0x3;
	[dreg:$0xd] =	wrdreg s24;
	s19 =	simm.s32 $0xD  }
0x18: {  	s20 =	sor.u32 $0x1C0D, s25;
	s25 =	simm.s32 $0x80;
	s1 =	sadd.s32 $0x79E00, s1  }
0x19: {  	s0 =	sadd.s32 s0, s8;
	s8 =	simm.s32 $0x8;
	[dreg:$0xc] =	wrdreg s1  }
0x1a: {  	[dreg:$0xe] =	wrdreg s0;
	s0 =	simm.s32 $0x3;
	s1 =	simm.s32 $0x5  }
.LBB2_3:
0x1b: {  	_ =	swait.ge [sflag:s22], $0x2000  }
0x1c: {  	[sflag:s22] =	ssyncset.done $0x0  }
0x1d: {  	s4 =	sor.u32 $0x1000, s15;
	[sflag:s22] =	ssyncadd.s32 $0xFFFFE000  }
0x1e: {  	[spmem:s2] =	stream.indirect.scatter.add.f32 [tilespmem:s31], [sflag:$0x8], $0x40, s4, s25, $0xb8;
	[tilespmem:$0x1E000] =	vst v63  }
0x1f: {  	_ =	swait.ge [sflag:s5], $0x2000  }
0x20: {  	[sflag:s5] =	ssyncset.done $0x0  }
0x21: {  	[sflag:s5] =	ssyncadd.s32 $0xFFFFE000  }
.LBB2_5:
0x22: {  	_ =	swait.ge [sflag:s7], $0x2000  }
0x23: {  	[sflag:s7] =	ssyncset.done $0x0  }
0x24: {  	[sflag:s7] =	ssyncadd.s32 $0xFFFFE000  }
0x25: {  	_ =	swait.ge [sflag:s8], $0x2000  }
0x26: {  	[sflag:s8] =	ssyncset.done $0x0  }
0x27: {  	[sflag:s8] =	ssyncadd.s32 $0xFFFFE000  }
0x28: {  	[bflag:$0x0] =	sbarrier.arrive $0xFFFF  }
0x29: {  	s4 =	sshrl.u32 s6, $0x3;
	s10 =	rddreg [dreg:$0xc]  }
0x2a: {  	[hbm:s10], [sflag:s20] =	dma.local [spmem:s4], $0x1400  }
0x2b: {  	_ =	swait.ge [sflag:s19], $0x1400  }
0x2c: {  	s9 =	sadd.s32 $0x1, s9;
	s24 =	rddreg [dreg:$0xd]  }
0x2d: {  	p0 =	sne.s32 s9, s24  }
.Ltmp1:
0x2e: {  	_ = 	snop;
	(pc) =	sbr.rel @!p0 .LBB2_6-.Ltmp1, $3  }
0x2f: {  	_ =	sdelay $0x1  }
0x30: {  	[sflag:s19] =	ssyncset.done $0x0  }
0x31: {  	[sflag:s19] =	ssyncadd.s32 $0xFFFFEC00  }
.LBB2_1:
0x32: {  	s4 =	simm.s32 $0x0;
	s10 =	rddreg [dreg:$0x5]  }
0x33: {  	[tilespmem:s18], [sflag:$0xD] =	stream.linear.gather [hbm4b:s10+s4], $0x2000, $0x38;
	[tilespmem:$0x1E000] =	vst v63  }
0x34: {  	_ =	swait.ge [sflag:s19], $0x2000  }
0x35: {  	[sflag:s19] =	ssyncset.done $0x0  }
0x36: {  	[sflag:s19] =	ssyncadd.s32 $0xFFFFE000  }
0x37: {  	[spmem:s6] =	stream.linear.scatter [tilespmem:s18], [sflag:$0xD], $0x2000, $0x38;
	[tilespmem:$0x1E000] =	vst v63  }
0x38: {  	_ =	swait.ge [sflag:s19], $0x2000  }
0x39: {  	[sflag:s19] =	ssyncset.done $0x0  }
0x3a: {  	s23 =	rddreg [dreg:$0x6];
	[sflag:s19] =	ssyncadd.s32 $0xFFFFE000  }
0x3b: {  	[spmem:s23] =	stream.linear.scatter [tilespmem:s18], [sflag:$0xD], $0x2000, $0x38;
	[tilespmem:$0x1E000] =	vst v63  }
0x3c: {  	_ =	swait.ge [sflag:s19], $0x2000  }
0x3d: {  	[sflag:s19] =	ssyncset.done $0x0  }
0x3e: {  	s24 =	rddreg [dreg:$0x7];
	[sflag:s19] =	ssyncadd.s32 $0xFFFFE000  }
0x3f: {  	[spmem:s24] =	stream.linear.scatter [tilespmem:s18], [sflag:$0xD], $0x2000, $0x38;
	[tilespmem:$0x1E000] =	vst v63  }
0x40: {  	_ =	swait.ge [sflag:s19], $0x2000  }
0x41: {  	[sflag:s19] =	ssyncset.done $0x0  }
0x42: {  	s11 =	rddreg [dreg:$0x8];
	[sflag:s19] =	ssyncadd.s32 $0xFFFFE000  }
0x43: {  	[spmem:s11] =	stream.linear.scatter [tilespmem:s18], [sflag:$0xD], $0x2000, $0x38;
	[tilespmem:$0x1E000] =	vst v63  }
0x44: {  	_ =	swait.ge [sflag:s19], $0x2000  }
0x45: {  	[sflag:s19] =	ssyncset.done $0x0  }
0x46: {  	s12 =	rddreg [dreg:$0x9];
	[sflag:s19] =	ssyncadd.s32 $0xFFFFE000  }
0x47: {  	[spmem:s12] =	stream.linear.scatter [tilespmem:s18], [sflag:$0xD], $0x2000, $0x38;
	[tilespmem:$0x1E000] =	vst v63  }
0x48: {  	_ =	swait.ge [sflag:s19], $0x2000  }
0x49: {  	[sflag:s19] =	ssyncset.done $0x0;
	s13 =	rddreg [dreg:$0xe]  }
0x4a: {  	s11 =	rddreg [dreg:$0xf];
	[sflag:s19] =	ssyncadd.s32 $0xFFFFE000  }
0x4b: {  	[spmem:s11], [sflag:s20] =	dma.local [hbm:s13], $0x1400  }
0x4c: {  	_ =	swait.ge [sflag:s19], $0x1400  }
0x4d: {  	[sflag:s19] =	ssyncset.done $0x0  }
0x4e: {  	[sflag:s19] =	ssyncadd.s32 $0xFFFFEC00  }
0x4f: {  	[bflag:$0x0] =	sbarrier.arrive $0xFFFF  }
0x50: {  	s14 =	rddreg [dreg:$0xa]  }
0x51: {  	[tilespmem:s4], [sflag:$0x9] =	stream.linear.gather [hbm4b:s14+s4], $0x800, $0x38;
	[tilespmem:$0x1E000] =	vst v63  }
0x52: {  	s21 =	simm.s32 $0x1000;
	s23 =	simm.s32 $0x9;
	s15 =	rddreg [dreg:$0xb]  }
0x53: {  	[tilespmem:s21], [sflag:$0xB] =	stream.linear.gather [hbm4b:s15+s4], $0x800, $0x38;
	[tilespmem:$0x1E000] =	vst v63  }
0x54: {  	_ =	swait.ge [sflag:s23], $0x800  }
0x55: {  	[sflag:s23] =	ssyncset.done $0x0  }
0x56: {  	s24 =	simm.s32 $0xB;
	[sflag:s23] =	ssyncadd.s32 $0xFFFFF800  }
0x57: {  	_ =	swait.ge [sflag:s24], $0x800  }
0x58: {  	[sflag:s24] =	ssyncset.done $0x0  }
0x59: {  	[sflag:s24] =	ssyncadd.s32 $0xFFFFF800  }
0x5a: {  	[tilespmem:s18], [sflag:$0x1] =	stream.indirect.gather [spmem:s3], $0x40, s4, s25, $0xb8;
	[tilespmem:$0x1E000] =	vst v63  }
0x5b: {  	s10 =	simm.s32 $0x0;
	s12 =	simm.s32 $0x0;
	s11 =	simm.s32 $0x1  }
0x5c: {  	[tilespmem:s26], [sflag:$0x2] =	stream.indirect.gather [spmem:s3], $0x40, s25, s25, $0xb8;
	[tilespmem:$0x1E000] =	vst v63  }
.LBB2_2:
0x5d: {  	_ =	swait.ge [sflag:s28], $0x2000  }
0x5e: {  	s13 =	sand.u32 $0x800, s10;
	[sflag:s28] =	ssyncset.done $0x0  }
0x5f: {  	p0 =	seq.s32 s12, $0x0;
	s14 =	sor.u32 $0x1000, s13;
	[sflag:s28] =	ssyncadd.s32 $0xFFFFE000  }
0x60: {  	[spmem:s2] =	stream.indirect.scatter.add.f32 [tilespmem:s18], [sflag:$0x5], $0x40, s14, s25, $0xb8;
	[tilespmem:$0x1E000] =	vst v63  }
0x61: {  	s14 =	simm.s32 @!p0 $0x7  }
0x62: {  	_ =	swait.ge @!p0 [sflag:s14], $0x2000  }
0x63: {  	[sflag:s14] =	ssyncset.done @!p0 $0x0  }
0x64: {  	s4 =	sor.u32 $0x100, s13;
	[sflag:s14] =	ssyncadd.s32 @!p0 $0xFFFFE000  }
0x65: {  	[tilespmem:s29], [sflag:$0x3] =	stream.indirect.gather [spmem:s3], $0x40, s4, s25, $0xb8;
	[tilespmem:$0x1E000] =	vst v63  }
0x66: {  	_ =	swait.ge [sflag:s30], $0x2000  }
0x67: {  	[sflag:s30] =	ssyncset.done $0x0  }
0x68: {  	s15 =	sadd.s32 $0x1080, s13;
	[sflag:s30] =	ssyncadd.s32 $0xFFFFE000  }
0x69: {  	[spmem:s2] =	stream.indirect.scatter.add.f32 [tilespmem:s26], [sflag:$0x6], $0x40, s15, s25, $0xb8;
	[tilespmem:$0x1E000] =	vst v63  }
0x6a: {  	s15 =	simm.s32 @!p0 $0x8  }
0x6b: {  	_ =	swait.ge @!p0 [sflag:s15], $0x2000  }
0x6c: {  	[sflag:s15] =	ssyncset.done @!p0 $0x0  }
0x6d: {  	[sflag:s15] =	ssyncadd.s32 @!p0 $0xFFFFE000;
	s15 =	sor.u32 $0x180, s13  }
0x6e: {  	[tilespmem:s31], [sflag:$0x4] =	stream.indirect.gather [spmem:s3], $0x40, s15, s25, $0xb8;
	[tilespmem:$0x1E000] =	vst v63  }
0x6f: {  	_ =	swait.ge [sflag:s0], $0x2000  }
0x70: {  	[sflag:s0] =	ssyncset.done $0x0  }
0x71: {  	s14 =	sor.u32 $0x1000, s4;
	p0 =	seq.s32 s12, $0x900;
	[sflag:s0] =	ssyncadd.s32 $0xFFFFE000  }
0x72: {  	[spmem:s2] =	stream.indirect.scatter.add.f32 [tilespmem:s29], [sflag:$0x7], $0x40, s14, s25, $0xb8;
	[tilespmem:$0x1E000] =	vst v63  }
0x73: {  	s24 =	sadd.s32 @!p0 s12, s17;
	_ =	swait.ge [sflag:s1], $0x2000  }
0x74: {  	s4 =	simm.s32 @!p0 $0x0;
	s14 =	sand.u32 $0x1, s11;
	[sflag:s1] =	ssyncset.done $0x0  }
0x75: {  	s21 =	sshll.u32 @!p0 s14, $0xB;
	s23 =	sadd.s32 @!p0 $0x9, s14;
	[sflag:s1] =	ssyncadd.s32 $0xFFFFE000  }
0x76: {  	[tilespmem:s21], [sflag:s23] =	stream.linear.gather @!p0 [hbm4b:s24+s4], $0x800, $0x38;
	[tilespmem:$0x1E000] =	vst v63  }
0x77: {  	s21 =	sor.u32 @!p0 $0x1000, s21;
	s23 =	sadd.s32 @!p0 $0xB, s14;
	s24 =	sadd.s32 @!p0 s12, s16  }
0x78: {  	[tilespmem:s21], [sflag:s23] =	stream.linear.gather @!p0 [hbm4b:s24+s4], $0x800, $0x38;
	[tilespmem:$0x1E000] =	vst v63  }
0x79: {  	s21 =	sor.u32 $0x200, s13  }
0x7a: {  	[tilespmem:s18], [sflag:$0x1] =	stream.indirect.gather [spmem:s3], $0x40, s21, s25, $0xb8;
	[tilespmem:$0x1E000] =	vst v63  }
0x7b: {  	_ =	swait.ge [sflag:s22], $0x2000  }
0x7c: {  	[sflag:s22] =	ssyncset.done $0x0  }
0x7d: {  	s23 =	sor.u32 $0x1000, s15;
	[sflag:s22] =	ssyncadd.s32 $0xFFFFE000  }
0x7e: {  	[spmem:s2] =	stream.indirect.scatter.add.f32 [tilespmem:s31], [sflag:$0x8], $0x40, s23, s25, $0xb8;
	[tilespmem:$0x1E000] =	vst v63  }
0x7f: {  	_ =	swait.ge [sflag:s5], $0x2000  }
0x80: {  	[sflag:s5] =	ssyncset.done $0x0  }
0x81: {  	s24 =	sor.u32 $0x280, s13;
	[sflag:s5] =	ssyncadd.s32 $0xFFFFE000  }
0x82: {  	[tilespmem:s26], [sflag:$0x2] =	stream.indirect.gather [spmem:s3], $0x40, s24, s25, $0xb8;
	[tilespmem:$0x1E000] =	vst v63  }
0x83: {  	_ =	swait.ge [sflag:s28], $0x2000  }
0x84: {  	[sflag:s28] =	ssyncset.done $0x0  }
0x85: {  	s15 =	sor.u32 $0x1200, s13;
	[sflag:s28] =	ssyncadd.s32 $0xFFFFE000  }
0x86: {  	[spmem:s2] =	stream.indirect.scatter.add.f32 [tilespmem:s18], [sflag:$0x5], $0x40, s15, s25, $0xb8;
	[tilespmem:$0x1E000] =	vst v63  }
0x87: {  	_ =	swait.ge [sflag:s7], $0x2000  }
0x88: {  	[sflag:s7] =	ssyncset.done $0x0  }
0x89: {  	s21 =	sor.u32 $0x300, s13;
	[sflag:s7] =	ssyncadd.s32 $0xFFFFE000  }
0x8a: {  	[tilespmem:s29], [sflag:$0x3] =	stream.indirect.gather [spmem:s3], $0x40, s21, s25, $0xb8;
	[tilespmem:$0x1E000] =	vst v63  }
0x8b: {  	_ =	swait.ge [sflag:s30], $0x2000  }
0x8c: {  	[sflag:s30] =	ssyncset.done $0x0  }
0x8d: {  	s23 =	sor.u32 $0x1280, s13;
	[sflag:s30] =	ssyncadd.s32 $0xFFFFE000  }
0x8e: {  	[spmem:s2] =	stream.indirect.scatter.add.f32 [tilespmem:s26], [sflag:$0x6], $0x40, s23, s25, $0xb8;
	[tilespmem:$0x1E000] =	vst v63  }
0x8f: {  	_ =	swait.ge [sflag:s8], $0x2000  }
0x90: {  	[sflag:s8] =	ssyncset.done $0x0  }
0x91: {  	s24 =	sor.u32 $0x380, s13;
	[sflag:s8] =	ssyncadd.s32 $0xFFFFE000  }
0x92: {  	[tilespmem:s31], [sflag:$0x4] =	stream.indirect.gather [spmem:s3], $0x40, s24, s25, $0xb8;
	[tilespmem:$0x1E000] =	vst v63  }
0x93: {  	_ =	swait.ge [sflag:s0], $0x2000  }
0x94: {  	[sflag:s0] =	ssyncset.done $0x0  }
0x95: {  	s15 =	sor.u32 $0x1300, s13;
	[sflag:s0] =	ssyncadd.s32 $0xFFFFE000  }
0x96: {  	[spmem:s2] =	stream.indirect.scatter.add.f32 [tilespmem:s29], [sflag:$0x7], $0x40, s15, s25, $0xb8;
	[tilespmem:$0x1E000] =	vst v63  }
0x97: {  	_ =	swait.ge [sflag:s1], $0x2000  }
0x98: {  	[sflag:s1] =	ssyncset.done $0x0  }
0x99: {  	s21 =	sor.u32 $0x400, s13;
	[sflag:s1] =	ssyncadd.s32 $0xFFFFE000  }
0x9a: {  	[tilespmem:s18], [sflag:$0x1] =	stream.indirect.gather [spmem:s3], $0x40, s21, s25, $0xb8;
	[tilespmem:$0x1E000] =	vst v63  }
0x9b: {  	_ =	swait.ge [sflag:s22], $0x2000  }
0x9c: {  	[sflag:s22] =	ssyncset.done $0x0  }
0x9d: {  	s23 =	sor.u32 $0x1380, s13;
	[sflag:s22] =	ssyncadd.s32 $0xFFFFE000  }
0x9e: {  	[spmem:s2] =	stream.indirect.scatter.add.f32 [tilespmem:s31], [sflag:$0x8], $0x40, s23, s25, $0xb8;
	[tilespmem:$0x1E000] =	vst v63  }
0x9f: {  	_ =	swait.ge [sflag:s5], $0x2000  }
0xa0: {  	[sflag:s5] =	ssyncset.done $0x0  }
0xa1: {  	s24 =	sor.u32 $0x480, s13;
	[sflag:s5] =	ssyncadd.s32 $0xFFFFE000  }
0xa2: {  	[tilespmem:s26], [sflag:$0x2] =	stream.indirect.gather [spmem:s3], $0x40, s24, s25, $0xb8;
	[tilespmem:$0x1E000] =	vst v63  }
0xa3: {  	_ =	swait.ge [sflag:s28], $0x2000  }
0xa4: {  	[sflag:s28] =	ssyncset.done $0x0  }
0xa5: {  	s15 =	sor.u32 $0x1400, s13;
	[sflag:s28] =	ssyncadd.s32 $0xFFFFE000  }
0xa6: {  	[spmem:s2] =	stream.indirect.scatter.add.f32 [tilespmem:s18], [sflag:$0x5], $0x40, s15, s25, $0xb8;
	[tilespmem:$0x1E000] =	vst v63  }
0xa7: {  	_ =	swait.ge [sflag:s7], $0x2000  }
0xa8: {  	[sflag:s7] =	ssyncset.done $0x0  }
0xa9: {  	s21 =	sor.u32 $0x500, s13;
	[sflag:s7] =	ssyncadd.s32 $0xFFFFE000  }
0xaa: {  	[tilespmem:s29], [sflag:$0x3] =	stream.indirect.gather [spmem:s3], $0x40, s21, s25, $0xb8;
	[tilespmem:$0x1E000] =	vst v63  }
0xab: {  	_ =	swait.ge [sflag:s30], $0x2000  }
0xac: {  	[sflag:s30] =	ssyncset.done $0x0  }
0xad: {  	s23 =	sor.u32 $0x1480, s13;
	[sflag:s30] =	ssyncadd.s32 $0xFFFFE000  }
0xae: {  	[spmem:s2] =	stream.indirect.scatter.add.f32 [tilespmem:s26], [sflag:$0x6], $0x40, s23, s25, $0xb8;
	[tilespmem:$0x1E000] =	vst v63  }
0xaf: {  	_ =	swait.ge [sflag:s8], $0x2000  }
0xb0: {  	[sflag:s8] =	ssyncset.done $0x0  }
0xb1: {  	s24 =	sor.u32 $0x580, s13;
	[sflag:s8] =	ssyncadd.s32 $0xFFFFE000  }
0xb2: {  	[tilespmem:s31], [sflag:$0x4] =	stream.indirect.gather [spmem:s3], $0x40, s24, s25, $0xb8;
	[tilespmem:$0x1E000] =	vst v63  }
0xb3: {  	_ =	swait.ge [sflag:s0], $0x2000  }
0xb4: {  	[sflag:s0] =	ssyncset.done $0x0  }
0xb5: {  	s15 =	sor.u32 $0x1500, s13;
	[sflag:s0] =	ssyncadd.s32 $0xFFFFE000  }
0xb6: {  	[spmem:s2] =	stream.indirect.scatter.add.f32 [tilespmem:s29], [sflag:$0x7], $0x40, s15, s25, $0xb8;
	[tilespmem:$0x1E000] =	vst v63  }
0xb7: {  	_ =	swait.ge [sflag:s1], $0x2000  }
0xb8: {  	[sflag:s1] =	ssyncset.done $0x0  }
0xb9: {  	s21 =	sor.u32 $0x600, s13;
	[sflag:s1] =	ssyncadd.s32 $0xFFFFE000  }
0xba: {  	[tilespmem:s18], [sflag:$0x1] =	stream.indirect.gather [spmem:s3], $0x40, s21, s25, $0xb8;
	[tilespmem:$0x1E000] =	vst v63  }
0xbb: {  	_ =	swait.ge [sflag:s22], $0x2000  }
0xbc: {  	[sflag:s22] =	ssyncset.done $0x0  }
0xbd: {  	s23 =	sor.u32 $0x1580, s13;
	[sflag:s22] =	ssyncadd.s32 $0xFFFFE000  }
0xbe: {  	[spmem:s2] =	stream.indirect.scatter.add.f32 [tilespmem:s31], [sflag:$0x8], $0x40, s23, s25, $0xb8;
	[tilespmem:$0x1E000] =	vst v63  }
0xbf: {  	_ =	swait.ge [sflag:s5], $0x2000  }
0xc0: {  	[sflag:s5] =	ssyncset.done $0x0  }
0xc1: {  	s24 =	sor.u32 $0x680, s13;
	[sflag:s5] =	ssyncadd.s32 $0xFFFFE000  }
0xc2: {  	[tilespmem:s26], [sflag:$0x2] =	stream.indirect.gather [spmem:s3], $0x40, s24, s25, $0xb8;
	[tilespmem:$0x1E000] =	vst v63  }
0xc3: {  	_ =	swait.ge [sflag:s28], $0x2000  }
0xc4: {  	[sflag:s28] =	ssyncset.done $0x0  }
0xc5: {  	s15 =	sor.u32 $0x1600, s13;
	[sflag:s28] =	ssyncadd.s32 $0xFFFFE000  }
0xc6: {  	[spmem:s2] =	stream.indirect.scatter.add.f32 [tilespmem:s18], [sflag:$0x5], $0x40, s15, s25, $0xb8;
	[tilespmem:$0x1E000] =	vst v63  }
0xc7: {  	_ =	swait.ge [sflag:s7], $0x2000  }
0xc8: {  	[sflag:s7] =	ssyncset.done $0x0  }
0xc9: {  	s21 =	sor.u32 $0x700, s13;
	[sflag:s7] =	ssyncadd.s32 $0xFFFFE000  }
0xca: {  	[tilespmem:s29], [sflag:$0x3] =	stream.indirect.gather [spmem:s3], $0x40, s21, s25, $0xb8;
	[tilespmem:$0x1E000] =	vst v63  }
0xcb: {  	_ =	swait.ge [sflag:s30], $0x2000  }
0xcc: {  	[sflag:s30] =	ssyncset.done $0x0  }
0xcd: {  	s23 =	sor.u32 $0x1680, s13;
	[sflag:s30] =	ssyncadd.s32 $0xFFFFE000  }
0xce: {  	[spmem:s2] =	stream.indirect.scatter.add.f32 [tilespmem:s26], [sflag:$0x6], $0x40, s23, s25, $0xb8;
	[tilespmem:$0x1E000] =	vst v63  }
0xcf: {  	_ =	swait.ge [sflag:s8], $0x2000  }
0xd0: {  	[sflag:s8] =	ssyncset.done $0x0  }
0xd1: {  	s15 =	sor.u32 $0x780, s13;
	[sflag:s8] =	ssyncadd.s32 $0xFFFFE000  }
0xd2: {  	[tilespmem:s31], [sflag:$0x4] =	stream.indirect.gather [spmem:s3], $0x40, s15, s25, $0xb8;
	[tilespmem:$0x1E000] =	vst v63  }
0xd3: {  	_ =	swait.ge [sflag:s0], $0x2000  }
0xd4: {  	p0 =	sne.s32 s12, $0x900;
	[sflag:s0] =	ssyncset.done $0x0  }
.Ltmp2:
0xd5: {  	s24 =	sor.u32 $0x1700, s13;
	[sflag:s0] =	ssyncadd.s32 $0xFFFFE000;
	(pc) =	sbr.rel @!p0 .LBB2_3-.Ltmp2, $4  }
0xd6: {  	[spmem:s2] =	stream.indirect.scatter.add.f32 [tilespmem:s29], [sflag:$0x7], $0x40, s24, s25, $0xb8;
	[tilespmem:$0x1E000] =	vst v63  }
0xd7: {  	_ =	swait.ge [sflag:s1], $0x2000  }
0xd8: {  	[sflag:s1] =	ssyncset.done $0x0  }
0xd9: {  	[sflag:s1] =	ssyncadd.s32 $0xFFFFE000  }
0xda: {  	s4 =	sadd.s32 $0x9, s14  }
0xdb: {  	_ =	swait.ge [sflag:s4], $0x800  }
0xdc: {  	[sflag:s4] =	ssyncset.done $0x0  }
0xdd: {  	s23 =	sadd.s32 $0xB, s14;
	[sflag:s4] =	ssyncadd.s32 $0xFFFFF800  }
0xde: {  	_ =	swait.ge [sflag:s23], $0x800  }
0xdf: {  	[sflag:s23] =	ssyncset.done $0x0  }
0xe0: {  	s24 =	sshll.u32 s14, $0xB;
	[sflag:s23] =	ssyncadd.s32 $0xFFFFF800  }
0xe1: {  	[tilespmem:s18], [sflag:$0x1] =	stream.indirect.gather [spmem:s3], $0x40, s24, s25, $0xb8;
	[tilespmem:$0x1E000] =	vst v63  }
0xe2: {  	_ =	swait.ge [sflag:s22], $0x2000  }
0xe3: {  	s12 =	sadd.s32 $0x100, s12;
	[sflag:s22] =	ssyncset.done $0x0  }
0xe4: {  	s13 =	sor.u32 $0x1000, s15;
	p0 =	sne.s32 s12, $0xA00;
	[sflag:s22] =	ssyncadd.s32 $0xFFFFE000  }
0xe5: {  	[spmem:s2] =	stream.indirect.scatter.add.f32 [tilespmem:s31], [sflag:$0x8], $0x40, s13, s25, $0xb8;
	[tilespmem:$0x1E000] =	vst v63  }
.Ltmp3:
0xe6: {  	_ = 	snop;
	(pc) =	sbr.rel @p0 .LBB2_2-.Ltmp3, $4  }
.Ltmp4:
0xe7: {  	_ =	swait.ge [sflag:s5], $0x2000;
	(pc) =	sbr.rel @!p0 .LBB2_5-.Ltmp4, $4  }
0xe8: {  	s11 =	sadd.s32 $0x1, s11;
	[sflag:s5] =	ssyncset.done $0x0  }
0xe9: {  	s10 =	sadd.s32 $0x800, s10;
	s4 =	sor.u32 $0x80, s24;
	[sflag:s5] =	ssyncadd.s32 $0xFFFFE000  }
0xea: {  	[tilespmem:s26], [sflag:$0x2] =	stream.indirect.gather [spmem:s3], $0x40, s4, s25, $0xb8;
	[tilespmem:$0x1E000] =	vst v63  }
0xeb: {  	_ = 	snop  }
.LBB2_6:
0xec: {  	_ =	sfence.sel $0x180000  }
0xed: {  	[bflag:$0x0] =	sbarrier.arrive $0xFFFF  }
0xee: {  	_ =	strace $0x9000004A  }
0xef: {  	s0 =	stileid.u32;
	[bflag:$0x2] =	sbarrier.arrive $0xFFFF  }
0xf0: {  	p0 =	sne.s32 s0, $0x0;
	s0 =	rddreg [dreg:$0x4]  }
0xf1: {  	s0 =	sadd.s32 @!p0 $0x100000, s0  }
0xf2: {  	[sflag:s0] =	ssyncadd.tile.s32 @!p0 $0x1;
	_ =	shalt  }
.Lfunc_end2:
_tile_overlayer_lowered:
.L_overlay_start_2:
0xf3: {  	(tag) =	ssettag $0x2  }
0xf4: {  	s0 =	rddreg [dreg:$0x0];
	s2 =	stileid.u32  }
0xf5: {  	s1 =	rddreg [dreg:$0x1];
	p0 =	sne.s32 s2, $0x0  }
0xf6: {  	s3 =	rddreg [dreg:$0x2];
	[bflag:$0x3] =	sbarrier.arrive $0xFFFF;
	s2 =	simm.s32 @!p0 $0x1C0D  }
0xf7: {  	[timem:s3], [sflag:s2] =	dma.local @!p0 [hbm:s0], s1  }
0xf8: {  	s0 =	simm.s32 @!p0 $0xD  }
0xf9: {  	_ =	swait.ge @!p0 [sflag:s0], s1  }
0xfa: {  	s1 =	ssub.s32 @!p0 $0x0, s1;
	[sflag:s0] =	ssyncset.done @!p0 $0x0  }
0xfb: {  	[sflag:s0] =	ssyncadd.s32 @!p0 s1  }
0xfc: {  	[bflag:$0x3] =	sbarrier.arrive $0xFFFF  }
0xfd: {  	_ =	shalt  }

</sc_bundles>
